<compile_context>
chip_gen: v7x
topology: tpu7x:2x2x1
jax: 0.10.2.dev20260603
libtpu: 0.0.44.dev20260713+nightly
codegen_flags: <defaults>
</compile_context>

<pallas_src>
import functools

import jax
import jax.numpy as jnp
from jax import lax
from jax.experimental import pallas as pl
from jax.experimental.pallas import tpu as pltpu
from jax.experimental.pallas import tpu_sc as plsc

B = 8
N = 2048
K = 16
_INTERPRET = False

_NW = 32
_SUB = 128
_NBUF = 4


def _leaky(v):
    return jnp.where(v >= 0, v, 0.01 * v)



def _topk_body(xt_all_ref, xt_tile_ref, x_tile_ref, idx_ref, *, rows):
    b = pl.program_id(0)
    i = pl.program_id(1)
    xt = xt_all_ref[0]
    xtt = xt_tile_ref[0]
    xrt = x_tile_ref[0]
    sq_all = jnp.sum(xt * xt, axis=0)
    sq_tile = jnp.sum(xrt * xrt, axis=1)
    cross = lax.dot_general(xtt, xt, (((0,), (0,)), ((), ())),
                            preferred_element_type=jnp.float32)
    d = (sq_tile[:, None] + sq_all[None, :]) - 2.0 * cross
    colio = lax.broadcasted_iota(jnp.int32, (rows, N), 1)
    base = b * N
    selfcol = lax.broadcasted_iota(jnp.int32, (rows, 1), 0) + (i * rows)
    d = jnp.where(colio == selfcol, jnp.inf, d)
    outs = [selfcol[:, 0] + base]
    for _ in range(K - 1):
        col = jnp.argmin(d, axis=1).astype(jnp.int32)
        outs.append(col + base)
        d = jnp.where(colio == col[:, None], jnp.inf, d)
    idx_ref[0] = jnp.stack(outs, axis=1)


def _knn_idx(xt, xf, d_pad, r=256):
    return pl.pallas_call(
        functools.partial(_topk_body, rows=r),
        grid=(B, N // r),
        in_specs=[
            pl.BlockSpec((1, d_pad, N), lambda b, i: (b, 0, 0)),
            pl.BlockSpec((1, d_pad, r), lambda b, i: (b, 0, i)),
            pl.BlockSpec((1, r, d_pad), lambda b, i: (b, i, 0)),
        ],
        out_specs=pl.BlockSpec((1, r, K), lambda b, i: (b, i, 0)),
        out_shape=jax.ShapeDtypeStruct((B, N, K), jnp.int32),
        interpret=_INTERPRET,
    )(xt, xt, xf)



def _sc_gather(table, flat_idx, d):
    m = flat_idx.shape[0]
    per_w = m // _NW
    ns = per_w // _SUB
    idx3 = flat_idx.reshape(_NW, ns, _SUB)
    mesh = plsc.VectorSubcoreMesh(core_axis_name="c", subcore_axis_name="s")

    @functools.partial(
        pl.kernel,
        out_type=jax.ShapeDtypeStruct((_NW, ns, _SUB, d), jnp.float32),
        mesh=mesh,
        scratch_types=[
            pltpu.VMEM((ns, _SUB), jnp.int32),
            pltpu.VMEM((_NBUF, _SUB, d), jnp.float32),
            [pltpu.SemaphoreType.DMA] * _NBUF,
            [pltpu.SemaphoreType.DMA] * _NBUF,
        ],
        compiler_params=pltpu.CompilerParams(use_tc_tiling_on_sc=False),
    )
    def gather_kernel(table_hbm, idx_hbm, out_hbm, idx_v, rows_v, gsem, osem):
        wid = lax.axis_index("s") * 2 + lax.axis_index("c")
        pltpu.sync_copy(idx_hbm.at[wid], idx_v)

        ng = ns // _NBUF

        def group(g, carry):
            gathers = []
            for i in range(_NBUF):
                j = g * _NBUF + i
                gathers.append(
                    pltpu.async_copy(table_hbm.at[idx_v.at[j]], rows_v.at[i],
                                     gsem[i]))
            outs = []
            for i in range(_NBUF):
                j = g * _NBUF + i
                gathers[i].wait()
                outs.append(
                    pltpu.async_copy(rows_v.at[i], out_hbm.at[wid, j],
                                     osem[i]))
            for cp in outs:
                cp.wait()
            return carry

        lax.fori_loop(0, ng, group, 0)

    return gather_kernel(table, idx3).reshape(m, d)



def _mlp1_body(nb_ref, xc_ref, wa_ref, wb_ref, b1_ref, w2_ref, b2_ref,
               w3_ref, b3_ref, out_ref, *, rn):
    ctr = (jnp.dot(xc_ref[0], wa_ref[...], preferred_element_type=jnp.float32)
           + b1_ref[...])
    h = jnp.dot(nb_ref[0], wb_ref[...], preferred_element_type=jnp.float32)
    h = _leaky(h.reshape(rn, K, 16) + ctr[:, None, :]).reshape(rn * K, 16)
    h = _leaky(jnp.dot(h, w2_ref[...], preferred_element_type=jnp.float32)
               + b2_ref[...])
    h = _leaky(jnp.dot(h, w3_ref[...], preferred_element_type=jnp.float32)
               + b3_ref[...])
    out_ref[0] = jnp.sum(h.reshape(rn, K, 32), axis=1)


def _mlp1(nb, xc, wa, wb, b1, w2, b2, w3, b3, rn=256):
    return pl.pallas_call(
        functools.partial(_mlp1_body, rn=rn),
        grid=(B, N // rn),
        in_specs=[
            pl.BlockSpec((1, rn * K, 16), lambda b, i: (b, i, 0)),
            pl.BlockSpec((1, rn, 16), lambda b, i: (b, i, 0)),
            pl.BlockSpec((16, 16), lambda b, i: (0, 0)),
            pl.BlockSpec((16, 16), lambda b, i: (0, 0)),
            pl.BlockSpec((1, 16), lambda b, i: (0, 0)),
            pl.BlockSpec((16, 64), lambda b, i: (0, 0)),
            pl.BlockSpec((1, 64), lambda b, i: (0, 0)),
            pl.BlockSpec((64, 32), lambda b, i: (0, 0)),
            pl.BlockSpec((1, 32), lambda b, i: (0, 0)),
        ],
        out_specs=pl.BlockSpec((1, rn, 32), lambda b, i: (b, i, 0)),
        out_shape=jax.ShapeDtypeStruct((B, N, 32), jnp.float32),
        interpret=_INTERPRET,
    )(nb, xc, wa, wb, b1, w2, b2, w3, b3)


def _mlp2_body(nb_ref, xc_ref, wa_ref, wb_ref, b1_ref, w2_ref, b2_ref,
               out_ref, *, rn):
    ctr = (jnp.dot(xc_ref[0], wa_ref[...], preferred_element_type=jnp.float32)
           + b1_ref[...])
    h = jnp.dot(nb_ref[0], wb_ref[...], preferred_element_type=jnp.float32)
    h = _leaky(h.reshape(rn, K, 256) + ctr[:, None, :]).reshape(rn * K, 256)
    h = _leaky(jnp.dot(h, w2_ref[...], preferred_element_type=jnp.float32)
               + b2_ref[...])
    out_ref[0] = jnp.sum(h.reshape(rn, K, 128), axis=1)


def _mlp2(nb, xc, wa, wb, b1, w2, b2, rn=256):
    return pl.pallas_call(
        functools.partial(_mlp2_body, rn=rn),
        grid=(B, N // rn),
        in_specs=[
            pl.BlockSpec((1, rn * K, 32), lambda b, i: (b, i, 0)),
            pl.BlockSpec((1, rn, 32), lambda b, i: (b, i, 0)),
            pl.BlockSpec((32, 256), lambda b, i: (0, 0)),
            pl.BlockSpec((32, 256), lambda b, i: (0, 0)),
            pl.BlockSpec((1, 256), lambda b, i: (0, 0)),
            pl.BlockSpec((256, 128), lambda b, i: (0, 0)),
            pl.BlockSpec((1, 128), lambda b, i: (0, 0)),
        ],
        out_specs=pl.BlockSpec((1, rn, 128), lambda b, i: (b, i, 0)),
        out_shape=jax.ShapeDtypeStruct((B, N, 128), jnp.float32),
        interpret=_INTERPRET,
    )(nb, xc, wa, wb, b1, w2, b2)


def _mlp3_body(nb_ref, xc_ref, wa_ref, wb_ref, b1_ref, pmax_ref, *, rn):
    ctr = (jnp.dot(xc_ref[0], wa_ref[...], preferred_element_type=jnp.float32)
           + b1_ref[...])
    h = jnp.dot(nb_ref[0], wb_ref[...], preferred_element_type=jnp.float32)
    h = _leaky(h.reshape(rn, K, 128) + ctr[:, None, :])
    x4 = jnp.sum(h, axis=1)
    pmax_ref[0, 0] = jnp.max(x4, axis=0, keepdims=True)


def _mlp3(nb, xc, wa, wb, b1, rn=256):
    nt = N // rn
    return pl.pallas_call(
        functools.partial(_mlp3_body, rn=rn),
        grid=(B, nt),
        in_specs=[
            pl.BlockSpec((1, rn * K, 128), lambda b, i: (b, i, 0)),
            pl.BlockSpec((1, rn, 128), lambda b, i: (b, i, 0)),
            pl.BlockSpec((128, 128), lambda b, i: (0, 0)),
            pl.BlockSpec((128, 128), lambda b, i: (0, 0)),
            pl.BlockSpec((1, 128), lambda b, i: (0, 0)),
        ],
        out_specs=pl.BlockSpec((1, 1, 1, 128), lambda b, i: (b, i, 0, 0)),
        out_shape=jax.ShapeDtypeStruct((B, nt, 1, 128), jnp.float32),
        interpret=_INTERPRET,
    )(nb, xc, wa, wb, b1)


def _head_body(pm_ref, w1_ref, b1_ref, w2_ref, b2_ref, w3_ref, b3_ref,
               out_ref, *, nt):
    x5 = pm_ref[:, 0, 0]
    for i in range(1, nt):
        x5 = jnp.maximum(x5, pm_ref[:, i, 0])
    h = _leaky(jnp.dot(x5, w1_ref[...], preferred_element_type=jnp.float32)
               + b1_ref[...])
    h = _leaky(jnp.dot(h, w2_ref[...], preferred_element_type=jnp.float32)
               + b2_ref[...])
    out_ref[...] = (jnp.dot(h, w3_ref[...], preferred_element_type=jnp.float32)
                    + b3_ref[...])


def _head(pmax, w1, b1, w2, b2, w3, b3):
    nt = pmax.shape[1]
    return pl.pallas_call(
        functools.partial(_head_body, nt=nt),
        out_shape=jax.ShapeDtypeStruct((B, w3.shape[1]), jnp.float32),
        interpret=_INTERPRET,
    )(pmax, w1, b1, w2, b2, w3, b3)



def kernel(x, h1_w1, h1_b1, h1_w2, h1_b2, h1_w3, h1_b3,
           h2_w1, h2_b1, h2_w2, h2_b2,
           h3_w1, h3_b1,
           fc1_w, fc1_b, fc2_w, fc2_b, fc3_w, fc3_b):
    xp = jnp.pad(x, ((0, 0), (0, 0), (0, 13)))
    xt1 = jnp.transpose(xp, (0, 2, 1))
    idx1 = _knn_idx(xt1, xp, 16)
    nb1 = _sc_gather(xp.reshape(B * N, 16), idx1.reshape(-1), 16)
    w1a = jnp.pad(h1_w1[:3], ((0, 13), (0, 0)))
    w1b = jnp.pad(h1_w1[3:], ((0, 13), (0, 0)))
    x2 = _mlp1(nb1.reshape(B, N * K, 16), xp, w1a, w1b,
               h1_b1.reshape(1, -1), h1_w2, h1_b2.reshape(1, -1),
               h1_w3, h1_b3.reshape(1, -1))

    xt2 = jnp.transpose(x2, (0, 2, 1))
    idx2 = _knn_idx(xt2, x2, 32)
    nb2 = _sc_gather(x2.reshape(B * N, 32), idx2.reshape(-1), 32)
    x3 = _mlp2(nb2.reshape(B, N * K, 32), x2, h2_w1[:32], h2_w1[32:],
               h2_b1.reshape(1, -1), h2_w2, h2_b2.reshape(1, -1))

    xt3 = jnp.transpose(x3, (0, 2, 1))
    idx3 = _knn_idx(xt3, x3, 128)
    nb3 = _sc_gather(x3.reshape(B * N, 128), idx3.reshape(-1), 128)
    pmax = _mlp3(nb3.reshape(B, N * K, 128), x3, h3_w1[:128], h3_w1[128:],
                 h3_b1.reshape(1, -1))

    out = _head(pmax, fc1_w, fc1_b.reshape(1, -1), fc2_w,
                fc2_b.reshape(1, -1), fc3_w, fc3_b.reshape(1, -1))
    return out.reshape(B, N, 3)

# --- scband reference (transcript-rebuilt; emitter-appended) ---
"""Pipeline reference for scband-net-72232759984655 (READ-ONLY COPY).

The authoritative reference and input builder live on the scoring server;
editing this copy changes nothing except your own understanding.
"""

import jax, jax.numpy as jnp
import numpy as np

K = 16
POINTNUM = 2048


def _leaky(x):
    return jax.nn.leaky_relu(x, negative_slope=0.01)


def add_k_nearest(x, k):
    # x: [B, N, d] -> [B, N, k, 2d] (center concat neighbor), kNN by L2 distance
    sq = jnp.sum(x * x, axis=-1)  # [B, N]
    d2 = sq[:, :, None] + sq[:, None, :] - 2.0 * jnp.einsum('bnd,bmd->bnm', x, x)
    _, idx = jax.lax.top_k(-d2, k)  # [B, N, k]
    nb = jax.vmap(lambda pts, ind: pts[ind])(x, idx)  # [B, N, k, d]
    center = jnp.broadcast_to(x[:, :, None, :], nb.shape)
    return jnp.concatenate([center, nb], axis=-1)


def setup_inputs(seed: int = 0) -> dict:
    key = jax.random.key(seed)
    ks = jax.random.split(key, 16)

    def w(i, shape):
        return jax.random.normal(ks[i], shape, dtype=jnp.float32) / jnp.sqrt(float(shape[0]))

    inp = {
        'x': jax.random.normal(ks[0], (8, 2048, 3), dtype=jnp.float32),
        'h1_w1': w(1, (6, 16)), 'h1_b1': jnp.zeros((16,), jnp.float32),
        'h1_w2': w(2, (16, 64)), 'h1_b2': jnp.zeros((64,), jnp.float32),
        'h1_w3': w(3, (64, 32)), 'h1_b3': jnp.zeros((32,), jnp.float32),
        'h2_w1': w(4, (64, 256)), 'h2_b1': jnp.zeros((256,), jnp.float32),
        'h2_w2': w(5, (256, 128)), 'h2_b2': jnp.zeros((128,), jnp.float32),
        'h3_w1': w(6, (256, 128)), 'h3_b1': jnp.zeros((128,), jnp.float32),
        'fc1_w': w(7, (128, 128)), 'fc1_b': jnp.zeros((128,), jnp.float32),
        'fc2_w': w(8, (128, 128)), 'fc2_b': jnp.zeros((128,), jnp.float32),
        'fc3_w': w(9, (128, POINTNUM * 3)), 'fc3_b': jnp.zeros((POINTNUM * 3,), jnp.float32),
    }
    return inp


def reference(x, h1_w1, h1_b1, h1_w2, h1_b2, h1_w3, h1_b3,
              h2_w1, h2_b1, h2_w2, h2_b2,
              h3_w1, h3_b1,
              fc1_w, fc1_b, fc2_w, fc2_b, fc3_w, fc3_b):
    x1 = add_k_nearest(x, K)                      # [B, N, K, 6]
    h = _leaky(x1 @ h1_w1 + h1_b1)
    h = _leaky(h @ h1_w2 + h1_b2)
    h = _leaky(h @ h1_w3 + h1_b3)                 # [B, N, K, 32]
    x2 = jnp.sum(h, axis=2)                       # [B, N, 32]
    x2 = add_k_nearest(x2, K)                     # [B, N, K, 64]
    h = _leaky(x2 @ h2_w1 + h2_b1)
    h = _leaky(h @ h2_w2 + h2_b2)                 # [B, N, K, 128]
    x3 = jnp.sum(h, axis=2)                       # [B, N, 128]
    x3 = add_k_nearest(x3, K)                     # [B, N, K, 256]
    h = _leaky(x3 @ h3_w1 + h3_b1)                # [B, N, K, 128]
    x4 = jnp.sum(h, axis=2)                       # [B, N, 128]
    x5 = jnp.max(x4, axis=1)                      # [B, 128]
    x6 = _leaky(x5 @ fc1_w + fc1_b)
    x7 = _leaky(x6 @ fc2_w + fc2_b)
    x8 = x7 @ fc3_w + fc3_b                       # [B, POINTNUM*3]
    out = x8.reshape(x8.shape[0], POINTNUM, 3)
    return out

if __name__ == "__main__":
    import jax
    _d = setup_inputs()
    print(jax.jit(kernel)(*tuple(_d.values())))

</pallas_src>

<mosaic_0001>
#map = affine_map<(d0, d1) -> (0, 0)>
#map1 = affine_map<(d0, d1) -> (0, 0, 0)>
#map2 = affine_map<(d0, d1) -> (0, 0, 0, 0)>
module attributes {stable_mosaic.version = 14 : i64} {
  func.func @gather_kernel(%arg0: i32, %arg1: i32, %arg2: memref<16384x16xf32, #tpu.memory_space<hbm>>, %arg3: memref<32x64x128xi32, #tpu.memory_space<hbm>>, %arg4: memref<32x64x128x16xf32, #tpu.memory_space<hbm>>, %arg5: memref<64x128xi32, #tpu.memory_space<vmem>>, %arg6: memref<4x128x16xf32, #tpu.memory_space<vmem>>, %arg7: memref<!tpu.dma_semaphore, #tpu.memory_space<semaphore_mem>>, %arg8: memref<!tpu.dma_semaphore, #tpu.memory_space<semaphore_mem>>, %arg9: memref<!tpu.dma_semaphore, #tpu.memory_space<semaphore_mem>>, %arg10: memref<!tpu.dma_semaphore, #tpu.memory_space<semaphore_mem>>, %arg11: memref<!tpu.dma_semaphore, #tpu.memory_space<semaphore_mem>>, %arg12: memref<!tpu.dma_semaphore, #tpu.memory_space<semaphore_mem>>, %arg13: memref<!tpu.dma_semaphore, #tpu.memory_space<semaphore_mem>>, %arg14: memref<!tpu.dma_semaphore, #tpu.memory_space<semaphore_mem>>) attributes {dimension_semantics = [#tpu.dimension_semantics<core_parallel>, #tpu.dimension_semantics<subcore_parallel>], iteration_bounds = array<i64: 2, 16>, scalar_prefetch = 0 : i64, scratch_operands = 10 : i64, tpu.core_type = #tpu.core_type<sc_vector_subcore>, window_params = [{transform_indices = #map}, {transform_indices = #map1}, {transform_indices = #map2}]} {
    %mul3A = arith.constant 2 : i32
    %mul3A_0 = arith.muli %arg1, %mul3A : i32
    %add3A = arith.addi %mul3A_0, %arg0 : i32
    "tpu.region"() ({
      %run_scoped3A = tpu.sem_alloc : memref<!tpu.dma_semaphore, #tpu.memory_space<semaphore_mem>>
      %dma_start3A = arith.constant 0 : i32
      %dma_start3A_6 = arith.constant 0 : i32
      %dma_start3A_7 = tpu.memref_slice %arg3[%add3A, %dma_start3A, %dma_start3A_6] : memref<32x64x128xi32, #tpu.memory_space<hbm>> -> memref<1x64x128xi32, #tpu.memory_space<hbm>>
      %dma_start3A_8 = tpu.memref_squeeze %dma_start3A_7 : memref<1x64x128xi32, #tpu.memory_space<hbm>> -> memref<64x128xi32, #tpu.memory_space<hbm>>
      %dma_start3A_9 = arith.constant 0 : i32
      %dma_start3A_10 = arith.constant 0 : i32
      %dma_start3A_11 = tpu.memref_slice %arg3[%add3A, %dma_start3A_9, %dma_start3A_10] : memref<32x64x128xi32, #tpu.memory_space<hbm>> -> memref<1x64x128xi32, #tpu.memory_space<hbm>>
      %dma_start3A_12 = tpu.memref_squeeze %dma_start3A_11 : memref<1x64x128xi32, #tpu.memory_space<hbm>> -> memref<64x128xi32, #tpu.memory_space<hbm>>
      tpu.enqueue_dma source(%dma_start3A_12 : memref<64x128xi32, #tpu.memory_space<hbm>>) target(%arg5 : memref<64x128xi32, #tpu.memory_space<vmem>>) target_semaphore(%run_scoped3A : memref<!tpu.dma_semaphore, #tpu.memory_space<semaphore_mem>>)
      %dma_wait3A = arith.constant 0 : i32
      %dma_wait3A_13 = arith.constant 0 : i32
      %dma_wait3A_14 = tpu.memref_slice %arg3[%add3A, %dma_wait3A, %dma_wait3A_13] : memref<32x64x128xi32, #tpu.memory_space<hbm>> -> memref<1x64x128xi32, #tpu.memory_space<hbm>>
      %dma_wait3A_15 = tpu.memref_squeeze %dma_wait3A_14 : memref<1x64x128xi32, #tpu.memory_space<hbm>> -> memref<64x128xi32, #tpu.memory_space<hbm>>
      %dma_wait3A_16 = arith.constant 0 : i32
      %dma_wait3A_17 = arith.constant 0 : i32
      %dma_wait3A_18 = tpu.memref_slice %arg3[%add3A, %dma_wait3A_16, %dma_wait3A_17] : memref<32x64x128xi32, #tpu.memory_space<hbm>> -> memref<1x64x128xi32, #tpu.memory_space<hbm>>
      %dma_wait3A_19 = tpu.memref_squeeze %dma_wait3A_18 : memref<1x64x128xi32, #tpu.memory_space<hbm>> -> memref<64x128xi32, #tpu.memory_space<hbm>>
      tpu.wait_dma2 semaphore(%run_scoped3A : memref<!tpu.dma_semaphore, #tpu.memory_space<semaphore_mem>>) src(%dma_wait3A_19 : memref<64x128xi32, #tpu.memory_space<hbm>>) dst(%arg5 : memref<64x128xi32, #tpu.memory_space<vmem>>)
      tpu.yield
    }) : () -> ()
    %scan3A = arith.constant 0 : i32
    %scan3A_1 = arith.constant 0 : i32
    %scan3A_2 = arith.constant 16 : i32
    %scan3A_3 = arith.addi %scan3A_1, %scan3A_2 : i32
    %scan3A_4 = arith.constant 1 : i32
    scf.for %scan3A_6 = %scan3A_1 to %scan3A_3 step %scan3A_4  : i32 {
      %mul3A_7 = arith.constant 4 : i32
      %mul3A_8 = arith.muli %scan3A_6, %mul3A_7 : i32
      %add3A_9 = arith.constant 0 : i32
      %add3A_10 = arith.addi %mul3A_8, %add3A_9 : i32
      %dma_start3A = arith.constant 0 : i32
      %dma_start3A_11 = arith.constant 0 : i32
      %dma_start3A_12 = arith.constant 0 : i32
      %dma_start3A_13 = tpu.memref_slice %arg6[%dma_start3A, %dma_start3A_11, %dma_start3A_12] : memref<4x128x16xf32, #tpu.memory_space<vmem>> -> memref<1x128x16xf32, #tpu.memory_space<vmem>>
      %dma_start3A_14 = tpu.memref_squeeze %dma_start3A_13 : memref<1x128x16xf32, #tpu.memory_space<vmem>> -> memref<128x16xf32, #tpu.memory_space<vmem>>
      %dma_start3A_15 = arith.constant 0 : i32
      %dma_start3A_16 = tpu.memref_slice %arg5[%add3A_10, %dma_start3A_15] : memref<64x128xi32, #tpu.memory_space<vmem>> -> memref<1x128xi32, #tpu.memory_space<vmem>>
      %dma_start3A_17 = tpu.memref_squeeze %dma_start3A_16 : memref<1x128xi32, #tpu.memory_space<vmem>> -> memref<128xi32, #tpu.memory_space<vmem>>
      %dma_start3A_18 = arith.constant 0 : i32
      %dma_start3A_19 = arith.constant 0 : i32
      %dma_start3A_20 = tpu.memref_slice %arg2[%dma_start3A_18, %dma_start3A_19] : memref<16384x16xf32, #tpu.memory_space<hbm>> -> memref<16384x16xf32, #tpu.memory_space<hbm>>
      tpu.enqueue_indirect_dma source(%dma_start3A_20 : memref<16384x16xf32, #tpu.memory_space<hbm>>) target(%dma_start3A_14 : memref<128x16xf32, #tpu.memory_space<vmem>>) offsets(%dma_start3A_17 : memref<128xi32, #tpu.memory_space<vmem>>) semaphore(%arg7 : memref<!tpu.dma_semaphore, #tpu.memory_space<semaphore_mem>>)
      %mul3A_21 = arith.constant 4 : i32
      %mul3A_22 = arith.muli %scan3A_6, %mul3A_21 : i32
      %add3A_23 = arith.constant 1 : i32
      %add3A_24 = arith.addi %mul3A_22, %add3A_23 : i32
      %dma_start3A_25 = arith.constant 1 : i32
      %dma_start3A_26 = arith.constant 0 : i32
      %dma_start3A_27 = arith.constant 0 : i32
      %dma_start3A_28 = tpu.memref_slice %arg6[%dma_start3A_25, %dma_start3A_26, %dma_start3A_27] : memref<4x128x16xf32, #tpu.memory_space<vmem>> -> memref<1x128x16xf32, #tpu.memory_space<vmem>>
      %dma_start3A_29 = tpu.memref_squeeze %dma_start3A_28 : memref<1x128x16xf32, #tpu.memory_space<vmem>> -> memref<128x16xf32, #tpu.memory_space<vmem>>
      %dma_start3A_30 = arith.constant 0 : i32
      %dma_start3A_31 = tpu.memref_slice %arg5[%add3A_24, %dma_start3A_30] : memref<64x128xi32, #tpu.memory_space<vmem>> -> memref<1x128xi32, #tpu.memory_space<vmem>>
      %dma_start3A_32 = tpu.memref_squeeze %dma_start3A_31 : memref<1x128xi32, #tpu.memory_space<vmem>> -> memref<128xi32, #tpu.memory_space<vmem>>
      %dma_start3A_33 = arith.constant 0 : i32
      %dma_start3A_34 = arith.constant 0 : i32
      %dma_start3A_35 = tpu.memref_slice %arg2[%dma_start3A_33, %dma_start3A_34] : memref<16384x16xf32, #tpu.memory_space<hbm>> -> memref<16384x16xf32, #tpu.memory_space<hbm>>
      tpu.enqueue_indirect_dma source(%dma_start3A_35 : memref<16384x16xf32, #tpu.memory_space<hbm>>) target(%dma_start3A_29 : memref<128x16xf32, #tpu.memory_space<vmem>>) offsets(%dma_start3A_32 : memref<128xi32, #tpu.memory_space<vmem>>) semaphore(%arg8 : memref<!tpu.dma_semaphore, #tpu.memory_space<semaphore_mem>>)
      %mul3A_36 = arith.constant 4 : i32
      %mul3A_37 = arith.muli %scan3A_6, %mul3A_36 : i32
      %add3A_38 = arith.constant 2 : i32
      %add3A_39 = arith.addi %mul3A_37, %add3A_38 : i32
      %dma_start3A_40 = arith.constant 2 : i32
      %dma_start3A_41 = arith.constant 0 : i32
      %dma_start3A_42 = arith.constant 0 : i32
      %dma_start3A_43 = tpu.memref_slice %arg6[%dma_start3A_40, %dma_start3A_41, %dma_start3A_42] : memref<4x128x16xf32, #tpu.memory_space<vmem>> -> memref<1x128x16xf32, #tpu.memory_space<vmem>>
      %dma_start3A_44 = tpu.memref_squeeze %dma_start3A_43 : memref<1x128x16xf32, #tpu.memory_space<vmem>> -> memref<128x16xf32, #tpu.memory_space<vmem>>
      %dma_start3A_45 = arith.constant 0 : i32
      %dma_start3A_46 = tpu.memref_slice %arg5[%add3A_39, %dma_start3A_45] : memref<64x128xi32, #tpu.memory_space<vmem>> -> memref<1x128xi32, #tpu.memory_space<vmem>>
      %dma_start3A_47 = tpu.memref_squeeze %dma_start3A_46 : memref<1x128xi32, #tpu.memory_space<vmem>> -> memref<128xi32, #tpu.memory_space<vmem>>
      %dma_start3A_48 = arith.constant 0 : i32
      %dma_start3A_49 = arith.constant 0 : i32
      %dma_start3A_50 = tpu.memref_slice %arg2[%dma_start3A_48, %dma_start3A_49] : memref<16384x16xf32, #tpu.memory_space<hbm>> -> memref<16384x16xf32, #tpu.memory_space<hbm>>
      tpu.enqueue_indirect_dma source(%dma_start3A_50 : memref<16384x16xf32, #tpu.memory_space<hbm>>) target(%dma_start3A_44 : memref<128x16xf32, #tpu.memory_space<vmem>>) offsets(%dma_start3A_47 : memref<128xi32, #tpu.memory_space<vmem>>) semaphore(%arg9 : memref<!tpu.dma_semaphore, #tpu.memory_space<semaphore_mem>>)
      %mul3A_51 = arith.constant 4 : i32
      %mul3A_52 = arith.muli %scan3A_6, %mul3A_51 : i32
      %add3A_53 = arith.constant 3 : i32
      %add3A_54 = arith.addi %mul3A_52, %add3A_53 : i32
      %dma_start3A_55 = arith.constant 3 : i32
      %dma_start3A_56 = arith.constant 0 : i32
      %dma_start3A_57 = arith.constant 0 : i32
      %dma_start3A_58 = tpu.memref_slice %arg6[%dma_start3A_55, %dma_start3A_56, %dma_start3A_57] : memref<4x128x16xf32, #tpu.memory_space<vmem>> -> memref<1x128x16xf32, #tpu.memory_space<vmem>>
      %dma_start3A_59 = tpu.memref_squeeze %dma_start3A_58 : memref<1x128x16xf32, #tpu.memory_space<vmem>> -> memref<128x16xf32, #tpu.memory_space<vmem>>
      %dma_start3A_60 = arith.constant 0 : i32
      %dma_start3A_61 = tpu.memref_slice %arg5[%add3A_54, %dma_start3A_60] : memref<64x128xi32, #tpu.memory_space<vmem>> -> memref<1x128xi32, #tpu.memory_space<vmem>>
      %dma_start3A_62 = tpu.memref_squeeze %dma_start3A_61 : memref<1x128xi32, #tpu.memory_space<vmem>> -> memref<128xi32, #tpu.memory_space<vmem>>
      %dma_start3A_63 = arith.constant 0 : i32
      %dma_start3A_64 = arith.constant 0 : i32
      %dma_start3A_65 = tpu.memref_slice %arg2[%dma_start3A_63, %dma_start3A_64] : memref<16384x16xf32, #tpu.memory_space<hbm>> -> memref<16384x16xf32, #tpu.memory_space<hbm>>
      tpu.enqueue_indirect_dma source(%dma_start3A_65 : memref<16384x16xf32, #tpu.memory_space<hbm>>) target(%dma_start3A_59 : memref<128x16xf32, #tpu.memory_space<vmem>>) offsets(%dma_start3A_62 : memref<128xi32, #tpu.memory_space<vmem>>) semaphore(%arg10 : memref<!tpu.dma_semaphore, #tpu.memory_space<semaphore_mem>>)
      %mul3A_66 = arith.constant 4 : i32
      %mul3A_67 = arith.muli %scan3A_6, %mul3A_66 : i32
      %add3A_68 = arith.constant 0 : i32
      %add3A_69 = arith.addi %mul3A_67, %add3A_68 : i32
      %dma_wait3A = arith.constant 0 : i32
      %dma_wait3A_70 = arith.constant 0 : i32
      %dma_wait3A_71 = arith.constant 0 : i32
      %dma_wait3A_72 = tpu.memref_slice %arg6[%dma_wait3A, %dma_wait3A_70, %dma_wait3A_71] : memref<4x128x16xf32, #tpu.memory_space<vmem>> -> memref<1x128x16xf32, #tpu.memory_space<vmem>>
      %dma_wait3A_73 = tpu.memref_squeeze %dma_wait3A_72 : memref<1x128x16xf32, #tpu.memory_space<vmem>> -> memref<128x16xf32, #tpu.memory_space<vmem>>
      %dma_wait3A_74 = arith.constant 0 : i32
      %dma_wait3A_75 = tpu.memref_slice %arg5[%add3A_10, %dma_wait3A_74] : memref<64x128xi32, #tpu.memory_space<vmem>> -> memref<1x128xi32, #tpu.memory_space<vmem>>
      %dma_wait3A_76 = tpu.memref_squeeze %dma_wait3A_75 : memref<1x128xi32, #tpu.memory_space<vmem>> -> memref<128xi32, #tpu.memory_space<vmem>>
      %dma_wait3A_77 = arith.constant 0 : i32
      %dma_wait3A_78 = arith.constant 0 : i32
      %dma_wait3A_79 = tpu.memref_slice %arg2[%dma_wait3A_77, %dma_wait3A_78] : memref<16384x16xf32, #tpu.memory_space<hbm>> -> memref<16384x16xf32, #tpu.memory_space<hbm>>
      tpu.wait_indirect_dma semaphore(%arg7 : memref<!tpu.dma_semaphore, #tpu.memory_space<semaphore_mem>>) src(%dma_wait3A_79 : memref<16384x16xf32, #tpu.memory_space<hbm>>) dst(%dma_wait3A_73 : memref<128x16xf32, #tpu.memory_space<vmem>>)
      %dma_start3A_80 = arith.constant 0 : i32
      %dma_start3A_81 = arith.constant 0 : i32
      %dma_start3A_82 = arith.constant 0 : i32
      %dma_start3A_83 = tpu.memref_slice %arg6[%dma_start3A_80, %dma_start3A_81, %dma_start3A_82] : memref<4x128x16xf32, #tpu.memory_space<vmem>> -> memref<1x128x16xf32, #tpu.memory_space<vmem>>
      %dma_start3A_84 = tpu.memref_squeeze %dma_start3A_83 : memref<1x128x16xf32, #tpu.memory_space<vmem>> -> memref<128x16xf32, #tpu.memory_space<vmem>>
      %dma_start3A_85 = arith.constant 0 : i32
      %dma_start3A_86 = arith.constant 0 : i32
      %dma_start3A_87 = tpu.memref_slice %arg4[%add3A, %add3A_69, %dma_start3A_85, %dma_start3A_86] : memref<32x64x128x16xf32, #tpu.memory_space<hbm>> -> memref<1x1x128x16xf32, #tpu.memory_space<hbm>>
      %dma_start3A_88 = tpu.memref_squeeze %dma_start3A_87 : memref<1x1x128x16xf32, #tpu.memory_space<hbm>> -> memref<128x16xf32, #tpu.memory_space<hbm>>
      %dma_start3A_89 = arith.constant 0 : i32
      %dma_start3A_90 = arith.constant 0 : i32
      %dma_start3A_91 = tpu.memref_slice %arg4[%add3A, %add3A_69, %dma_start3A_89, %dma_start3A_90] : memref<32x64x128x16xf32, #tpu.memory_space<hbm>> -> memref<1x1x128x16xf32, #tpu.memory_space<hbm>>
      %dma_start3A_92 = tpu.memref_squeeze %dma_start3A_91 : memref<1x1x128x16xf32, #tpu.memory_space<hbm>> -> memref<128x16xf32, #tpu.memory_space<hbm>>
      %dma_start3A_93 = arith.constant 0 : i32
      %dma_start3A_94 = arith.constant 0 : i32
      %dma_start3A_95 = tpu.memref_slice %arg6[%dma_start3A_80, %dma_start3A_93, %dma_start3A_94] : memref<4x128x16xf32, #tpu.memory_space<vmem>> -> memref<1x128x16xf32, #tpu.memory_space<vmem>>
      %dma_start3A_96 = tpu.memref_squeeze %dma_start3A_95 : memref<1x128x16xf32, #tpu.memory_space<vmem>> -> memref<128x16xf32, #tpu.memory_space<vmem>>
      tpu.enqueue_dma source(%dma_start3A_96 : memref<128x16xf32, #tpu.memory_space<vmem>>) target(%dma_start3A_92 : memref<128x16xf32, #tpu.memory_space<hbm>>) target_semaphore(%arg11 : memref<!tpu.dma_semaphore, #tpu.memory_space<semaphore_mem>>)
      %mul3A_97 = arith.constant 4 : i32
      %mul3A_98 = arith.muli %scan3A_6, %mul3A_97 : i32
      %add3A_99 = arith.constant 1 : i32
      %add3A_100 = arith.addi %mul3A_98, %add3A_99 : i32
      %dma_wait3A_101 = arith.constant 1 : i32
      %dma_wait3A_102 = arith.constant 0 : i32
      %dma_wait3A_103 = arith.constant 0 : i32
      %dma_wait3A_104 = tpu.memref_slice %arg6[%dma_wait3A_101, %dma_wait3A_102, %dma_wait3A_103] : memref<4x128x16xf32, #tpu.memory_space<vmem>> -> memref<1x128x16xf32, #tpu.memory_space<vmem>>
      %dma_wait3A_105 = tpu.memref_squeeze %dma_wait3A_104 : memref<1x128x16xf32, #tpu.memory_space<vmem>> -> memref<128x16xf32, #tpu.memory_space<vmem>>
      %dma_wait3A_106 = arith.constant 0 : i32
      %dma_wait3A_107 = tpu.memref_slice %arg5[%add3A_24, %dma_wait3A_106] : memref<64x128xi32, #tpu.memory_space<vmem>> -> memref<1x128xi32, #tpu.memory_space<vmem>>
      %dma_wait3A_108 = tpu.memref_squeeze %dma_wait3A_107 : memref<1x128xi32, #tpu.memory_space<vmem>> -> memref<128xi32, #tpu.memory_space<vmem>>
      %dma_wait3A_109 = arith.constant 0 : i32
      %dma_wait3A_110 = arith.constant 0 : i32
      %dma_wait3A_111 = tpu.memref_slice %arg2[%dma_wait3A_109, %dma_wait3A_110] : memref<16384x16xf32, #tpu.memory_space<hbm>> -> memref<16384x16xf32, #tpu.memory_space<hbm>>
      tpu.wait_indirect_dma semaphore(%arg8 : memref<!tpu.dma_semaphore, #tpu.memory_space<semaphore_mem>>) src(%dma_wait3A_111 : memref<16384x16xf32, #tpu.memory_space<hbm>>) dst(%dma_wait3A_105 : memref<128x16xf32, #tpu.memory_space<vmem>>)
      %dma_start3A_112 = arith.constant 1 : i32
      %dma_start3A_113 = arith.constant 0 : i32
      %dma_start3A_114 = arith.constant 0 : i32
      %dma_start3A_115 = tpu.memref_slice %arg6[%dma_start3A_112, %dma_start3A_113, %dma_start3A_114] : memref<4x128x16xf32, #tpu.memory_space<vmem>> -> memref<1x128x16xf32, #tpu.memory_space<vmem>>
      %dma_start3A_116 = tpu.memref_squeeze %dma_start3A_115 : memref<1x128x16xf32, #tpu.memory_space<vmem>> -> memref<128x16xf32, #tpu.memory_space<vmem>>
      %dma_start3A_117 = arith.constant 0 : i32
      %dma_start3A_118 = arith.constant 0 : i32
      %dma_start3A_119 = tpu.memref_slice %arg4[%add3A, %add3A_100, %dma_start3A_117, %dma_start3A_118] : memref<32x64x128x16xf32, #tpu.memory_space<hbm>> -> memref<1x1x128x16xf32, #tpu.memory_space<hbm>>
      %dma_start3A_120 = tpu.memref_squeeze %dma_start3A_119 : memref<1x1x128x16xf32, #tpu.memory_space<hbm>> -> memref<128x16xf32, #tpu.memory_space<hbm>>
      %dma_start3A_121 = arith.constant 0 : i32
      %dma_start3A_122 = arith.constant 0 : i32
      %dma_start3A_123 = tpu.memref_slice %arg4[%add3A, %add3A_100, %dma_start3A_121, %dma_start3A_122] : memref<32x64x128x16xf32, #tpu.memory_space<hbm>> -> memref<1x1x128x16xf32, #tpu.memory_space<hbm>>
      %dma_start3A_124 = tpu.memref_squeeze %dma_start3A_123 : memref<1x1x128x16xf32, #tpu.memory_space<hbm>> -> memref<128x16xf32, #tpu.memory_space<hbm>>
      %dma_start3A_125 = arith.constant 0 : i32
      %dma_start3A_126 = arith.constant 0 : i32
      %dma_start3A_127 = tpu.memref_slice %arg6[%dma_start3A_112, %dma_start3A_125, %dma_start3A_126] : memref<4x128x16xf32, #tpu.memory_space<vmem>> -> memref<1x128x16xf32, #tpu.memory_space<vmem>>
      %dma_start3A_128 = tpu.memref_squeeze %dma_start3A_127 : memref<1x128x16xf32, #tpu.memory_space<vmem>> -> memref<128x16xf32, #tpu.memory_space<vmem>>
      tpu.enqueue_dma source(%dma_start3A_128 : memref<128x16xf32, #tpu.memory_space<vmem>>) target(%dma_start3A_124 : memref<128x16xf32, #tpu.memory_space<hbm>>) target_semaphore(%arg12 : memref<!tpu.dma_semaphore, #tpu.memory_space<semaphore_mem>>)
      %mul3A_129 = arith.constant 4 : i32
      %mul3A_130 = arith.muli %scan3A_6, %mul3A_129 : i32
      %add3A_131 = arith.constant 2 : i32
      %add3A_132 = arith.addi %mul3A_130, %add3A_131 : i32
      %dma_wait3A_133 = arith.constant 2 : i32
      %dma_wait3A_134 = arith.constant 0 : i32
      %dma_wait3A_135 = arith.constant 0 : i32
      %dma_wait3A_136 = tpu.memref_slice %arg6[%dma_wait3A_133, %dma_wait3A_134, %dma_wait3A_135] : memref<4x128x16xf32, #tpu.memory_space<vmem>> -> memref<1x128x16xf32, #tpu.memory_space<vmem>>
      %dma_wait3A_137 = tpu.memref_squeeze %dma_wait3A_136 : memref<1x128x16xf32, #tpu.memory_space<vmem>> -> memref<128x16xf32, #tpu.memory_space<vmem>>
      %dma_wait3A_138 = arith.constant 0 : i32
      %dma_wait3A_139 = tpu.memref_slice %arg5[%add3A_39, %dma_wait3A_138] : memref<64x128xi32, #tpu.memory_space<vmem>> -> memref<1x128xi32, #tpu.memory_space<vmem>>
      %dma_wait3A_140 = tpu.memref_squeeze %dma_wait3A_139 : memref<1x128xi32, #tpu.memory_space<vmem>> -> memref<128xi32, #tpu.memory_space<vmem>>
      %dma_wait3A_141 = arith.constant 0 : i32
      %dma_wait3A_142 = arith.constant 0 : i32
      %dma_wait3A_143 = tpu.memref_slice %arg2[%dma_wait3A_141, %dma_wait3A_142] : memref<16384x16xf32, #tpu.memory_space<hbm>> -> memref<16384x16xf32, #tpu.memory_space<hbm>>
      tpu.wait_indirect_dma semaphore(%arg9 : memref<!tpu.dma_semaphore, #tpu.memory_space<semaphore_mem>>) src(%dma_wait3A_143 : memref<16384x16xf32, #tpu.memory_space<hbm>>) dst(%dma_wait3A_137 : memref<128x16xf32, #tpu.memory_space<vmem>>)
      %dma_start3A_144 = arith.constant 2 : i32
      %dma_start3A_145 = arith.constant 0 : i32
      %dma_start3A_146 = arith.constant 0 : i32
      %dma_start3A_147 = tpu.memref_slice %arg6[%dma_start3A_144, %dma_start3A_145, %dma_start3A_146] : memref<4x128x16xf32, #tpu.memory_space<vmem>> -> memref<1x128x16xf32, #tpu.memory_space<vmem>>
      %dma_start3A_148 = tpu.memref_squeeze %dma_start3A_147 : memref<1x128x16xf32, #tpu.memory_space<vmem>> -> memref<128x16xf32, #tpu.memory_space<vmem>>
      %dma_start3A_149 = arith.constant 0 : i32
      %dma_start3A_150 = arith.constant 0 : i32
      %dma_start3A_151 = tpu.memref_slice %arg4[%add3A, %add3A_132, %dma_start3A_149, %dma_start3A_150] : memref<32x64x128x16xf32, #tpu.memory_space<hbm>> -> memref<1x1x128x16xf32, #tpu.memory_space<hbm>>
      %dma_start3A_152 = tpu.memref_squeeze %dma_start3A_151 : memref<1x1x128x16xf32, #tpu.memory_space<hbm>> -> memref<128x16xf32, #tpu.memory_space<hbm>>
      %dma_start3A_153 = arith.constant 0 : i32
      %dma_start3A_154 = arith.constant 0 : i32
      %dma_start3A_155 = tpu.memref_slice %arg4[%add3A, %add3A_132, %dma_start3A_153, %dma_start3A_154] : memref<32x64x128x16xf32, #tpu.memory_space<hbm>> -> memref<1x1x128x16xf32, #tpu.memory_space<hbm>>
      %dma_start3A_156 = tpu.memref_squeeze %dma_start3A_155 : memref<1x1x128x16xf32, #tpu.memory_space<hbm>> -> memref<128x16xf32, #tpu.memory_space<hbm>>
      %dma_start3A_157 = arith.constant 0 : i32
      %dma_start3A_158 = arith.constant 0 : i32
      %dma_start3A_159 = tpu.memref_slice %arg6[%dma_start3A_144, %dma_start3A_157, %dma_start3A_158] : memref<4x128x16xf32, #tpu.memory_space<vmem>> -> memref<1x128x16xf32, #tpu.memory_space<vmem>>
      %dma_start3A_160 = tpu.memref_squeeze %dma_start3A_159 : memref<1x128x16xf32, #tpu.memory_space<vmem>> -> memref<128x16xf32, #tpu.memory_space<vmem>>
      tpu.enqueue_dma source(%dma_start3A_160 : memref<128x16xf32, #tpu.memory_space<vmem>>) target(%dma_start3A_156 : memref<128x16xf32, #tpu.memory_space<hbm>>) target_semaphore(%arg13 : memref<!tpu.dma_semaphore, #tpu.memory_space<semaphore_mem>>)
      %mul3A_161 = arith.constant 4 : i32
      %mul3A_162 = arith.muli %scan3A_6, %mul3A_161 : i32
      %add3A_163 = arith.constant 3 : i32
      %add3A_164 = arith.addi %mul3A_162, %add3A_163 : i32
      %dma_wait3A_165 = arith.constant 3 : i32
      %dma_wait3A_166 = arith.constant 0 : i32
      %dma_wait3A_167 = arith.constant 0 : i32
      %dma_wait3A_168 = tpu.memref_slice %arg6[%dma_wait3A_165, %dma_wait3A_166, %dma_wait3A_167] : memref<4x128x16xf32, #tpu.memory_space<vmem>> -> memref<1x128x16xf32, #tpu.memory_space<vmem>>
      %dma_wait3A_169 = tpu.memref_squeeze %dma_wait3A_168 : memref<1x128x16xf32, #tpu.memory_space<vmem>> -> memref<128x16xf32, #tpu.memory_space<vmem>>
      %dma_wait3A_170 = arith.constant 0 : i32
      %dma_wait3A_171 = tpu.memref_slice %arg5[%add3A_54, %dma_wait3A_170] : memref<64x128xi32, #tpu.memory_space<vmem>> -> memref<1x128xi32, #tpu.memory_space<vmem>>
      %dma_wait3A_172 = tpu.memref_squeeze %dma_wait3A_171 : memref<1x128xi32, #tpu.memory_space<vmem>> -> memref<128xi32, #tpu.memory_space<vmem>>
      %dma_wait3A_173 = arith.constant 0 : i32
      %dma_wait3A_174 = arith.constant 0 : i32
      %dma_wait3A_175 = tpu.memref_slice %arg2[%dma_wait3A_173, %dma_wait3A_174] : memref<16384x16xf32, #tpu.memory_space<hbm>> -> memref<16384x16xf32, #tpu.memory_space<hbm>>
      tpu.wait_indirect_dma semaphore(%arg10 : memref<!tpu.dma_semaphore, #tpu.memory_space<semaphore_mem>>) src(%dma_wait3A_175 : memref<16384x16xf32, #tpu.memory_space<hbm>>) dst(%dma_wait3A_169 : memref<128x16xf32, #tpu.memory_space<vmem>>)
      %dma_start3A_176 = arith.constant 3 : i32
      %dma_start3A_177 = arith.constant 0 : i32
      %dma_start3A_178 = arith.constant 0 : i32
      %dma_start3A_179 = tpu.memref_slice %arg6[%dma_start3A_176, %dma_start3A_177, %dma_start3A_178] : memref<4x128x16xf32, #tpu.memory_space<vmem>> -> memref<1x128x16xf32, #tpu.memory_space<vmem>>
      %dma_start3A_180 = tpu.memref_squeeze %dma_start3A_179 : memref<1x128x16xf32, #tpu.memory_space<vmem>> -> memref<128x16xf32, #tpu.memory_space<vmem>>
      %dma_start3A_181 = arith.constant 0 : i32
      %dma_start3A_182 = arith.constant 0 : i32
      %dma_start3A_183 = tpu.memref_slice %arg4[%add3A, %add3A_164, %dma_start3A_181, %dma_start3A_182] : memref<32x64x128x16xf32, #tpu.memory_space<hbm>> -> memref<1x1x128x16xf32, #tpu.memory_space<hbm>>
      %dma_start3A_184 = tpu.memref_squeeze %dma_start3A_183 : memref<1x1x128x16xf32, #tpu.memory_space<hbm>> -> memref<128x16xf32, #tpu.memory_space<hbm>>
      %dma_start3A_185 = arith.constant 0 : i32
      %dma_start3A_186 = arith.constant 0 : i32
      %dma_start3A_187 = tpu.memref_slice %arg4[%add3A, %add3A_164, %dma_start3A_185, %dma_start3A_186] : memref<32x64x128x16xf32, #tpu.memory_space<hbm>> -> memref<1x1x128x16xf32, #tpu.memory_space<hbm>>
      %dma_start3A_188 = tpu.memref_squeeze %dma_start3A_187 : memref<1x1x128x16xf32, #tpu.memory_space<hbm>> -> memref<128x16xf32, #tpu.memory_space<hbm>>
      %dma_start3A_189 = arith.constant 0 : i32
      %dma_start3A_190 = arith.constant 0 : i32
      %dma_start3A_191 = tpu.memref_slice %arg6[%dma_start3A_176, %dma_start3A_189, %dma_start3A_190] : memref<4x128x16xf32, #tpu.memory_space<vmem>> -> memref<1x128x16xf32, #tpu.memory_space<vmem>>
      %dma_start3A_192 = tpu.memref_squeeze %dma_start3A_191 : memref<1x128x16xf32, #tpu.memory_space<vmem>> -> memref<128x16xf32, #tpu.memory_space<vmem>>
      tpu.enqueue_dma source(%dma_start3A_192 : memref<128x16xf32, #tpu.memory_space<vmem>>) target(%dma_start3A_188 : memref<128x16xf32, #tpu.memory_space<hbm>>) target_semaphore(%arg14 : memref<!tpu.dma_semaphore, #tpu.memory_space<semaphore_mem>>)
      %dma_wait3A_193 = arith.constant 0 : i32
      %dma_wait3A_194 = arith.constant 0 : i32
      %dma_wait3A_195 = arith.constant 0 : i32
      %dma_wait3A_196 = tpu.memref_slice %arg6[%dma_wait3A_193, %dma_wait3A_194, %dma_wait3A_195] : memref<4x128x16xf32, #tpu.memory_space<vmem>> -> memref<1x128x16xf32, #tpu.memory_space<vmem>>
      %dma_wait3A_197 = tpu.memref_squeeze %dma_wait3A_196 : memref<1x128x16xf32, #tpu.memory_space<vmem>> -> memref<128x16xf32, #tpu.memory_space<vmem>>
      %dma_wait3A_198 = arith.constant 0 : i32
      %dma_wait3A_199 = arith.constant 0 : i32
      %dma_wait3A_200 = tpu.memref_slice %arg4[%add3A, %add3A_69, %dma_wait3A_198, %dma_wait3A_199] : memref<32x64x128x16xf32, #tpu.memory_space<hbm>> -> memref<1x1x128x16xf32, #tpu.memory_space<hbm>>
      %dma_wait3A_201 = tpu.memref_squeeze %dma_wait3A_200 : memref<1x1x128x16xf32, #tpu.memory_space<hbm>> -> memref<128x16xf32, #tpu.memory_space<hbm>>
      %dma_wait3A_202 = arith.constant 0 : i32
      %dma_wait3A_203 = arith.constant 0 : i32
      %dma_wait3A_204 = tpu.memref_slice %arg4[%add3A, %add3A_69, %dma_wait3A_202, %dma_wait3A_203] : memref<32x64x128x16xf32, #tpu.memory_space<hbm>> -> memref<1x1x128x16xf32, #tpu.memory_space<hbm>>
      %dma_wait3A_205 = tpu.memref_squeeze %dma_wait3A_204 : memref<1x1x128x16xf32, #tpu.memory_space<hbm>> -> memref<128x16xf32, #tpu.memory_space<hbm>>
      %dma_wait3A_206 = arith.constant 0 : i32
      %dma_wait3A_207 = arith.constant 0 : i32
      %dma_wait3A_208 = tpu.memref_slice %arg6[%dma_wait3A_193, %dma_wait3A_206, %dma_wait3A_207] : memref<4x128x16xf32, #tpu.memory_space<vmem>> -> memref<1x128x16xf32, #tpu.memory_space<vmem>>
      %dma_wait3A_209 = tpu.memref_squeeze %dma_wait3A_208 : memref<1x128x16xf32, #tpu.memory_space<vmem>> -> memref<128x16xf32, #tpu.memory_space<vmem>>
      tpu.wait_dma2 semaphore(%arg11 : memref<!tpu.dma_semaphore, #tpu.memory_space<semaphore_mem>>) src(%dma_wait3A_209 : memref<128x16xf32, #tpu.memory_space<vmem>>) dst(%dma_wait3A_205 : memref<128x16xf32, #tpu.memory_space<hbm>>)
      %dma_wait3A_210 = arith.constant 1 : i32
      %dma_wait3A_211 = arith.constant 0 : i32
      %dma_wait3A_212 = arith.constant 0 : i32
      %dma_wait3A_213 = tpu.memref_slice %arg6[%dma_wait3A_210, %dma_wait3A_211, %dma_wait3A_212] : memref<4x128x16xf32, #tpu.memory_space<vmem>> -> memref<1x128x16xf32, #tpu.memory_space<vmem>>
      %dma_wait3A_214 = tpu.memref_squeeze %dma_wait3A_213 : memref<1x128x16xf32, #tpu.memory_space<vmem>> -> memref<128x16xf32, #tpu.memory_space<vmem>>
      %dma_wait3A_215 = arith.constant 0 : i32
      %dma_wait3A_216 = arith.constant 0 : i32
      %dma_wait3A_217 = tpu.memref_slice %arg4[%add3A, %add3A_100, %dma_wait3A_215, %dma_wait3A_216] : memref<32x64x128x16xf32, #tpu.memory_space<hbm>> -> memref<1x1x128x16xf32, #tpu.memory_space<hbm>>
      %dma_wait3A_218 = tpu.memref_squeeze %dma_wait3A_217 : memref<1x1x128x16xf32, #tpu.memory_space<hbm>> -> memref<128x16xf32, #tpu.memory_space<hbm>>
      %dma_wait3A_219 = arith.constant 0 : i32
      %dma_wait3A_220 = arith.constant 0 : i32
      %dma_wait3A_221 = tpu.memref_slice %arg4[%add3A, %add3A_100, %dma_wait3A_219, %dma_wait3A_220] : memref<32x64x128x16xf32, #tpu.memory_space<hbm>> -> memref<1x1x128x16xf32, #tpu.memory_space<hbm>>
      %dma_wait3A_222 = tpu.memref_squeeze %dma_wait3A_221 : memref<1x1x128x16xf32, #tpu.memory_space<hbm>> -> memref<128x16xf32, #tpu.memory_space<hbm>>
      %dma_wait3A_223 = arith.constant 0 : i32
      %dma_wait3A_224 = arith.constant 0 : i32
      %dma_wait3A_225 = tpu.memref_slice %arg6[%dma_wait3A_210, %dma_wait3A_223, %dma_wait3A_224] : memref<4x128x16xf32, #tpu.memory_space<vmem>> -> memref<1x128x16xf32, #tpu.memory_space<vmem>>
      %dma_wait3A_226 = tpu.memref_squeeze %dma_wait3A_225 : memref<1x128x16xf32, #tpu.memory_space<vmem>> -> memref<128x16xf32, #tpu.memory_space<vmem>>
      tpu.wait_dma2 semaphore(%arg12 : memref<!tpu.dma_semaphore, #tpu.memory_space<semaphore_mem>>) src(%dma_wait3A_226 : memref<128x16xf32, #tpu.memory_space<vmem>>) dst(%dma_wait3A_222 : memref<128x16xf32, #tpu.memory_space<hbm>>)
      %dma_wait3A_227 = arith.constant 2 : i32
      %dma_wait3A_228 = arith.constant 0 : i32
      %dma_wait3A_229 = arith.constant 0 : i32
      %dma_wait3A_230 = tpu.memref_slice %arg6[%dma_wait3A_227, %dma_wait3A_228, %dma_wait3A_229] : memref<4x128x16xf32, #tpu.memory_space<vmem>> -> memref<1x128x16xf32, #tpu.memory_space<vmem>>
      %dma_wait3A_231 = tpu.memref_squeeze %dma_wait3A_230 : memref<1x128x16xf32, #tpu.memory_space<vmem>> -> memref<128x16xf32, #tpu.memory_space<vmem>>
      %dma_wait3A_232 = arith.constant 0 : i32
      %dma_wait3A_233 = arith.constant 0 : i32
      %dma_wait3A_234 = tpu.memref_slice %arg4[%add3A, %add3A_132, %dma_wait3A_232, %dma_wait3A_233] : memref<32x64x128x16xf32, #tpu.memory_space<hbm>> -> memref<1x1x128x16xf32, #tpu.memory_space<hbm>>
      %dma_wait3A_235 = tpu.memref_squeeze %dma_wait3A_234 : memref<1x1x128x16xf32, #tpu.memory_space<hbm>> -> memref<128x16xf32, #tpu.memory_space<hbm>>
      %dma_wait3A_236 = arith.constant 0 : i32
      %dma_wait3A_237 = arith.constant 0 : i32
      %dma_wait3A_238 = tpu.memref_slice %arg4[%add3A, %add3A_132, %dma_wait3A_236, %dma_wait3A_237] : memref<32x64x128x16xf32, #tpu.memory_space<hbm>> -> memref<1x1x128x16xf32, #tpu.memory_space<hbm>>
      %dma_wait3A_239 = tpu.memref_squeeze %dma_wait3A_238 : memref<1x1x128x16xf32, #tpu.memory_space<hbm>> -> memref<128x16xf32, #tpu.memory_space<hbm>>
      %dma_wait3A_240 = arith.constant 0 : i32
      %dma_wait3A_241 = arith.constant 0 : i32
      %dma_wait3A_242 = tpu.memref_slice %arg6[%dma_wait3A_227, %dma_wait3A_240, %dma_wait3A_241] : memref<4x128x16xf32, #tpu.memory_space<vmem>> -> memref<1x128x16xf32, #tpu.memory_space<vmem>>
      %dma_wait3A_243 = tpu.memref_squeeze %dma_wait3A_242 : memref<1x128x16xf32, #tpu.memory_space<vmem>> -> memref<128x16xf32, #tpu.memory_space<vmem>>
      tpu.wait_dma2 semaphore(%arg13 : memref<!tpu.dma_semaphore, #tpu.memory_space<semaphore_mem>>) src(%dma_wait3A_243 : memref<128x16xf32, #tpu.memory_space<vmem>>) dst(%dma_wait3A_239 : memref<128x16xf32, #tpu.memory_space<hbm>>)
      %dma_wait3A_244 = arith.constant 3 : i32
      %dma_wait3A_245 = arith.constant 0 : i32
      %dma_wait3A_246 = arith.constant 0 : i32
      %dma_wait3A_247 = tpu.memref_slice %arg6[%dma_wait3A_244, %dma_wait3A_245, %dma_wait3A_246] : memref<4x128x16xf32, #tpu.memory_space<vmem>> -> memref<1x128x16xf32, #tpu.memory_space<vmem>>
      %dma_wait3A_248 = tpu.memref_squeeze %dma_wait3A_247 : memref<1x128x16xf32, #tpu.memory_space<vmem>> -> memref<128x16xf32, #tpu.memory_space<vmem>>
      %dma_wait3A_249 = arith.constant 0 : i32
      %dma_wait3A_250 = arith.constant 0 : i32
      %dma_wait3A_251 = tpu.memref_slice %arg4[%add3A, %add3A_164, %dma_wait3A_249, %dma_wait3A_250] : memref<32x64x128x16xf32, #tpu.memory_space<hbm>> -> memref<1x1x128x16xf32, #tpu.memory_space<hbm>>
      %dma_wait3A_252 = tpu.memref_squeeze %dma_wait3A_251 : memref<1x1x128x16xf32, #tpu.memory_space<hbm>> -> memref<128x16xf32, #tpu.memory_space<hbm>>
      %dma_wait3A_253 = arith.constant 0 : i32
      %dma_wait3A_254 = arith.constant 0 : i32
      %dma_wait3A_255 = tpu.memref_slice %arg4[%add3A, %add3A_164, %dma_wait3A_253, %dma_wait3A_254] : memref<32x64x128x16xf32, #tpu.memory_space<hbm>> -> memref<1x1x128x16xf32, #tpu.memory_space<hbm>>
      %dma_wait3A_256 = tpu.memref_squeeze %dma_wait3A_255 : memref<1x1x128x16xf32, #tpu.memory_space<hbm>> -> memref<128x16xf32, #tpu.memory_space<hbm>>
      %dma_wait3A_257 = arith.constant 0 : i32
      %dma_wait3A_258 = arith.constant 0 : i32
      %dma_wait3A_259 = tpu.memref_slice %arg6[%dma_wait3A_244, %dma_wait3A_257, %dma_wait3A_258] : memref<4x128x16xf32, #tpu.memory_space<vmem>> -> memref<1x128x16xf32, #tpu.memory_space<vmem>>
      %dma_wait3A_260 = tpu.memref_squeeze %dma_wait3A_259 : memref<1x128x16xf32, #tpu.memory_space<vmem>> -> memref<128x16xf32, #tpu.memory_space<vmem>>
      tpu.wait_dma2 semaphore(%arg14 : memref<!tpu.dma_semaphore, #tpu.memory_space<semaphore_mem>>) src(%dma_wait3A_260 : memref<128x16xf32, #tpu.memory_space<vmem>>) dst(%dma_wait3A_256 : memref<128x16xf32, #tpu.memory_space<hbm>>)
    }
    %scan3A_5 = arith.constant 16 : i32
    return
  }
}

#map = affine_map<(d0, d1) -> (0, 0)>
#map1 = affine_map<(d0, d1) -> (0, 0, 0)>
#map2 = affine_map<(d0, d1) -> (0, 0, 0, 0)>
module attributes {stable_mosaic.version = 14 : i64} {
  func.func @gather_kernel(%arg0: i32, %arg1: i32, %arg2: memref<16384x32xf32, #tpu.memory_space<hbm>>, %arg3: memref<32x64x128xi32, #tpu.memory_space<hbm>>, %arg4: memref<32x64x128x32xf32, #tpu.memory_space<hbm>>, %arg5: memref<64x128xi32, #tpu.memory_space<vmem>>, %arg6: memref<4x128x32xf32, #tpu.memory_space<vmem>>, %arg7: memref<!tpu.dma_semaphore, #tpu.memory_space<semaphore_mem>>, %arg8: memref<!tpu.dma_semaphore, #tpu.memory_space<semaphore_mem>>, %arg9: memref<!tpu.dma_semaphore, #tpu.memory_space<semaphore_mem>>, %arg10: memref<!tpu.dma_semaphore, #tpu.memory_space<semaphore_mem>>, %arg11: memref<!tpu.dma_semaphore, #tpu.memory_space<semaphore_mem>>, %arg12: memref<!tpu.dma_semaphore, #tpu.memory_space<semaphore_mem>>, %arg13: memref<!tpu.dma_semaphore, #tpu.memory_space<semaphore_mem>>, %arg14: memref<!tpu.dma_semaphore, #tpu.memory_space<semaphore_mem>>) attributes {dimension_semantics = [#tpu.dimension_semantics<core_parallel>, #tpu.dimension_semantics<subcore_parallel>], iteration_bounds = array<i64: 2, 16>, scalar_prefetch = 0 : i64, scratch_operands = 10 : i64, tpu.core_type = #tpu.core_type<sc_vector_subcore>, window_params = [{transform_indices = #map}, {transform_indices = #map1}, {transform_indices = #map2}]} {
    %mul3A = arith.constant 2 : i32
    %mul3A_0 = arith.muli %arg1, %mul3A : i32
    %add3A = arith.addi %mul3A_0, %arg0 : i32
    "tpu.region"() ({
      %run_scoped3A = tpu.sem_alloc : memref<!tpu.dma_semaphore, #tpu.memory_space<semaphore_mem>>
      %dma_start3A = arith.constant 0 : i32
      %dma_start3A_6 = arith.constant 0 : i32
      %dma_start3A_7 = tpu.memref_slice %arg3[%add3A, %dma_start3A, %dma_start3A_6] : memref<32x64x128xi32, #tpu.memory_space<hbm>> -> memref<1x64x128xi32, #tpu.memory_space<hbm>>
      %dma_start3A_8 = tpu.memref_squeeze %dma_start3A_7 : memref<1x64x128xi32, #tpu.memory_space<hbm>> -> memref<64x128xi32, #tpu.memory_space<hbm>>
      %dma_start3A_9 = arith.constant 0 : i32
      %dma_start3A_10 = arith.constant 0 : i32
      %dma_start3A_11 = tpu.memref_slice %arg3[%add3A, %dma_start3A_9, %dma_start3A_10] : memref<32x64x128xi32, #tpu.memory_space<hbm>> -> memref<1x64x128xi32, #tpu.memory_space<hbm>>
      %dma_start3A_12 = tpu.memref_squeeze %dma_start3A_11 : memref<1x64x128xi32, #tpu.memory_space<hbm>> -> memref<64x128xi32, #tpu.memory_space<hbm>>
      tpu.enqueue_dma source(%dma_start3A_12 : memref<64x128xi32, #tpu.memory_space<hbm>>) target(%arg5 : memref<64x128xi32, #tpu.memory_space<vmem>>) target_semaphore(%run_scoped3A : memref<!tpu.dma_semaphore, #tpu.memory_space<semaphore_mem>>)
      %dma_wait3A = arith.constant 0 : i32
      %dma_wait3A_13 = arith.constant 0 : i32
      %dma_wait3A_14 = tpu.memref_slice %arg3[%add3A, %dma_wait3A, %dma_wait3A_13] : memref<32x64x128xi32, #tpu.memory_space<hbm>> -> memref<1x64x128xi32, #tpu.memory_space<hbm>>
      %dma_wait3A_15 = tpu.memref_squeeze %dma_wait3A_14 : memref<1x64x128xi32, #tpu.memory_space<hbm>> -> memref<64x128xi32, #tpu.memory_space<hbm>>
      %dma_wait3A_16 = arith.constant 0 : i32
      %dma_wait3A_17 = arith.constant 0 : i32
      %dma_wait3A_18 = tpu.memref_slice %arg3[%add3A, %dma_wait3A_16, %dma_wait3A_17] : memref<32x64x128xi32, #tpu.memory_space<hbm>> -> memref<1x64x128xi32, #tpu.memory_space<hbm>>
      %dma_wait3A_19 = tpu.memref_squeeze %dma_wait3A_18 : memref<1x64x128xi32, #tpu.memory_space<hbm>> -> memref<64x128xi32, #tpu.memory_space<hbm>>
      tpu.wait_dma2 semaphore(%run_scoped3A : memref<!tpu.dma_semaphore, #tpu.memory_space<semaphore_mem>>) src(%dma_wait3A_19 : memref<64x128xi32, #tpu.memory_space<hbm>>) dst(%arg5 : memref<64x128xi32, #tpu.memory_space<vmem>>)
      tpu.yield
    }) : () -> ()
    %scan3A = arith.constant 0 : i32
    %scan3A_1 = arith.constant 0 : i32
    %scan3A_2 = arith.constant 16 : i32
    %scan3A_3 = arith.addi %scan3A_1, %scan3A_2 : i32
    %scan3A_4 = arith.constant 1 : i32
    scf.for %scan3A_6 = %scan3A_1 to %scan3A_3 step %scan3A_4  : i32 {
      %mul3A_7 = arith.constant 4 : i32
      %mul3A_8 = arith.muli %scan3A_6, %mul3A_7 : i32
      %add3A_9 = arith.constant 0 : i32
      %add3A_10 = arith.addi %mul3A_8, %add3A_9 : i32
      %dma_start3A = arith.constant 0 : i32
      %dma_start3A_11 = arith.constant 0 : i32
      %dma_start3A_12 = arith.constant 0 : i32
      %dma_start3A_13 = tpu.memref_slice %arg6[%dma_start3A, %dma_start3A_11, %dma_start3A_12] : memref<4x128x32xf32, #tpu.memory_space<vmem>> -> memref<1x128x32xf32, #tpu.memory_space<vmem>>
      %dma_start3A_14 = tpu.memref_squeeze %dma_start3A_13 : memref<1x128x32xf32, #tpu.memory_space<vmem>> -> memref<128x32xf32, #tpu.memory_space<vmem>>
      %dma_start3A_15 = arith.constant 0 : i32
      %dma_start3A_16 = tpu.memref_slice %arg5[%add3A_10, %dma_start3A_15] : memref<64x128xi32, #tpu.memory_space<vmem>> -> memref<1x128xi32, #tpu.memory_space<vmem>>
      %dma_start3A_17 = tpu.memref_squeeze %dma_start3A_16 : memref<1x128xi32, #tpu.memory_space<vmem>> -> memref<128xi32, #tpu.memory_space<vmem>>
      %dma_start3A_18 = arith.constant 0 : i32
      %dma_start3A_19 = arith.constant 0 : i32
      %dma_start3A_20 = tpu.memref_slice %arg2[%dma_start3A_18, %dma_start3A_19] : memref<16384x32xf32, #tpu.memory_space<hbm>> -> memref<16384x32xf32, #tpu.memory_space<hbm>>
      tpu.enqueue_indirect_dma source(%dma_start3A_20 : memref<16384x32xf32, #tpu.memory_space<hbm>>) target(%dma_start3A_14 : memref<128x32xf32, #tpu.memory_space<vmem>>) offsets(%dma_start3A_17 : memref<128xi32, #tpu.memory_space<vmem>>) semaphore(%arg7 : memref<!tpu.dma_semaphore, #tpu.memory_space<semaphore_mem>>)
      %mul3A_21 = arith.constant 4 : i32
      %mul3A_22 = arith.muli %scan3A_6, %mul3A_21 : i32
      %add3A_23 = arith.constant 1 : i32
      %add3A_24 = arith.addi %mul3A_22, %add3A_23 : i32
      %dma_start3A_25 = arith.constant 1 : i32
      %dma_start3A_26 = arith.constant 0 : i32
      %dma_start3A_27 = arith.constant 0 : i32
      %dma_start3A_28 = tpu.memref_slice %arg6[%dma_start3A_25, %dma_start3A_26, %dma_start3A_27] : memref<4x128x32xf32, #tpu.memory_space<vmem>> -> memref<1x128x32xf32, #tpu.memory_space<vmem>>
      %dma_start3A_29 = tpu.memref_squeeze %dma_start3A_28 : memref<1x128x32xf32, #tpu.memory_space<vmem>> -> memref<128x32xf32, #tpu.memory_space<vmem>>
      %dma_start3A_30 = arith.constant 0 : i32
      %dma_start3A_31 = tpu.memref_slice %arg5[%add3A_24, %dma_start3A_30] : memref<64x128xi32, #tpu.memory_space<vmem>> -> memref<1x128xi32, #tpu.memory_space<vmem>>
      %dma_start3A_32 = tpu.memref_squeeze %dma_start3A_31 : memref<1x128xi32, #tpu.memory_space<vmem>> -> memref<128xi32, #tpu.memory_space<vmem>>
      %dma_start3A_33 = arith.constant 0 : i32
      %dma_start3A_34 = arith.constant 0 : i32
      %dma_start3A_35 = tpu.memref_slice %arg2[%dma_start3A_33, %dma_start3A_34] : memref<16384x32xf32, #tpu.memory_space<hbm>> -> memref<16384x32xf32, #tpu.memory_space<hbm>>
      tpu.enqueue_indirect_dma source(%dma_start3A_35 : memref<16384x32xf32, #tpu.memory_space<hbm>>) target(%dma_start3A_29 : memref<128x32xf32, #tpu.memory_space<vmem>>) offsets(%dma_start3A_32 : memref<128xi32, #tpu.memory_space<vmem>>) semaphore(%arg8 : memref<!tpu.dma_semaphore, #tpu.memory_space<semaphore_mem>>)
      %mul3A_36 = arith.constant 4 : i32
      %mul3A_37 = arith.muli %scan3A_6, %mul3A_36 : i32
      %add3A_38 = arith.constant 2 : i32
      %add3A_39 = arith.addi %mul3A_37, %add3A_38 : i32
      %dma_start3A_40 = arith.constant 2 : i32
      %dma_start3A_41 = arith.constant 0 : i32
      %dma_start3A_42 = arith.constant 0 : i32
      %dma_start3A_43 = tpu.memref_slice %arg6[%dma_start3A_40, %dma_start3A_41, %dma_start3A_42] : memref<4x128x32xf32, #tpu.memory_space<vmem>> -> memref<1x128x32xf32, #tpu.memory_space<vmem>>
      %dma_start3A_44 = tpu.memref_squeeze %dma_start3A_43 : memref<1x128x32xf32, #tpu.memory_space<vmem>> -> memref<128x32xf32, #tpu.memory_space<vmem>>
      %dma_start3A_45 = arith.constant 0 : i32
      %dma_start3A_46 = tpu.memref_slice %arg5[%add3A_39, %dma_start3A_45] : memref<64x128xi32, #tpu.memory_space<vmem>> -> memref<1x128xi32, #tpu.memory_space<vmem>>
      %dma_start3A_47 = tpu.memref_squeeze %dma_start3A_46 : memref<1x128xi32, #tpu.memory_space<vmem>> -> memref<128xi32, #tpu.memory_space<vmem>>
      %dma_start3A_48 = arith.constant 0 : i32
      %dma_start3A_49 = arith.constant 0 : i32
      %dma_start3A_50 = tpu.memref_slice %arg2[%dma_start3A_48, %dma_start3A_49] : memref<16384x32xf32, #tpu.memory_space<hbm>> -> memref<16384x32xf32, #tpu.memory_space<hbm>>
      tpu.enqueue_indirect_dma source(%dma_start3A_50 : memref<16384x32xf32, #tpu.memory_space<hbm>>) target(%dma_start3A_44 : memref<128x32xf32, #tpu.memory_space<vmem>>) offsets(%dma_start3A_47 : memref<128xi32, #tpu.memory_space<vmem>>) semaphore(%arg9 : memref<!tpu.dma_semaphore, #tpu.memory_space<semaphore_mem>>)
      %mul3A_51 = arith.constant 4 : i32
      %mul3A_52 = arith.muli %scan3A_6, %mul3A_51 : i32
      %add3A_53 = arith.constant 3 : i32
      %add3A_54 = arith.addi %mul3A_52, %add3A_53 : i32
      %dma_start3A_55 = arith.constant 3 : i32
      %dma_start3A_56 = arith.constant 0 : i32
      %dma_start3A_57 = arith.constant 0 : i32
      %dma_start3A_58 = tpu.memref_slice %arg6[%dma_start3A_55, %dma_start3A_56, %dma_start3A_57] : memref<4x128x32xf32, #tpu.memory_space<vmem>> -> memref<1x128x32xf32, #tpu.memory_space<vmem>>
      %dma_start3A_59 = tpu.memref_squeeze %dma_start3A_58 : memref<1x128x32xf32, #tpu.memory_space<vmem>> -> memref<128x32xf32, #tpu.memory_space<vmem>>
      %dma_start3A_60 = arith.constant 0 : i32
      %dma_start3A_61 = tpu.memref_slice %arg5[%add3A_54, %dma_start3A_60] : memref<64x128xi32, #tpu.memory_space<vmem>> -> memref<1x128xi32, #tpu.memory_space<vmem>>
      %dma_start3A_62 = tpu.memref_squeeze %dma_start3A_61 : memref<1x128xi32, #tpu.memory_space<vmem>> -> memref<128xi32, #tpu.memory_space<vmem>>
      %dma_start3A_63 = arith.constant 0 : i32
      %dma_start3A_64 = arith.constant 0 : i32
      %dma_start3A_65 = tpu.memref_slice %arg2[%dma_start3A_63, %dma_start3A_64] : memref<16384x32xf32, #tpu.memory_space<hbm>> -> memref<16384x32xf32, #tpu.memory_space<hbm>>
      tpu.enqueue_indirect_dma source(%dma_start3A_65 : memref<16384x32xf32, #tpu.memory_space<hbm>>) target(%dma_start3A_59 : memref<128x32xf32, #tpu.memory_space<vmem>>) offsets(%dma_start3A_62 : memref<128xi32, #tpu.memory_space<vmem>>) semaphore(%arg10 : memref<!tpu.dma_semaphore, #tpu.memory_space<semaphore_mem>>)
      %mul3A_66 = arith.constant 4 : i32
      %mul3A_67 = arith.muli %scan3A_6, %mul3A_66 : i32
      %add3A_68 = arith.constant 0 : i32
      %add3A_69 = arith.addi %mul3A_67, %add3A_68 : i32
      %dma_wait3A = arith.constant 0 : i32
      %dma_wait3A_70 = arith.constant 0 : i32
      %dma_wait3A_71 = arith.constant 0 : i32
      %dma_wait3A_72 = tpu.memref_slice %arg6[%dma_wait3A, %dma_wait3A_70, %dma_wait3A_71] : memref<4x128x32xf32, #tpu.memory_space<vmem>> -> memref<1x128x32xf32, #tpu.memory_space<vmem>>
      %dma_wait3A_73 = tpu.memref_squeeze %dma_wait3A_72 : memref<1x128x32xf32, #tpu.memory_space<vmem>> -> memref<128x32xf32, #tpu.memory_space<vmem>>
      %dma_wait3A_74 = arith.constant 0 : i32
      %dma_wait3A_75 = tpu.memref_slice %arg5[%add3A_10, %dma_wait3A_74] : memref<64x128xi32, #tpu.memory_space<vmem>> -> memref<1x128xi32, #tpu.memory_space<vmem>>
      %dma_wait3A_76 = tpu.memref_squeeze %dma_wait3A_75 : memref<1x128xi32, #tpu.memory_space<vmem>> -> memref<128xi32, #tpu.memory_space<vmem>>
      %dma_wait3A_77 = arith.constant 0 : i32
      %dma_wait3A_78 = arith.constant 0 : i32
      %dma_wait3A_79 = tpu.memref_slice %arg2[%dma_wait3A_77, %dma_wait3A_78] : memref<16384x32xf32, #tpu.memory_space<hbm>> -> memref<16384x32xf32, #tpu.memory_space<hbm>>
      tpu.wait_indirect_dma semaphore(%arg7 : memref<!tpu.dma_semaphore, #tpu.memory_space<semaphore_mem>>) src(%dma_wait3A_79 : memref<16384x32xf32, #tpu.memory_space<hbm>>) dst(%dma_wait3A_73 : memref<128x32xf32, #tpu.memory_space<vmem>>)
      %dma_start3A_80 = arith.constant 0 : i32
      %dma_start3A_81 = arith.constant 0 : i32
      %dma_start3A_82 = arith.constant 0 : i32
      %dma_start3A_83 = tpu.memref_slice %arg6[%dma_start3A_80, %dma_start3A_81, %dma_start3A_82] : memref<4x128x32xf32, #tpu.memory_space<vmem>> -> memref<1x128x32xf32, #tpu.memory_space<vmem>>
      %dma_start3A_84 = tpu.memref_squeeze %dma_start3A_83 : memref<1x128x32xf32, #tpu.memory_space<vmem>> -> memref<128x32xf32, #tpu.memory_space<vmem>>
      %dma_start3A_85 = arith.constant 0 : i32
      %dma_start3A_86 = arith.constant 0 : i32
      %dma_start3A_87 = tpu.memref_slice %arg4[%add3A, %add3A_69, %dma_start3A_85, %dma_start3A_86] : memref<32x64x128x32xf32, #tpu.memory_space<hbm>> -> memref<1x1x128x32xf32, #tpu.memory_space<hbm>>
      %dma_start3A_88 = tpu.memref_squeeze %dma_start3A_87 : memref<1x1x128x32xf32, #tpu.memory_space<hbm>> -> memref<128x32xf32, #tpu.memory_space<hbm>>
      %dma_start3A_89 = arith.constant 0 : i32
      %dma_start3A_90 = arith.constant 0 : i32
      %dma_start3A_91 = tpu.memref_slice %arg4[%add3A, %add3A_69, %dma_start3A_89, %dma_start3A_90] : memref<32x64x128x32xf32, #tpu.memory_space<hbm>> -> memref<1x1x128x32xf32, #tpu.memory_space<hbm>>
      %dma_start3A_92 = tpu.memref_squeeze %dma_start3A_91 : memref<1x1x128x32xf32, #tpu.memory_space<hbm>> -> memref<128x32xf32, #tpu.memory_space<hbm>>
      %dma_start3A_93 = arith.constant 0 : i32
      %dma_start3A_94 = arith.constant 0 : i32
      %dma_start3A_95 = tpu.memref_slice %arg6[%dma_start3A_80, %dma_start3A_93, %dma_start3A_94] : memref<4x128x32xf32, #tpu.memory_space<vmem>> -> memref<1x128x32xf32, #tpu.memory_space<vmem>>
      %dma_start3A_96 = tpu.memref_squeeze %dma_start3A_95 : memref<1x128x32xf32, #tpu.memory_space<vmem>> -> memref<128x32xf32, #tpu.memory_space<vmem>>
      tpu.enqueue_dma source(%dma_start3A_96 : memref<128x32xf32, #tpu.memory_space<vmem>>) target(%dma_start3A_92 : memref<128x32xf32, #tpu.memory_space<hbm>>) target_semaphore(%arg11 : memref<!tpu.dma_semaphore, #tpu.memory_space<semaphore_mem>>)
      %mul3A_97 = arith.constant 4 : i32
      %mul3A_98 = arith.muli %scan3A_6, %mul3A_97 : i32
      %add3A_99 = arith.constant 1 : i32
      %add3A_100 = arith.addi %mul3A_98, %add3A_99 : i32
      %dma_wait3A_101 = arith.constant 1 : i32
      %dma_wait3A_102 = arith.constant 0 : i32
      %dma_wait3A_103 = arith.constant 0 : i32
      %dma_wait3A_104 = tpu.memref_slice %arg6[%dma_wait3A_101, %dma_wait3A_102, %dma_wait3A_103] : memref<4x128x32xf32, #tpu.memory_space<vmem>> -> memref<1x128x32xf32, #tpu.memory_space<vmem>>
      %dma_wait3A_105 = tpu.memref_squeeze %dma_wait3A_104 : memref<1x128x32xf32, #tpu.memory_space<vmem>> -> memref<128x32xf32, #tpu.memory_space<vmem>>
      %dma_wait3A_106 = arith.constant 0 : i32
      %dma_wait3A_107 = tpu.memref_slice %arg5[%add3A_24, %dma_wait3A_106] : memref<64x128xi32, #tpu.memory_space<vmem>> -> memref<1x128xi32, #tpu.memory_space<vmem>>
      %dma_wait3A_108 = tpu.memref_squeeze %dma_wait3A_107 : memref<1x128xi32, #tpu.memory_space<vmem>> -> memref<128xi32, #tpu.memory_space<vmem>>
      %dma_wait3A_109 = arith.constant 0 : i32
      %dma_wait3A_110 = arith.constant 0 : i32
      %dma_wait3A_111 = tpu.memref_slice %arg2[%dma_wait3A_109, %dma_wait3A_110] : memref<16384x32xf32, #tpu.memory_space<hbm>> -> memref<16384x32xf32, #tpu.memory_space<hbm>>
      tpu.wait_indirect_dma semaphore(%arg8 : memref<!tpu.dma_semaphore, #tpu.memory_space<semaphore_mem>>) src(%dma_wait3A_111 : memref<16384x32xf32, #tpu.memory_space<hbm>>) dst(%dma_wait3A_105 : memref<128x32xf32, #tpu.memory_space<vmem>>)
      %dma_start3A_112 = arith.constant 1 : i32
      %dma_start3A_113 = arith.constant 0 : i32
      %dma_start3A_114 = arith.constant 0 : i32
      %dma_start3A_115 = tpu.memref_slice %arg6[%dma_start3A_112, %dma_start3A_113, %dma_start3A_114] : memref<4x128x32xf32, #tpu.memory_space<vmem>> -> memref<1x128x32xf32, #tpu.memory_space<vmem>>
      %dma_start3A_116 = tpu.memref_squeeze %dma_start3A_115 : memref<1x128x32xf32, #tpu.memory_space<vmem>> -> memref<128x32xf32, #tpu.memory_space<vmem>>
      %dma_start3A_117 = arith.constant 0 : i32
      %dma_start3A_118 = arith.constant 0 : i32
      %dma_start3A_119 = tpu.memref_slice %arg4[%add3A, %add3A_100, %dma_start3A_117, %dma_start3A_118] : memref<32x64x128x32xf32, #tpu.memory_space<hbm>> -> memref<1x1x128x32xf32, #tpu.memory_space<hbm>>
      %dma_start3A_120 = tpu.memref_squeeze %dma_start3A_119 : memref<1x1x128x32xf32, #tpu.memory_space<hbm>> -> memref<128x32xf32, #tpu.memory_space<hbm>>
      %dma_start3A_121 = arith.constant 0 : i32
      %dma_start3A_122 = arith.constant 0 : i32
      %dma_start3A_123 = tpu.memref_slice %arg4[%add3A, %add3A_100, %dma_start3A_121, %dma_start3A_122] : memref<32x64x128x32xf32, #tpu.memory_space<hbm>> -> memref<1x1x128x32xf32, #tpu.memory_space<hbm>>
      %dma_start3A_124 = tpu.memref_squeeze %dma_start3A_123 : memref<1x1x128x32xf32, #tpu.memory_space<hbm>> -> memref<128x32xf32, #tpu.memory_space<hbm>>
      %dma_start3A_125 = arith.constant 0 : i32
      %dma_start3A_126 = arith.constant 0 : i32
      %dma_start3A_127 = tpu.memref_slice %arg6[%dma_start3A_112, %dma_start3A_125, %dma_start3A_126] : memref<4x128x32xf32, #tpu.memory_space<vmem>> -> memref<1x128x32xf32, #tpu.memory_space<vmem>>
      %dma_start3A_128 = tpu.memref_squeeze %dma_start3A_127 : memref<1x128x32xf32, #tpu.memory_space<vmem>> -> memref<128x32xf32, #tpu.memory_space<vmem>>
      tpu.enqueue_dma source(%dma_start3A_128 : memref<128x32xf32, #tpu.memory_space<vmem>>) target(%dma_start3A_124 : memref<128x32xf32, #tpu.memory_space<hbm>>) target_semaphore(%arg12 : memref<!tpu.dma_semaphore, #tpu.memory_space<semaphore_mem>>)
      %mul3A_129 = arith.constant 4 : i32
      %mul3A_130 = arith.muli %scan3A_6, %mul3A_129 : i32
      %add3A_131 = arith.constant 2 : i32
      %add3A_132 = arith.addi %mul3A_130, %add3A_131 : i32
      %dma_wait3A_133 = arith.constant 2 : i32
      %dma_wait3A_134 = arith.constant 0 : i32
      %dma_wait3A_135 = arith.constant 0 : i32
      %dma_wait3A_136 = tpu.memref_slice %arg6[%dma_wait3A_133, %dma_wait3A_134, %dma_wait3A_135] : memref<4x128x32xf32, #tpu.memory_space<vmem>> -> memref<1x128x32xf32, #tpu.memory_space<vmem>>
      %dma_wait3A_137 = tpu.memref_squeeze %dma_wait3A_136 : memref<1x128x32xf32, #tpu.memory_space<vmem>> -> memref<128x32xf32, #tpu.memory_space<vmem>>
      %dma_wait3A_138 = arith.constant 0 : i32
      %dma_wait3A_139 = tpu.memref_slice %arg5[%add3A_39, %dma_wait3A_138] : memref<64x128xi32, #tpu.memory_space<vmem>> -> memref<1x128xi32, #tpu.memory_space<vmem>>
      %dma_wait3A_140 = tpu.memref_squeeze %dma_wait3A_139 : memref<1x128xi32, #tpu.memory_space<vmem>> -> memref<128xi32, #tpu.memory_space<vmem>>
      %dma_wait3A_141 = arith.constant 0 : i32
      %dma_wait3A_142 = arith.constant 0 : i32
      %dma_wait3A_143 = tpu.memref_slice %arg2[%dma_wait3A_141, %dma_wait3A_142] : memref<16384x32xf32, #tpu.memory_space<hbm>> -> memref<16384x32xf32, #tpu.memory_space<hbm>>
      tpu.wait_indirect_dma semaphore(%arg9 : memref<!tpu.dma_semaphore, #tpu.memory_space<semaphore_mem>>) src(%dma_wait3A_143 : memref<16384x32xf32, #tpu.memory_space<hbm>>) dst(%dma_wait3A_137 : memref<128x32xf32, #tpu.memory_space<vmem>>)
      %dma_start3A_144 = arith.constant 2 : i32
      %dma_start3A_145 = arith.constant 0 : i32
      %dma_start3A_146 = arith.constant 0 : i32
      %dma_start3A_147 = tpu.memref_slice %arg6[%dma_start3A_144, %dma_start3A_145, %dma_start3A_146] : memref<4x128x32xf32, #tpu.memory_space<vmem>> -> memref<1x128x32xf32, #tpu.memory_space<vmem>>
      %dma_start3A_148 = tpu.memref_squeeze %dma_start3A_147 : memref<1x128x32xf32, #tpu.memory_space<vmem>> -> memref<128x32xf32, #tpu.memory_space<vmem>>
      %dma_start3A_149 = arith.constant 0 : i32
      %dma_start3A_150 = arith.constant 0 : i32
      %dma_start3A_151 = tpu.memref_slice %arg4[%add3A, %add3A_132, %dma_start3A_149, %dma_start3A_150] : memref<32x64x128x32xf32, #tpu.memory_space<hbm>> -> memref<1x1x128x32xf32, #tpu.memory_space<hbm>>
      %dma_start3A_152 = tpu.memref_squeeze %dma_start3A_151 : memref<1x1x128x32xf32, #tpu.memory_space<hbm>> -> memref<128x32xf32, #tpu.memory_space<hbm>>
      %dma_start3A_153 = arith.constant 0 : i32
      %dma_start3A_154 = arith.constant 0 : i32
      %dma_start3A_155 = tpu.memref_slice %arg4[%add3A, %add3A_132, %dma_start3A_153, %dma_start3A_154] : memref<32x64x128x32xf32, #tpu.memory_space<hbm>> -> memref<1x1x128x32xf32, #tpu.memory_space<hbm>>
      %dma_start3A_156 = tpu.memref_squeeze %dma_start3A_155 : memref<1x1x128x32xf32, #tpu.memory_space<hbm>> -> memref<128x32xf32, #tpu.memory_space<hbm>>
      %dma_start3A_157 = arith.constant 0 : i32
      %dma_start3A_158 = arith.constant 0 : i32
      %dma_start3A_159 = tpu.memref_slice %arg6[%dma_start3A_144, %dma_start3A_157, %dma_start3A_158] : memref<4x128x32xf32, #tpu.memory_space<vmem>> -> memref<1x128x32xf32, #tpu.memory_space<vmem>>
      %dma_start3A_160 = tpu.memref_squeeze %dma_start3A_159 : memref<1x128x32xf32, #tpu.memory_space<vmem>> -> memref<128x32xf32, #tpu.memory_space<vmem>>
      tpu.enqueue_dma source(%dma_start3A_160 : memref<128x32xf32, #tpu.memory_space<vmem>>) target(%dma_start3A_156 : memref<128x32xf32, #tpu.memory_space<hbm>>) target_semaphore(%arg13 : memref<!tpu.dma_semaphore, #tpu.memory_space<semaphore_mem>>)
      %mul3A_161 = arith.constant 4 : i32
      %mul3A_162 = arith.muli %scan3A_6, %mul3A_161 : i32
      %add3A_163 = arith.constant 3 : i32
      %add3A_164 = arith.addi %mul3A_162, %add3A_163 : i32
      %dma_wait3A_165 = arith.constant 3 : i32
      %dma_wait3A_166 = arith.constant 0 : i32
      %dma_wait3A_167 = arith.constant 0 : i32
      %dma_wait3A_168 = tpu.memref_slice %arg6[%dma_wait3A_165, %dma_wait3A_166, %dma_wait3A_167] : memref<4x128x32xf32, #tpu.memory_space<vmem>> -> memref<1x128x32xf32, #tpu.memory_space<vmem>>
      %dma_wait3A_169 = tpu.memref_squeeze %dma_wait3A_168 : memref<1x128x32xf32, #tpu.memory_space<vmem>> -> memref<128x32xf32, #tpu.memory_space<vmem>>
      %dma_wait3A_170 = arith.constant 0 : i32
      %dma_wait3A_171 = tpu.memref_slice %arg5[%add3A_54, %dma_wait3A_170] : memref<64x128xi32, #tpu.memory_space<vmem>> -> memref<1x128xi32, #tpu.memory_space<vmem>>
      %dma_wait3A_172 = tpu.memref_squeeze %dma_wait3A_171 : memref<1x128xi32, #tpu.memory_space<vmem>> -> memref<128xi32, #tpu.memory_space<vmem>>
      %dma_wait3A_173 = arith.constant 0 : i32
      %dma_wait3A_174 = arith.constant 0 : i32
      %dma_wait3A_175 = tpu.memref_slice %arg2[%dma_wait3A_173, %dma_wait3A_174] : memref<16384x32xf32, #tpu.memory_space<hbm>> -> memref<16384x32xf32, #tpu.memory_space<hbm>>
      tpu.wait_indirect_dma semaphore(%arg10 : memref<!tpu.dma_semaphore, #tpu.memory_space<semaphore_mem>>) src(%dma_wait3A_175 : memref<16384x32xf32, #tpu.memory_space<hbm>>) dst(%dma_wait3A_169 : memref<128x32xf32, #tpu.memory_space<vmem>>)
      %dma_start3A_176 = arith.constant 3 : i32
      %dma_start3A_177 = arith.constant 0 : i32
      %dma_start3A_178 = arith.constant 0 : i32
      %dma_start3A_179 = tpu.memref_slice %arg6[%dma_start3A_176, %dma_start3A_177, %dma_start3A_178] : memref<4x128x32xf32, #tpu.memory_space<vmem>> -> memref<1x128x32xf32, #tpu.memory_space<vmem>>
      %dma_start3A_180 = tpu.memref_squeeze %dma_start3A_179 : memref<1x128x32xf32, #tpu.memory_space<vmem>> -> memref<128x32xf32, #tpu.memory_space<vmem>>
      %dma_start3A_181 = arith.constant 0 : i32
      %dma_start3A_182 = arith.constant 0 : i32
      %dma_start3A_183 = tpu.memref_slice %arg4[%add3A, %add3A_164, %dma_start3A_181, %dma_start3A_182] : memref<32x64x128x32xf32, #tpu.memory_space<hbm>> -> memref<1x1x128x32xf32, #tpu.memory_space<hbm>>
      %dma_start3A_184 = tpu.memref_squeeze %dma_start3A_183 : memref<1x1x128x32xf32, #tpu.memory_space<hbm>> -> memref<128x32xf32, #tpu.memory_space<hbm>>
      %dma_start3A_185 = arith.constant 0 : i32
      %dma_start3A_186 = arith.constant 0 : i32
      %dma_start3A_187 = tpu.memref_slice %arg4[%add3A, %add3A_164, %dma_start3A_185, %dma_start3A_186] : memref<32x64x128x32xf32, #tpu.memory_space<hbm>> -> memref<1x1x128x32xf32, #tpu.memory_space<hbm>>
      %dma_start3A_188 = tpu.memref_squeeze %dma_start3A_187 : memref<1x1x128x32xf32, #tpu.memory_space<hbm>> -> memref<128x32xf32, #tpu.memory_space<hbm>>
      %dma_start3A_189 = arith.constant 0 : i32
      %dma_start3A_190 = arith.constant 0 : i32
      %dma_start3A_191 = tpu.memref_slice %arg6[%dma_start3A_176, %dma_start3A_189, %dma_start3A_190] : memref<4x128x32xf32, #tpu.memory_space<vmem>> -> memref<1x128x32xf32, #tpu.memory_space<vmem>>
      %dma_start3A_192 = tpu.memref_squeeze %dma_start3A_191 : memref<1x128x32xf32, #tpu.memory_space<vmem>> -> memref<128x32xf32, #tpu.memory_space<vmem>>
      tpu.enqueue_dma source(%dma_start3A_192 : memref<128x32xf32, #tpu.memory_space<vmem>>) target(%dma_start3A_188 : memref<128x32xf32, #tpu.memory_space<hbm>>) target_semaphore(%arg14 : memref<!tpu.dma_semaphore, #tpu.memory_space<semaphore_mem>>)
      %dma_wait3A_193 = arith.constant 0 : i32
      %dma_wait3A_194 = arith.constant 0 : i32
      %dma_wait3A_195 = arith.constant 0 : i32
      %dma_wait3A_196 = tpu.memref_slice %arg6[%dma_wait3A_193, %dma_wait3A_194, %dma_wait3A_195] : memref<4x128x32xf32, #tpu.memory_space<vmem>> -> memref<1x128x32xf32, #tpu.memory_space<vmem>>
      %dma_wait3A_197 = tpu.memref_squeeze %dma_wait3A_196 : memref<1x128x32xf32, #tpu.memory_space<vmem>> -> memref<128x32xf32, #tpu.memory_space<vmem>>
      %dma_wait3A_198 = arith.constant 0 : i32
      %dma_wait3A_199 = arith.constant 0 : i32
      %dma_wait3A_200 = tpu.memref_slice %arg4[%add3A, %add3A_69, %dma_wait3A_198, %dma_wait3A_199] : memref<32x64x128x32xf32, #tpu.memory_space<hbm>> -> memref<1x1x128x32xf32, #tpu.memory_space<hbm>>
      %dma_wait3A_201 = tpu.memref_squeeze %dma_wait3A_200 : memref<1x1x128x32xf32, #tpu.memory_space<hbm>> -> memref<128x32xf32, #tpu.memory_space<hbm>>
      %dma_wait3A_202 = arith.constant 0 : i32
      %dma_wait3A_203 = arith.constant 0 : i32
      %dma_wait3A_204 = tpu.memref_slice %arg4[%add3A, %add3A_69, %dma_wait3A_202, %dma_wait3A_203] : memref<32x64x128x32xf32, #tpu.memory_space<hbm>> -> memref<1x1x128x32xf32, #tpu.memory_space<hbm>>
      %dma_wait3A_205 = tpu.memref_squeeze %dma_wait3A_204 : memref<1x1x128x32xf32, #tpu.memory_space<hbm>> -> memref<128x32xf32, #tpu.memory_space<hbm>>
      %dma_wait3A_206 = arith.constant 0 : i32
      %dma_wait3A_207 = arith.constant 0 : i32
      %dma_wait3A_208 = tpu.memref_slice %arg6[%dma_wait3A_193, %dma_wait3A_206, %dma_wait3A_207] : memref<4x128x32xf32, #tpu.memory_space<vmem>> -> memref<1x128x32xf32, #tpu.memory_space<vmem>>
      %dma_wait3A_209 = tpu.memref_squeeze %dma_wait3A_208 : memref<1x128x32xf32, #tpu.memory_space<vmem>> -> memref<128x32xf32, #tpu.memory_space<vmem>>
      tpu.wait_dma2 semaphore(%arg11 : memref<!tpu.dma_semaphore, #tpu.memory_space<semaphore_mem>>) src(%dma_wait3A_209 : memref<128x32xf32, #tpu.memory_space<vmem>>) dst(%dma_wait3A_205 : memref<128x32xf32, #tpu.memory_space<hbm>>)
      %dma_wait3A_210 = arith.constant 1 : i32
      %dma_wait3A_211 = arith.constant 0 : i32
      %dma_wait3A_212 = arith.constant 0 : i32
      %dma_wait3A_213 = tpu.memref_slice %arg6[%dma_wait3A_210, %dma_wait3A_211, %dma_wait3A_212] : memref<4x128x32xf32, #tpu.memory_space<vmem>> -> memref<1x128x32xf32, #tpu.memory_space<vmem>>
      %dma_wait3A_214 = tpu.memref_squeeze %dma_wait3A_213 : memref<1x128x32xf32, #tpu.memory_space<vmem>> -> memref<128x32xf32, #tpu.memory_space<vmem>>
      %dma_wait3A_215 = arith.constant 0 : i32
      %dma_wait3A_216 = arith.constant 0 : i32
      %dma_wait3A_217 = tpu.memref_slice %arg4[%add3A, %add3A_100, %dma_wait3A_215, %dma_wait3A_216] : memref<32x64x128x32xf32, #tpu.memory_space<hbm>> -> memref<1x1x128x32xf32, #tpu.memory_space<hbm>>
      %dma_wait3A_218 = tpu.memref_squeeze %dma_wait3A_217 : memref<1x1x128x32xf32, #tpu.memory_space<hbm>> -> memref<128x32xf32, #tpu.memory_space<hbm>>
      %dma_wait3A_219 = arith.constant 0 : i32
      %dma_wait3A_220 = arith.constant 0 : i32
      %dma_wait3A_221 = tpu.memref_slice %arg4[%add3A, %add3A_100, %dma_wait3A_219, %dma_wait3A_220] : memref<32x64x128x32xf32, #tpu.memory_space<hbm>> -> memref<1x1x128x32xf32, #tpu.memory_space<hbm>>
      %dma_wait3A_222 = tpu.memref_squeeze %dma_wait3A_221 : memref<1x1x128x32xf32, #tpu.memory_space<hbm>> -> memref<128x32xf32, #tpu.memory_space<hbm>>
      %dma_wait3A_223 = arith.constant 0 : i32
      %dma_wait3A_224 = arith.constant 0 : i32
      %dma_wait3A_225 = tpu.memref_slice %arg6[%dma_wait3A_210, %dma_wait3A_223, %dma_wait3A_224] : memref<4x128x32xf32, #tpu.memory_space<vmem>> -> memref<1x128x32xf32, #tpu.memory_space<vmem>>
      %dma_wait3A_226 = tpu.memref_squeeze %dma_wait3A_225 : memref<1x128x32xf32, #tpu.memory_space<vmem>> -> memref<128x32xf32, #tpu.memory_space<vmem>>
      tpu.wait_dma2 semaphore(%arg12 : memref<!tpu.dma_semaphore, #tpu.memory_space<semaphore_mem>>) src(%dma_wait3A_226 : memref<128x32xf32, #tpu.memory_space<vmem>>) dst(%dma_wait3A_222 : memref<128x32xf32, #tpu.memory_space<hbm>>)
      %dma_wait3A_227 = arith.constant 2 : i32
      %dma_wait3A_228 = arith.constant 0 : i32
      %dma_wait3A_229 = arith.constant 0 : i32
      %dma_wait3A_230 = tpu.memref_slice %arg6[%dma_wait3A_227, %dma_wait3A_228, %dma_wait3A_229] : memref<4x128x32xf32, #tpu.memory_space<vmem>> -> memref<1x128x32xf32, #tpu.memory_space<vmem>>
      %dma_wait3A_231 = tpu.memref_squeeze %dma_wait3A_230 : memref<1x128x32xf32, #tpu.memory_space<vmem>> -> memref<128x32xf32, #tpu.memory_space<vmem>>
      %dma_wait3A_232 = arith.constant 0 : i32
      %dma_wait3A_233 = arith.constant 0 : i32
      %dma_wait3A_234 = tpu.memref_slice %arg4[%add3A, %add3A_132, %dma_wait3A_232, %dma_wait3A_233] : memref<32x64x128x32xf32, #tpu.memory_space<hbm>> -> memref<1x1x128x32xf32, #tpu.memory_space<hbm>>
      %dma_wait3A_235 = tpu.memref_squeeze %dma_wait3A_234 : memref<1x1x128x32xf32, #tpu.memory_space<hbm>> -> memref<128x32xf32, #tpu.memory_space<hbm>>
      %dma_wait3A_236 = arith.constant 0 : i32
      %dma_wait3A_237 = arith.constant 0 : i32
      %dma_wait3A_238 = tpu.memref_slice %arg4[%add3A, %add3A_132, %dma_wait3A_236, %dma_wait3A_237] : memref<32x64x128x32xf32, #tpu.memory_space<hbm>> -> memref<1x1x128x32xf32, #tpu.memory_space<hbm>>
      %dma_wait3A_239 = tpu.memref_squeeze %dma_wait3A_238 : memref<1x1x128x32xf32, #tpu.memory_space<hbm>> -> memref<128x32xf32, #tpu.memory_space<hbm>>
      %dma_wait3A_240 = arith.constant 0 : i32
      %dma_wait3A_241 = arith.constant 0 : i32
      %dma_wait3A_242 = tpu.memref_slice %arg6[%dma_wait3A_227, %dma_wait3A_240, %dma_wait3A_241] : memref<4x128x32xf32, #tpu.memory_space<vmem>> -> memref<1x128x32xf32, #tpu.memory_space<vmem>>
      %dma_wait3A_243 = tpu.memref_squeeze %dma_wait3A_242 : memref<1x128x32xf32, #tpu.memory_space<vmem>> -> memref<128x32xf32, #tpu.memory_space<vmem>>
      tpu.wait_dma2 semaphore(%arg13 : memref<!tpu.dma_semaphore, #tpu.memory_space<semaphore_mem>>) src(%dma_wait3A_243 : memref<128x32xf32, #tpu.memory_space<vmem>>) dst(%dma_wait3A_239 : memref<128x32xf32, #tpu.memory_space<hbm>>)
      %dma_wait3A_244 = arith.constant 3 : i32
      %dma_wait3A_245 = arith.constant 0 : i32
      %dma_wait3A_246 = arith.constant 0 : i32
      %dma_wait3A_247 = tpu.memref_slice %arg6[%dma_wait3A_244, %dma_wait3A_245, %dma_wait3A_246] : memref<4x128x32xf32, #tpu.memory_space<vmem>> -> memref<1x128x32xf32, #tpu.memory_space<vmem>>
      %dma_wait3A_248 = tpu.memref_squeeze %dma_wait3A_247 : memref<1x128x32xf32, #tpu.memory_space<vmem>> -> memref<128x32xf32, #tpu.memory_space<vmem>>
      %dma_wait3A_249 = arith.constant 0 : i32
      %dma_wait3A_250 = arith.constant 0 : i32
      %dma_wait3A_251 = tpu.memref_slice %arg4[%add3A, %add3A_164, %dma_wait3A_249, %dma_wait3A_250] : memref<32x64x128x32xf32, #tpu.memory_space<hbm>> -> memref<1x1x128x32xf32, #tpu.memory_space<hbm>>
      %dma_wait3A_252 = tpu.memref_squeeze %dma_wait3A_251 : memref<1x1x128x32xf32, #tpu.memory_space<hbm>> -> memref<128x32xf32, #tpu.memory_space<hbm>>
      %dma_wait3A_253 = arith.constant 0 : i32
      %dma_wait3A_254 = arith.constant 0 : i32
      %dma_wait3A_255 = tpu.memref_slice %arg4[%add3A, %add3A_164, %dma_wait3A_253, %dma_wait3A_254] : memref<32x64x128x32xf32, #tpu.memory_space<hbm>> -> memref<1x1x128x32xf32, #tpu.memory_space<hbm>>
      %dma_wait3A_256 = tpu.memref_squeeze %dma_wait3A_255 : memref<1x1x128x32xf32, #tpu.memory_space<hbm>> -> memref<128x32xf32, #tpu.memory_space<hbm>>
      %dma_wait3A_257 = arith.constant 0 : i32
      %dma_wait3A_258 = arith.constant 0 : i32
      %dma_wait3A_259 = tpu.memref_slice %arg6[%dma_wait3A_244, %dma_wait3A_257, %dma_wait3A_258] : memref<4x128x32xf32, #tpu.memory_space<vmem>> -> memref<1x128x32xf32, #tpu.memory_space<vmem>>
      %dma_wait3A_260 = tpu.memref_squeeze %dma_wait3A_259 : memref<1x128x32xf32, #tpu.memory_space<vmem>> -> memref<128x32xf32, #tpu.memory_space<vmem>>
      tpu.wait_dma2 semaphore(%arg14 : memref<!tpu.dma_semaphore, #tpu.memory_space<semaphore_mem>>) src(%dma_wait3A_260 : memref<128x32xf32, #tpu.memory_space<vmem>>) dst(%dma_wait3A_256 : memref<128x32xf32, #tpu.memory_space<hbm>>)
    }
    %scan3A_5 = arith.constant 16 : i32
    return
  }
}

#map = affine_map<(d0, d1) -> (0, 0)>
#map1 = affine_map<(d0, d1) -> (0, 0, 0)>
#map2 = affine_map<(d0, d1) -> (0, 0, 0, 0)>
module attributes {stable_mosaic.version = 14 : i64} {
  func.func @gather_kernel(%arg0: i32, %arg1: i32, %arg2: memref<16384x128xf32, #tpu.memory_space<hbm>>, %arg3: memref<32x64x128xi32, #tpu.memory_space<hbm>>, %arg4: memref<32x64x128x128xf32, #tpu.memory_space<hbm>>, %arg5: memref<64x128xi32, #tpu.memory_space<vmem>>, %arg6: memref<4x128x128xf32, #tpu.memory_space<vmem>>, %arg7: memref<!tpu.dma_semaphore, #tpu.memory_space<semaphore_mem>>, %arg8: memref<!tpu.dma_semaphore, #tpu.memory_space<semaphore_mem>>, %arg9: memref<!tpu.dma_semaphore, #tpu.memory_space<semaphore_mem>>, %arg10: memref<!tpu.dma_semaphore, #tpu.memory_space<semaphore_mem>>, %arg11: memref<!tpu.dma_semaphore, #tpu.memory_space<semaphore_mem>>, %arg12: memref<!tpu.dma_semaphore, #tpu.memory_space<semaphore_mem>>, %arg13: memref<!tpu.dma_semaphore, #tpu.memory_space<semaphore_mem>>, %arg14: memref<!tpu.dma_semaphore, #tpu.memory_space<semaphore_mem>>) attributes {dimension_semantics = [#tpu.dimension_semantics<core_parallel>, #tpu.dimension_semantics<subcore_parallel>], iteration_bounds = array<i64: 2, 16>, scalar_prefetch = 0 : i64, scratch_operands = 10 : i64, tpu.core_type = #tpu.core_type<sc_vector_subcore>, window_params = [{transform_indices = #map}, {transform_indices = #map1}, {transform_indices = #map2}]} {
    %mul3A = arith.constant 2 : i32
    %mul3A_0 = arith.muli %arg1, %mul3A : i32
    %add3A = arith.addi %mul3A_0, %arg0 : i32
    "tpu.region"() ({
      %run_scoped3A = tpu.sem_alloc : memref<!tpu.dma_semaphore, #tpu.memory_space<semaphore_mem>>
      %dma_start3A = arith.constant 0 : i32
      %dma_start3A_6 = arith.constant 0 : i32
      %dma_start3A_7 = tpu.memref_slice %arg3[%add3A, %dma_start3A, %dma_start3A_6] : memref<32x64x128xi32, #tpu.memory_space<hbm>> -> memref<1x64x128xi32, #tpu.memory_space<hbm>>
      %dma_start3A_8 = tpu.memref_squeeze %dma_start3A_7 : memref<1x64x128xi32, #tpu.memory_space<hbm>> -> memref<64x128xi32, #tpu.memory_space<hbm>>
      %dma_start3A_9 = arith.constant 0 : i32
      %dma_start3A_10 = arith.constant 0 : i32
      %dma_start3A_11 = tpu.memref_slice %arg3[%add3A, %dma_start3A_9, %dma_start3A_10] : memref<32x64x128xi32, #tpu.memory_space<hbm>> -> memref<1x64x128xi32, #tpu.memory_space<hbm>>
      %dma_start3A_12 = tpu.memref_squeeze %dma_start3A_11 : memref<1x64x128xi32, #tpu.memory_space<hbm>> -> memref<64x128xi32, #tpu.memory_space<hbm>>
      tpu.enqueue_dma source(%dma_start3A_12 : memref<64x128xi32, #tpu.memory_space<hbm>>) target(%arg5 : memref<64x128xi32, #tpu.memory_space<vmem>>) target_semaphore(%run_scoped3A : memref<!tpu.dma_semaphore, #tpu.memory_space<semaphore_mem>>)
      %dma_wait3A = arith.constant 0 : i32
      %dma_wait3A_13 = arith.constant 0 : i32
      %dma_wait3A_14 = tpu.memref_slice %arg3[%add3A, %dma_wait3A, %dma_wait3A_13] : memref<32x64x128xi32, #tpu.memory_space<hbm>> -> memref<1x64x128xi32, #tpu.memory_space<hbm>>
      %dma_wait3A_15 = tpu.memref_squeeze %dma_wait3A_14 : memref<1x64x128xi32, #tpu.memory_space<hbm>> -> memref<64x128xi32, #tpu.memory_space<hbm>>
      %dma_wait3A_16 = arith.constant 0 : i32
      %dma_wait3A_17 = arith.constant 0 : i32
      %dma_wait3A_18 = tpu.memref_slice %arg3[%add3A, %dma_wait3A_16, %dma_wait3A_17] : memref<32x64x128xi32, #tpu.memory_space<hbm>> -> memref<1x64x128xi32, #tpu.memory_space<hbm>>
      %dma_wait3A_19 = tpu.memref_squeeze %dma_wait3A_18 : memref<1x64x128xi32, #tpu.memory_space<hbm>> -> memref<64x128xi32, #tpu.memory_space<hbm>>
      tpu.wait_dma2 semaphore(%run_scoped3A : memref<!tpu.dma_semaphore, #tpu.memory_space<semaphore_mem>>) src(%dma_wait3A_19 : memref<64x128xi32, #tpu.memory_space<hbm>>) dst(%arg5 : memref<64x128xi32, #tpu.memory_space<vmem>>)
      tpu.yield
    }) : () -> ()
    %scan3A = arith.constant 0 : i32
    %scan3A_1 = arith.constant 0 : i32
    %scan3A_2 = arith.constant 16 : i32
    %scan3A_3 = arith.addi %scan3A_1, %scan3A_2 : i32
    %scan3A_4 = arith.constant 1 : i32
    scf.for %scan3A_6 = %scan3A_1 to %scan3A_3 step %scan3A_4  : i32 {
      %mul3A_7 = arith.constant 4 : i32
      %mul3A_8 = arith.muli %scan3A_6, %mul3A_7 : i32
      %add3A_9 = arith.constant 0 : i32
      %add3A_10 = arith.addi %mul3A_8, %add3A_9 : i32
      %dma_start3A = arith.constant 0 : i32
      %dma_start3A_11 = arith.constant 0 : i32
      %dma_start3A_12 = arith.constant 0 : i32
      %dma_start3A_13 = tpu.memref_slice %arg6[%dma_start3A, %dma_start3A_11, %dma_start3A_12] : memref<4x128x128xf32, #tpu.memory_space<vmem>> -> memref<1x128x128xf32, #tpu.memory_space<vmem>>
      %dma_start3A_14 = tpu.memref_squeeze %dma_start3A_13 : memref<1x128x128xf32, #tpu.memory_space<vmem>> -> memref<128x128xf32, #tpu.memory_space<vmem>>
      %dma_start3A_15 = arith.constant 0 : i32
      %dma_start3A_16 = tpu.memref_slice %arg5[%add3A_10, %dma_start3A_15] : memref<64x128xi32, #tpu.memory_space<vmem>> -> memref<1x128xi32, #tpu.memory_space<vmem>>
      %dma_start3A_17 = tpu.memref_squeeze %dma_start3A_16 : memref<1x128xi32, #tpu.memory_space<vmem>> -> memref<128xi32, #tpu.memory_space<vmem>>
      %dma_start3A_18 = arith.constant 0 : i32
      %dma_start3A_19 = arith.constant 0 : i32
      %dma_start3A_20 = tpu.memref_slice %arg2[%dma_start3A_18, %dma_start3A_19] : memref<16384x128xf32, #tpu.memory_space<hbm>> -> memref<16384x128xf32, #tpu.memory_space<hbm>>
      tpu.enqueue_indirect_dma source(%dma_start3A_20 : memref<16384x128xf32, #tpu.memory_space<hbm>>) target(%dma_start3A_14 : memref<128x128xf32, #tpu.memory_space<vmem>>) offsets(%dma_start3A_17 : memref<128xi32, #tpu.memory_space<vmem>>) semaphore(%arg7 : memref<!tpu.dma_semaphore, #tpu.memory_space<semaphore_mem>>)
      %mul3A_21 = arith.constant 4 : i32
      %mul3A_22 = arith.muli %scan3A_6, %mul3A_21 : i32
      %add3A_23 = arith.constant 1 : i32
      %add3A_24 = arith.addi %mul3A_22, %add3A_23 : i32
      %dma_start3A_25 = arith.constant 1 : i32
      %dma_start3A_26 = arith.constant 0 : i32
      %dma_start3A_27 = arith.constant 0 : i32
      %dma_start3A_28 = tpu.memref_slice %arg6[%dma_start3A_25, %dma_start3A_26, %dma_start3A_27] : memref<4x128x128xf32, #tpu.memory_space<vmem>> -> memref<1x128x128xf32, #tpu.memory_space<vmem>>
      %dma_start3A_29 = tpu.memref_squeeze %dma_start3A_28 : memref<1x128x128xf32, #tpu.memory_space<vmem>> -> memref<128x128xf32, #tpu.memory_space<vmem>>
      %dma_start3A_30 = arith.constant 0 : i32
      %dma_start3A_31 = tpu.memref_slice %arg5[%add3A_24, %dma_start3A_30] : memref<64x128xi32, #tpu.memory_space<vmem>> -> memref<1x128xi32, #tpu.memory_space<vmem>>
      %dma_start3A_32 = tpu.memref_squeeze %dma_start3A_31 : memref<1x128xi32, #tpu.memory_space<vmem>> -> memref<128xi32, #tpu.memory_space<vmem>>
      %dma_start3A_33 = arith.constant 0 : i32
      %dma_start3A_34 = arith.constant 0 : i32
      %dma_start3A_35 = tpu.memref_slice %arg2[%dma_start3A_33, %dma_start3A_34] : memref<16384x128xf32, #tpu.memory_space<hbm>> -> memref<16384x128xf32, #tpu.memory_space<hbm>>
      tpu.enqueue_indirect_dma source(%dma_start3A_35 : memref<16384x128xf32, #tpu.memory_space<hbm>>) target(%dma_start3A_29 : memref<128x128xf32, #tpu.memory_space<vmem>>) offsets(%dma_start3A_32 : memref<128xi32, #tpu.memory_space<vmem>>) semaphore(%arg8 : memref<!tpu.dma_semaphore, #tpu.memory_space<semaphore_mem>>)
      %mul3A_36 = arith.constant 4 : i32
      %mul3A_37 = arith.muli %scan3A_6, %mul3A_36 : i32
      %add3A_38 = arith.constant 2 : i32
      %add3A_39 = arith.addi %mul3A_37, %add3A_38 : i32
      %dma_start3A_40 = arith.constant 2 : i32
      %dma_start3A_41 = arith.constant 0 : i32
      %dma_start3A_42 = arith.constant 0 : i32
      %dma_start3A_43 = tpu.memref_slice %arg6[%dma_start3A_40, %dma_start3A_41, %dma_start3A_42] : memref<4x128x128xf32, #tpu.memory_space<vmem>> -> memref<1x128x128xf32, #tpu.memory_space<vmem>>
      %dma_start3A_44 = tpu.memref_squeeze %dma_start3A_43 : memref<1x128x128xf32, #tpu.memory_space<vmem>> -> memref<128x128xf32, #tpu.memory_space<vmem>>
      %dma_start3A_45 = arith.constant 0 : i32
      %dma_start3A_46 = tpu.memref_slice %arg5[%add3A_39, %dma_start3A_45] : memref<64x128xi32, #tpu.memory_space<vmem>> -> memref<1x128xi32, #tpu.memory_space<vmem>>
      %dma_start3A_47 = tpu.memref_squeeze %dma_start3A_46 : memref<1x128xi32, #tpu.memory_space<vmem>> -> memref<128xi32, #tpu.memory_space<vmem>>
      %dma_start3A_48 = arith.constant 0 : i32
      %dma_start3A_49 = arith.constant 0 : i32
      %dma_start3A_50 = tpu.memref_slice %arg2[%dma_start3A_48, %dma_start3A_49] : memref<16384x128xf32, #tpu.memory_space<hbm>> -> memref<16384x128xf32, #tpu.memory_space<hbm>>
      tpu.enqueue_indirect_dma source(%dma_start3A_50 : memref<16384x128xf32, #tpu.memory_space<hbm>>) target(%dma_start3A_44 : memref<128x128xf32, #tpu.memory_space<vmem>>) offsets(%dma_start3A_47 : memref<128xi32, #tpu.memory_space<vmem>>) semaphore(%arg9 : memref<!tpu.dma_semaphore, #tpu.memory_space<semaphore_mem>>)
      %mul3A_51 = arith.constant 4 : i32
      %mul3A_52 = arith.muli %scan3A_6, %mul3A_51 : i32
      %add3A_53 = arith.constant 3 : i32
      %add3A_54 = arith.addi %mul3A_52, %add3A_53 : i32
      %dma_start3A_55 = arith.constant 3 : i32
      %dma_start3A_56 = arith.constant 0 : i32
      %dma_start3A_57 = arith.constant 0 : i32
      %dma_start3A_58 = tpu.memref_slice %arg6[%dma_start3A_55, %dma_start3A_56, %dma_start3A_57] : memref<4x128x128xf32, #tpu.memory_space<vmem>> -> memref<1x128x128xf32, #tpu.memory_space<vmem>>
      %dma_start3A_59 = tpu.memref_squeeze %dma_start3A_58 : memref<1x128x128xf32, #tpu.memory_space<vmem>> -> memref<128x128xf32, #tpu.memory_space<vmem>>
      %dma_start3A_60 = arith.constant 0 : i32
      %dma_start3A_61 = tpu.memref_slice %arg5[%add3A_54, %dma_start3A_60] : memref<64x128xi32, #tpu.memory_space<vmem>> -> memref<1x128xi32, #tpu.memory_space<vmem>>
      %dma_start3A_62 = tpu.memref_squeeze %dma_start3A_61 : memref<1x128xi32, #tpu.memory_space<vmem>> -> memref<128xi32, #tpu.memory_space<vmem>>
      %dma_start3A_63 = arith.constant 0 : i32
      %dma_start3A_64 = arith.constant 0 : i32
      %dma_start3A_65 = tpu.memref_slice %arg2[%dma_start3A_63, %dma_start3A_64] : memref<16384x128xf32, #tpu.memory_space<hbm>> -> memref<16384x128xf32, #tpu.memory_space<hbm>>
      tpu.enqueue_indirect_dma source(%dma_start3A_65 : memref<16384x128xf32, #tpu.memory_space<hbm>>) target(%dma_start3A_59 : memref<128x128xf32, #tpu.memory_space<vmem>>) offsets(%dma_start3A_62 : memref<128xi32, #tpu.memory_space<vmem>>) semaphore(%arg10 : memref<!tpu.dma_semaphore, #tpu.memory_space<semaphore_mem>>)
      %mul3A_66 = arith.constant 4 : i32
      %mul3A_67 = arith.muli %scan3A_6, %mul3A_66 : i32
      %add3A_68 = arith.constant 0 : i32
      %add3A_69 = arith.addi %mul3A_67, %add3A_68 : i32
      %dma_wait3A = arith.constant 0 : i32
      %dma_wait3A_70 = arith.constant 0 : i32
      %dma_wait3A_71 = arith.constant 0 : i32
      %dma_wait3A_72 = tpu.memref_slice %arg6[%dma_wait3A, %dma_wait3A_70, %dma_wait3A_71] : memref<4x128x128xf32, #tpu.memory_space<vmem>> -> memref<1x128x128xf32, #tpu.memory_space<vmem>>
      %dma_wait3A_73 = tpu.memref_squeeze %dma_wait3A_72 : memref<1x128x128xf32, #tpu.memory_space<vmem>> -> memref<128x128xf32, #tpu.memory_space<vmem>>
      %dma_wait3A_74 = arith.constant 0 : i32
      %dma_wait3A_75 = tpu.memref_slice %arg5[%add3A_10, %dma_wait3A_74] : memref<64x128xi32, #tpu.memory_space<vmem>> -> memref<1x128xi32, #tpu.memory_space<vmem>>
      %dma_wait3A_76 = tpu.memref_squeeze %dma_wait3A_75 : memref<1x128xi32, #tpu.memory_space<vmem>> -> memref<128xi32, #tpu.memory_space<vmem>>
      %dma_wait3A_77 = arith.constant 0 : i32
      %dma_wait3A_78 = arith.constant 0 : i32
      %dma_wait3A_79 = tpu.memref_slice %arg2[%dma_wait3A_77, %dma_wait3A_78] : memref<16384x128xf32, #tpu.memory_space<hbm>> -> memref<16384x128xf32, #tpu.memory_space<hbm>>
      tpu.wait_indirect_dma semaphore(%arg7 : memref<!tpu.dma_semaphore, #tpu.memory_space<semaphore_mem>>) src(%dma_wait3A_79 : memref<16384x128xf32, #tpu.memory_space<hbm>>) dst(%dma_wait3A_73 : memref<128x128xf32, #tpu.memory_space<vmem>>)
      %dma_start3A_80 = arith.constant 0 : i32
      %dma_start3A_81 = arith.constant 0 : i32
      %dma_start3A_82 = arith.constant 0 : i32
      %dma_start3A_83 = tpu.memref_slice %arg6[%dma_start3A_80, %dma_start3A_81, %dma_start3A_82] : memref<4x128x128xf32, #tpu.memory_space<vmem>> -> memref<1x128x128xf32, #tpu.memory_space<vmem>>
      %dma_start3A_84 = tpu.memref_squeeze %dma_start3A_83 : memref<1x128x128xf32, #tpu.memory_space<vmem>> -> memref<128x128xf32, #tpu.memory_space<vmem>>
      %dma_start3A_85 = arith.constant 0 : i32
      %dma_start3A_86 = arith.constant 0 : i32
      %dma_start3A_87 = tpu.memref_slice %arg4[%add3A, %add3A_69, %dma_start3A_85, %dma_start3A_86] : memref<32x64x128x128xf32, #tpu.memory_space<hbm>> -> memref<1x1x128x128xf32, #tpu.memory_space<hbm>>
      %dma_start3A_88 = tpu.memref_squeeze %dma_start3A_87 : memref<1x1x128x128xf32, #tpu.memory_space<hbm>> -> memref<128x128xf32, #tpu.memory_space<hbm>>
      %dma_start3A_89 = arith.constant 0 : i32
      %dma_start3A_90 = arith.constant 0 : i32
      %dma_start3A_91 = tpu.memref_slice %arg4[%add3A, %add3A_69, %dma_start3A_89, %dma_start3A_90] : memref<32x64x128x128xf32, #tpu.memory_space<hbm>> -> memref<1x1x128x128xf32, #tpu.memory_space<hbm>>
      %dma_start3A_92 = tpu.memref_squeeze %dma_start3A_91 : memref<1x1x128x128xf32, #tpu.memory_space<hbm>> -> memref<128x128xf32, #tpu.memory_space<hbm>>
      %dma_start3A_93 = arith.constant 0 : i32
      %dma_start3A_94 = arith.constant 0 : i32
      %dma_start3A_95 = tpu.memref_slice %arg6[%dma_start3A_80, %dma_start3A_93, %dma_start3A_94] : memref<4x128x128xf32, #tpu.memory_space<vmem>> -> memref<1x128x128xf32, #tpu.memory_space<vmem>>
      %dma_start3A_96 = tpu.memref_squeeze %dma_start3A_95 : memref<1x128x128xf32, #tpu.memory_space<vmem>> -> memref<128x128xf32, #tpu.memory_space<vmem>>
      tpu.enqueue_dma source(%dma_start3A_96 : memref<128x128xf32, #tpu.memory_space<vmem>>) target(%dma_start3A_92 : memref<128x128xf32, #tpu.memory_space<hbm>>) target_semaphore(%arg11 : memref<!tpu.dma_semaphore, #tpu.memory_space<semaphore_mem>>)
      %mul3A_97 = arith.constant 4 : i32
      %mul3A_98 = arith.muli %scan3A_6, %mul3A_97 : i32
      %add3A_99 = arith.constant 1 : i32
      %add3A_100 = arith.addi %mul3A_98, %add3A_99 : i32
      %dma_wait3A_101 = arith.constant 1 : i32
      %dma_wait3A_102 = arith.constant 0 : i32
      %dma_wait3A_103 = arith.constant 0 : i32
      %dma_wait3A_104 = tpu.memref_slice %arg6[%dma_wait3A_101, %dma_wait3A_102, %dma_wait3A_103] : memref<4x128x128xf32, #tpu.memory_space<vmem>> -> memref<1x128x128xf32, #tpu.memory_space<vmem>>
      %dma_wait3A_105 = tpu.memref_squeeze %dma_wait3A_104 : memref<1x128x128xf32, #tpu.memory_space<vmem>> -> memref<128x128xf32, #tpu.memory_space<vmem>>
      %dma_wait3A_106 = arith.constant 0 : i32
      %dma_wait3A_107 = tpu.memref_slice %arg5[%add3A_24, %dma_wait3A_106] : memref<64x128xi32, #tpu.memory_space<vmem>> -> memref<1x128xi32, #tpu.memory_space<vmem>>
      %dma_wait3A_108 = tpu.memref_squeeze %dma_wait3A_107 : memref<1x128xi32, #tpu.memory_space<vmem>> -> memref<128xi32, #tpu.memory_space<vmem>>
      %dma_wait3A_109 = arith.constant 0 : i32
      %dma_wait3A_110 = arith.constant 0 : i32
      %dma_wait3A_111 = tpu.memref_slice %arg2[%dma_wait3A_109, %dma_wait3A_110] : memref<16384x128xf32, #tpu.memory_space<hbm>> -> memref<16384x128xf32, #tpu.memory_space<hbm>>
      tpu.wait_indirect_dma semaphore(%arg8 : memref<!tpu.dma_semaphore, #tpu.memory_space<semaphore_mem>>) src(%dma_wait3A_111 : memref<16384x128xf32, #tpu.memory_space<hbm>>) dst(%dma_wait3A_105 : memref<128x128xf32, #tpu.memory_space<vmem>>)
      %dma_start3A_112 = arith.constant 1 : i32
      %dma_start3A_113 = arith.constant 0 : i32
      %dma_start3A_114 = arith.constant 0 : i32
      %dma_start3A_115 = tpu.memref_slice %arg6[%dma_start3A_112, %dma_start3A_113, %dma_start3A_114] : memref<4x128x128xf32, #tpu.memory_space<vmem>> -> memref<1x128x128xf32, #tpu.memory_space<vmem>>
      %dma_start3A_116 = tpu.memref_squeeze %dma_start3A_115 : memref<1x128x128xf32, #tpu.memory_space<vmem>> -> memref<128x128xf32, #tpu.memory_space<vmem>>
      %dma_start3A_117 = arith.constant 0 : i32
      %dma_start3A_118 = arith.constant 0 : i32
      %dma_start3A_119 = tpu.memref_slice %arg4[%add3A, %add3A_100, %dma_start3A_117, %dma_start3A_118] : memref<32x64x128x128xf32, #tpu.memory_space<hbm>> -> memref<1x1x128x128xf32, #tpu.memory_space<hbm>>
      %dma_start3A_120 = tpu.memref_squeeze %dma_start3A_119 : memref<1x1x128x128xf32, #tpu.memory_space<hbm>> -> memref<128x128xf32, #tpu.memory_space<hbm>>
      %dma_start3A_121 = arith.constant 0 : i32
      %dma_start3A_122 = arith.constant 0 : i32
      %dma_start3A_123 = tpu.memref_slice %arg4[%add3A, %add3A_100, %dma_start3A_121, %dma_start3A_122] : memref<32x64x128x128xf32, #tpu.memory_space<hbm>> -> memref<1x1x128x128xf32, #tpu.memory_space<hbm>>
      %dma_start3A_124 = tpu.memref_squeeze %dma_start3A_123 : memref<1x1x128x128xf32, #tpu.memory_space<hbm>> -> memref<128x128xf32, #tpu.memory_space<hbm>>
      %dma_start3A_125 = arith.constant 0 : i32
      %dma_start3A_126 = arith.constant 0 : i32
      %dma_start3A_127 = tpu.memref_slice %arg6[%dma_start3A_112, %dma_start3A_125, %dma_start3A_126] : memref<4x128x128xf32, #tpu.memory_space<vmem>> -> memref<1x128x128xf32, #tpu.memory_space<vmem>>
      %dma_start3A_128 = tpu.memref_squeeze %dma_start3A_127 : memref<1x128x128xf32, #tpu.memory_space<vmem>> -> memref<128x128xf32, #tpu.memory_space<vmem>>
      tpu.enqueue_dma source(%dma_start3A_128 : memref<128x128xf32, #tpu.memory_space<vmem>>) target(%dma_start3A_124 : memref<128x128xf32, #tpu.memory_space<hbm>>) target_semaphore(%arg12 : memref<!tpu.dma_semaphore, #tpu.memory_space<semaphore_mem>>)
      %mul3A_129 = arith.constant 4 : i32
      %mul3A_130 = arith.muli %scan3A_6, %mul3A_129 : i32
      %add3A_131 = arith.constant 2 : i32
      %add3A_132 = arith.addi %mul3A_130, %add3A_131 : i32
      %dma_wait3A_133 = arith.constant 2 : i32
      %dma_wait3A_134 = arith.constant 0 : i32
      %dma_wait3A_135 = arith.constant 0 : i32
      %dma_wait3A_136 = tpu.memref_slice %arg6[%dma_wait3A_133, %dma_wait3A_134, %dma_wait3A_135] : memref<4x128x128xf32, #tpu.memory_space<vmem>> -> memref<1x128x128xf32, #tpu.memory_space<vmem>>
      %dma_wait3A_137 = tpu.memref_squeeze %dma_wait3A_136 : memref<1x128x128xf32, #tpu.memory_space<vmem>> -> memref<128x128xf32, #tpu.memory_space<vmem>>
      %dma_wait3A_138 = arith.constant 0 : i32
      %dma_wait3A_139 = tpu.memref_slice %arg5[%add3A_39, %dma_wait3A_138] : memref<64x128xi32, #tpu.memory_space<vmem>> -> memref<1x128xi32, #tpu.memory_space<vmem>>
      %dma_wait3A_140 = tpu.memref_squeeze %dma_wait3A_139 : memref<1x128xi32, #tpu.memory_space<vmem>> -> memref<128xi32, #tpu.memory_space<vmem>>
      %dma_wait3A_141 = arith.constant 0 : i32
      %dma_wait3A_142 = arith.constant 0 : i32
      %dma_wait3A_143 = tpu.memref_slice %arg2[%dma_wait3A_141, %dma_wait3A_142] : memref<16384x128xf32, #tpu.memory_space<hbm>> -> memref<16384x128xf32, #tpu.memory_space<hbm>>
      tpu.wait_indirect_dma semaphore(%arg9 : memref<!tpu.dma_semaphore, #tpu.memory_space<semaphore_mem>>) src(%dma_wait3A_143 : memref<16384x128xf32, #tpu.memory_space<hbm>>) dst(%dma_wait3A_137 : memref<128x128xf32, #tpu.memory_space<vmem>>)
      %dma_start3A_144 = arith.constant 2 : i32
      %dma_start3A_145 = arith.constant 0 : i32
      %dma_start3A_146 = arith.constant 0 : i32
      %dma_start3A_147 = tpu.memref_slice %arg6[%dma_start3A_144, %dma_start3A_145, %dma_start3A_146] : memref<4x128x128xf32, #tpu.memory_space<vmem>> -> memref<1x128x128xf32, #tpu.memory_space<vmem>>
      %dma_start3A_148 = tpu.memref_squeeze %dma_start3A_147 : memref<1x128x128xf32, #tpu.memory_space<vmem>> -> memref<128x128xf32, #tpu.memory_space<vmem>>
      %dma_start3A_149 = arith.constant 0 : i32
      %dma_start3A_150 = arith.constant 0 : i32
      %dma_start3A_151 = tpu.memref_slice %arg4[%add3A, %add3A_132, %dma_start3A_149, %dma_start3A_150] : memref<32x64x128x128xf32, #tpu.memory_space<hbm>> -> memref<1x1x128x128xf32, #tpu.memory_space<hbm>>
      %dma_start3A_152 = tpu.memref_squeeze %dma_start3A_151 : memref<1x1x128x128xf32, #tpu.memory_space<hbm>> -> memref<128x128xf32, #tpu.memory_space<hbm>>
      %dma_start3A_153 = arith.constant 0 : i32
      %dma_start3A_154 = arith.constant 0 : i32
      %dma_start3A_155 = tpu.memref_slice %arg4[%add3A, %add3A_132, %dma_start3A_153, %dma_start3A_154] : memref<32x64x128x128xf32, #tpu.memory_space<hbm>> -> memref<1x1x128x128xf32, #tpu.memory_space<hbm>>
      %dma_start3A_156 = tpu.memref_squeeze %dma_start3A_155 : memref<1x1x128x128xf32, #tpu.memory_space<hbm>> -> memref<128x128xf32, #tpu.memory_space<hbm>>
      %dma_start3A_157 = arith.constant 0 : i32
      %dma_start3A_158 = arith.constant 0 : i32
      %dma_start3A_159 = tpu.memref_slice %arg6[%dma_start3A_144, %dma_start3A_157, %dma_start3A_158] : memref<4x128x128xf32, #tpu.memory_space<vmem>> -> memref<1x128x128xf32, #tpu.memory_space<vmem>>
      %dma_start3A_160 = tpu.memref_squeeze %dma_start3A_159 : memref<1x128x128xf32, #tpu.memory_space<vmem>> -> memref<128x128xf32, #tpu.memory_space<vmem>>
      tpu.enqueue_dma source(%dma_start3A_160 : memref<128x128xf32, #tpu.memory_space<vmem>>) target(%dma_start3A_156 : memref<128x128xf32, #tpu.memory_space<hbm>>) target_semaphore(%arg13 : memref<!tpu.dma_semaphore, #tpu.memory_space<semaphore_mem>>)
      %mul3A_161 = arith.constant 4 : i32
      %mul3A_162 = arith.muli %scan3A_6, %mul3A_161 : i32
      %add3A_163 = arith.constant 3 : i32
      %add3A_164 = arith.addi %mul3A_162, %add3A_163 : i32
      %dma_wait3A_165 = arith.constant 3 : i32
      %dma_wait3A_166 = arith.constant 0 : i32
      %dma_wait3A_167 = arith.constant 0 : i32
      %dma_wait3A_168 = tpu.memref_slice %arg6[%dma_wait3A_165, %dma_wait3A_166, %dma_wait3A_167] : memref<4x128x128xf32, #tpu.memory_space<vmem>> -> memref<1x128x128xf32, #tpu.memory_space<vmem>>
      %dma_wait3A_169 = tpu.memref_squeeze %dma_wait3A_168 : memref<1x128x128xf32, #tpu.memory_space<vmem>> -> memref<128x128xf32, #tpu.memory_space<vmem>>
      %dma_wait3A_170 = arith.constant 0 : i32
      %dma_wait3A_171 = tpu.memref_slice %arg5[%add3A_54, %dma_wait3A_170] : memref<64x128xi32, #tpu.memory_space<vmem>> -> memref<1x128xi32, #tpu.memory_space<vmem>>
      %dma_wait3A_172 = tpu.memref_squeeze %dma_wait3A_171 : memref<1x128xi32, #tpu.memory_space<vmem>> -> memref<128xi32, #tpu.memory_space<vmem>>
      %dma_wait3A_173 = arith.constant 0 : i32
      %dma_wait3A_174 = arith.constant 0 : i32
      %dma_wait3A_175 = tpu.memref_slice %arg2[%dma_wait3A_173, %dma_wait3A_174] : memref<16384x128xf32, #tpu.memory_space<hbm>> -> memref<16384x128xf32, #tpu.memory_space<hbm>>
      tpu.wait_indirect_dma semaphore(%arg10 : memref<!tpu.dma_semaphore, #tpu.memory_space<semaphore_mem>>) src(%dma_wait3A_175 : memref<16384x128xf32, #tpu.memory_space<hbm>>) dst(%dma_wait3A_169 : memref<128x128xf32, #tpu.memory_space<vmem>>)
      %dma_start3A_176 = arith.constant 3 : i32
      %dma_start3A_177 = arith.constant 0 : i32
      %dma_start3A_178 = arith.constant 0 : i32
      %dma_start3A_179 = tpu.memref_slice %arg6[%dma_start3A_176, %dma_start3A_177, %dma_start3A_178] : memref<4x128x128xf32, #tpu.memory_space<vmem>> -> memref<1x128x128xf32, #tpu.memory_space<vmem>>
      %dma_start3A_180 = tpu.memref_squeeze %dma_start3A_179 : memref<1x128x128xf32, #tpu.memory_space<vmem>> -> memref<128x128xf32, #tpu.memory_space<vmem>>
      %dma_start3A_181 = arith.constant 0 : i32
      %dma_start3A_182 = arith.constant 0 : i32
      %dma_start3A_183 = tpu.memref_slice %arg4[%add3A, %add3A_164, %dma_start3A_181, %dma_start3A_182] : memref<32x64x128x128xf32, #tpu.memory_space<hbm>> -> memref<1x1x128x128xf32, #tpu.memory_space<hbm>>
      %dma_start3A_184 = tpu.memref_squeeze %dma_start3A_183 : memref<1x1x128x128xf32, #tpu.memory_space<hbm>> -> memref<128x128xf32, #tpu.memory_space<hbm>>
      %dma_start3A_185 = arith.constant 0 : i32
      %dma_start3A_186 = arith.constant 0 : i32
      %dma_start3A_187 = tpu.memref_slice %arg4[%add3A, %add3A_164, %dma_start3A_185, %dma_start3A_186] : memref<32x64x128x128xf32, #tpu.memory_space<hbm>> -> memref<1x1x128x128xf32, #tpu.memory_space<hbm>>
      %dma_start3A_188 = tpu.memref_squeeze %dma_start3A_187 : memref<1x1x128x128xf32, #tpu.memory_space<hbm>> -> memref<128x128xf32, #tpu.memory_space<hbm>>
      %dma_start3A_189 = arith.constant 0 : i32
      %dma_start3A_190 = arith.constant 0 : i32
      %dma_start3A_191 = tpu.memref_slice %arg6[%dma_start3A_176, %dma_start3A_189, %dma_start3A_190] : memref<4x128x128xf32, #tpu.memory_space<vmem>> -> memref<1x128x128xf32, #tpu.memory_space<vmem>>
      %dma_start3A_192 = tpu.memref_squeeze %dma_start3A_191 : memref<1x128x128xf32, #tpu.memory_space<vmem>> -> memref<128x128xf32, #tpu.memory_space<vmem>>
      tpu.enqueue_dma source(%dma_start3A_192 : memref<128x128xf32, #tpu.memory_space<vmem>>) target(%dma_start3A_188 : memref<128x128xf32, #tpu.memory_space<hbm>>) target_semaphore(%arg14 : memref<!tpu.dma_semaphore, #tpu.memory_space<semaphore_mem>>)
      %dma_wait3A_193 = arith.constant 0 : i32
      %dma_wait3A_194 = arith.constant 0 : i32
      %dma_wait3A_195 = arith.constant 0 : i32
      %dma_wait3A_196 = tpu.memref_slice %arg6[%dma_wait3A_193, %dma_wait3A_194, %dma_wait3A_195] : memref<4x128x128xf32, #tpu.memory_space<vmem>> -> memref<1x128x128xf32, #tpu.memory_space<vmem>>
      %dma_wait3A_197 = tpu.memref_squeeze %dma_wait3A_196 : memref<1x128x128xf32, #tpu.memory_space<vmem>> -> memref<128x128xf32, #tpu.memory_space<vmem>>
      %dma_wait3A_198 = arith.constant 0 : i32
      %dma_wait3A_199 = arith.constant 0 : i32
      %dma_wait3A_200 = tpu.memref_slice %arg4[%add3A, %add3A_69, %dma_wait3A_198, %dma_wait3A_199] : memref<32x64x128x128xf32, #tpu.memory_space<hbm>> -> memref<1x1x128x128xf32, #tpu.memory_space<hbm>>
      %dma_wait3A_201 = tpu.memref_squeeze %dma_wait3A_200 : memref<1x1x128x128xf32, #tpu.memory_space<hbm>> -> memref<128x128xf32, #tpu.memory_space<hbm>>
      %dma_wait3A_202 = arith.constant 0 : i32
      %dma_wait3A_203 = arith.constant 0 : i32
      %dma_wait3A_204 = tpu.memref_slice %arg4[%add3A, %add3A_69, %dma_wait3A_202, %dma_wait3A_203] : memref<32x64x128x128xf32, #tpu.memory_space<hbm>> -> memref<1x1x128x128xf32, #tpu.memory_space<hbm>>
      %dma_wait3A_205 = tpu.memref_squeeze %dma_wait3A_204 : memref<1x1x128x128xf32, #tpu.memory_space<hbm>> -> memref<128x128xf32, #tpu.memory_space<hbm>>
      %dma_wait3A_206 = arith.constant 0 : i32
      %dma_wait3A_207 = arith.constant 0 : i32
      %dma_wait3A_208 = tpu.memref_slice %arg6[%dma_wait3A_193, %dma_wait3A_206, %dma_wait3A_207] : memref<4x128x128xf32, #tpu.memory_space<vmem>> -> memref<1x128x128xf32, #tpu.memory_space<vmem>>
      %dma_wait3A_209 = tpu.memref_squeeze %dma_wait3A_208 : memref<1x128x128xf32, #tpu.memory_space<vmem>> -> memref<128x128xf32, #tpu.memory_space<vmem>>
      tpu.wait_dma2 semaphore(%arg11 : memref<!tpu.dma_semaphore, #tpu.memory_space<semaphore_mem>>) src(%dma_wait3A_209 : memref<128x128xf32, #tpu.memory_space<vmem>>) dst(%dma_wait3A_205 : memref<128x128xf32, #tpu.memory_space<hbm>>)
      %dma_wait3A_210 = arith.constant 1 : i32
      %dma_wait3A_211 = arith.constant 0 : i32
      %dma_wait3A_212 = arith.constant 0 : i32
      %dma_wait3A_213 = tpu.memref_slice %arg6[%dma_wait3A_210, %dma_wait3A_211, %dma_wait3A_212] : memref<4x128x128xf32, #tpu.memory_space<vmem>> -> memref<1x128x128xf32, #tpu.memory_space<vmem>>
      %dma_wait3A_214 = tpu.memref_squeeze %dma_wait3A_213 : memref<1x128x128xf32, #tpu.memory_space<vmem>> -> memref<128x128xf32, #tpu.memory_space<vmem>>
      %dma_wait3A_215 = arith.constant 0 : i32
      %dma_wait3A_216 = arith.constant 0 : i32
      %dma_wait3A_217 = tpu.memref_slice %arg4[%add3A, %add3A_100, %dma_wait3A_215, %dma_wait3A_216] : memref<32x64x128x128xf32, #tpu.memory_space<hbm>> -> memref<1x1x128x128xf32, #tpu.memory_space<hbm>>
      %dma_wait3A_218 = tpu.memref_squeeze %dma_wait3A_217 : memref<1x1x128x128xf32, #tpu.memory_space<hbm>> -> memref<128x128xf32, #tpu.memory_space<hbm>>
      %dma_wait3A_219 = arith.constant 0 : i32
      %dma_wait3A_220 = arith.constant 0 : i32
      %dma_wait3A_221 = tpu.memref_slice %arg4[%add3A, %add3A_100, %dma_wait3A_219, %dma_wait3A_220] : memref<32x64x128x128xf32, #tpu.memory_space<hbm>> -> memref<1x1x128x128xf32, #tpu.memory_space<hbm>>
      %dma_wait3A_222 = tpu.memref_squeeze %dma_wait3A_221 : memref<1x1x128x128xf32, #tpu.memory_space<hbm>> -> memref<128x128xf32, #tpu.memory_space<hbm>>
      %dma_wait3A_223 = arith.constant 0 : i32
      %dma_wait3A_224 = arith.constant 0 : i32
      %dma_wait3A_225 = tpu.memref_slice %arg6[%dma_wait3A_210, %dma_wait3A_223, %dma_wait3A_224] : memref<4x128x128xf32, #tpu.memory_space<vmem>> -> memref<1x128x128xf32, #tpu.memory_space<vmem>>
      %dma_wait3A_226 = tpu.memref_squeeze %dma_wait3A_225 : memref<1x128x128xf32, #tpu.memory_space<vmem>> -> memref<128x128xf32, #tpu.memory_space<vmem>>
      tpu.wait_dma2 semaphore(%arg12 : memref<!tpu.dma_semaphore, #tpu.memory_space<semaphore_mem>>) src(%dma_wait3A_226 : memref<128x128xf32, #tpu.memory_space<vmem>>) dst(%dma_wait3A_222 : memref<128x128xf32, #tpu.memory_space<hbm>>)
      %dma_wait3A_227 = arith.constant 2 : i32
      %dma_wait3A_228 = arith.constant 0 : i32
      %dma_wait3A_229 = arith.constant 0 : i32
      %dma_wait3A_230 = tpu.memref_slice %arg6[%dma_wait3A_227, %dma_wait3A_228, %dma_wait3A_229] : memref<4x128x128xf32, #tpu.memory_space<vmem>> -> memref<1x128x128xf32, #tpu.memory_space<vmem>>
      %dma_wait3A_231 = tpu.memref_squeeze %dma_wait3A_230 : memref<1x128x128xf32, #tpu.memory_space<vmem>> -> memref<128x128xf32, #tpu.memory_space<vmem>>
      %dma_wait3A_232 = arith.constant 0 : i32
      %dma_wait3A_233 = arith.constant 0 : i32
      %dma_wait3A_234 = tpu.memref_slice %arg4[%add3A, %add3A_132, %dma_wait3A_232, %dma_wait3A_233] : memref<32x64x128x128xf32, #tpu.memory_space<hbm>> -> memref<1x1x128x128xf32, #tpu.memory_space<hbm>>
      %dma_wait3A_235 = tpu.memref_squeeze %dma_wait3A_234 : memref<1x1x128x128xf32, #tpu.memory_space<hbm>> -> memref<128x128xf32, #tpu.memory_space<hbm>>
      %dma_wait3A_236 = arith.constant 0 : i32
      %dma_wait3A_237 = arith.constant 0 : i32
      %dma_wait3A_238 = tpu.memref_slice %arg4[%add3A, %add3A_132, %dma_wait3A_236, %dma_wait3A_237] : memref<32x64x128x128xf32, #tpu.memory_space<hbm>> -> memref<1x1x128x128xf32, #tpu.memory_space<hbm>>
      %dma_wait3A_239 = tpu.memref_squeeze %dma_wait3A_238 : memref<1x1x128x128xf32, #tpu.memory_space<hbm>> -> memref<128x128xf32, #tpu.memory_space<hbm>>
      %dma_wait3A_240 = arith.constant 0 : i32
      %dma_wait3A_241 = arith.constant 0 : i32
      %dma_wait3A_242 = tpu.memref_slice %arg6[%dma_wait3A_227, %dma_wait3A_240, %dma_wait3A_241] : memref<4x128x128xf32, #tpu.memory_space<vmem>> -> memref<1x128x128xf32, #tpu.memory_space<vmem>>
      %dma_wait3A_243 = tpu.memref_squeeze %dma_wait3A_242 : memref<1x128x128xf32, #tpu.memory_space<vmem>> -> memref<128x128xf32, #tpu.memory_space<vmem>>
      tpu.wait_dma2 semaphore(%arg13 : memref<!tpu.dma_semaphore, #tpu.memory_space<semaphore_mem>>) src(%dma_wait3A_243 : memref<128x128xf32, #tpu.memory_space<vmem>>) dst(%dma_wait3A_239 : memref<128x128xf32, #tpu.memory_space<hbm>>)
      %dma_wait3A_244 = arith.constant 3 : i32
      %dma_wait3A_245 = arith.constant 0 : i32
      %dma_wait3A_246 = arith.constant 0 : i32
      %dma_wait3A_247 = tpu.memref_slice %arg6[%dma_wait3A_244, %dma_wait3A_245, %dma_wait3A_246] : memref<4x128x128xf32, #tpu.memory_space<vmem>> -> memref<1x128x128xf32, #tpu.memory_space<vmem>>
      %dma_wait3A_248 = tpu.memref_squeeze %dma_wait3A_247 : memref<1x128x128xf32, #tpu.memory_space<vmem>> -> memref<128x128xf32, #tpu.memory_space<vmem>>
      %dma_wait3A_249 = arith.constant 0 : i32
      %dma_wait3A_250 = arith.constant 0 : i32
      %dma_wait3A_251 = tpu.memref_slice %arg4[%add3A, %add3A_164, %dma_wait3A_249, %dma_wait3A_250] : memref<32x64x128x128xf32, #tpu.memory_space<hbm>> -> memref<1x1x128x128xf32, #tpu.memory_space<hbm>>
      %dma_wait3A_252 = tpu.memref_squeeze %dma_wait3A_251 : memref<1x1x128x128xf32, #tpu.memory_space<hbm>> -> memref<128x128xf32, #tpu.memory_space<hbm>>
      %dma_wait3A_253 = arith.constant 0 : i32
      %dma_wait3A_254 = arith.constant 0 : i32
      %dma_wait3A_255 = tpu.memref_slice %arg4[%add3A, %add3A_164, %dma_wait3A_253, %dma_wait3A_254] : memref<32x64x128x128xf32, #tpu.memory_space<hbm>> -> memref<1x1x128x128xf32, #tpu.memory_space<hbm>>
      %dma_wait3A_256 = tpu.memref_squeeze %dma_wait3A_255 : memref<1x1x128x128xf32, #tpu.memory_space<hbm>> -> memref<128x128xf32, #tpu.memory_space<hbm>>
      %dma_wait3A_257 = arith.constant 0 : i32
      %dma_wait3A_258 = arith.constant 0 : i32
      %dma_wait3A_259 = tpu.memref_slice %arg6[%dma_wait3A_244, %dma_wait3A_257, %dma_wait3A_258] : memref<4x128x128xf32, #tpu.memory_space<vmem>> -> memref<1x128x128xf32, #tpu.memory_space<vmem>>
      %dma_wait3A_260 = tpu.memref_squeeze %dma_wait3A_259 : memref<1x128x128xf32, #tpu.memory_space<vmem>> -> memref<128x128xf32, #tpu.memory_space<vmem>>
      tpu.wait_dma2 semaphore(%arg14 : memref<!tpu.dma_semaphore, #tpu.memory_space<semaphore_mem>>) src(%dma_wait3A_260 : memref<128x128xf32, #tpu.memory_space<vmem>>) dst(%dma_wait3A_256 : memref<128x128xf32, #tpu.memory_space<hbm>>)
    }
    %scan3A_5 = arith.constant 16 : i32
    return
  }
}

module attributes {stable_mosaic.version = 14 : i64} {
  func.func @_topk_body(%arg0: i32, %arg1: i32, %arg2: memref<1x16x2048xf32, #tpu.memory_space<vmem>>, %arg3: memref<1x16x256xf32, #tpu.memory_space<vmem>>, %arg4: memref<1x256x16xf32, #tpu.memory_space<vmem>>, %arg5: memref<1x256x16xi32, #tpu.memory_space<vmem>>) attributes {dimension_semantics = [#tpu.dimension_semantics<arbitrary>, #tpu.dimension_semantics<arbitrary>], iteration_bounds = array<i64: 8, 8>, scalar_prefetch = 0 : i64, scratch_operands = 0 : i64, tpu.core_type = #tpu.core_type<tc>, window_params = [{transform_indices = @transform_0, window_bounds = array<i64: 1, 16, 2048>}, {transform_indices = @transform_1, window_bounds = array<i64: 1, 16, 256>}, {transform_indices = @transform_2, window_bounds = array<i64: 1, 256, 16>}, {transform_indices = @transform_3, window_bounds = array<i64: 1, 256, 16>}]} {
    %get3A = arith.constant 0 : index
    %get3A_0 = arith.constant 0 : index
    %get3A_1 = arith.constant 0 : index
    %get3A_2 = vector.load %arg2[%get3A, %get3A_0, %get3A_1] : memref<1x16x2048xf32, #tpu.memory_space<vmem>>, vector<1x16x2048xf32>
    %get3A_3 = vector.shape_cast %get3A_2 : vector<1x16x2048xf32> to vector<16x2048xf32>
    %get3A_4 = arith.constant 0 : index
    %get3A_5 = arith.constant 0 : index
    %get3A_6 = arith.constant 0 : index
    %get3A_7 = vector.load %arg3[%get3A_4, %get3A_5, %get3A_6] : memref<1x16x256xf32, #tpu.memory_space<vmem>>, vector<1x16x256xf32>
    %get3A_8 = vector.shape_cast %get3A_7 : vector<1x16x256xf32> to vector<16x256xf32>
    %get3A_9 = arith.constant 0 : index
    %get3A_10 = arith.constant 0 : index
    %get3A_11 = arith.constant 0 : index
    %get3A_12 = vector.load %arg4[%get3A_9, %get3A_10, %get3A_11] : memref<1x256x16xf32, #tpu.memory_space<vmem>>, vector<1x256x16xf32>
    %get3A_13 = vector.shape_cast %get3A_12 : vector<1x256x16xf32> to vector<256x16xf32>
    %mul3A = arith.mulf %get3A_3, %get3A_3 : vector<16x2048xf32>
    %reduce_sum3A = arith.constant dense<0.000000e+00> : vector<2048xf32>
    %reduce_sum3A_14 = vector.multi_reduction <add>, %mul3A, %reduce_sum3A [0] : vector<16x2048xf32> to vector<2048xf32>
    %mul3A_15 = arith.mulf %get3A_13, %get3A_13 : vector<256x16xf32>
    %reduce_sum3A_16 = arith.constant dense<0.000000e+00> : vector<256xf32>
    %reduce_sum3A_17 = vector.multi_reduction <add>, %mul3A_15, %reduce_sum3A_16 [1] : vector<256x16xf32> to vector<256xf32>
    %dot_general3A = arith.constant dense<0.000000e+00> : vector<256x2048xf32>
    %dot_general3A_18 = tpu.matmul %get3A_8, %get3A_3, %dot_general3A {dimension_numbers = #tpu.dot_dimension_numbers<[0], [0], [1], [1], [0, 1, 1, 1], [], []>, transpose_lhs_hint = false} : vector<16x256xf32>, vector<16x2048xf32>, vector<256x2048xf32> -> vector<256x2048xf32>
    %broadcast_in_dim3A = vector.shape_cast %reduce_sum3A_17 : vector<256xf32> to vector<256x1xf32>
    %broadcast_in_dim3A_19 = vector.shape_cast %reduce_sum3A_14 : vector<2048xf32> to vector<1x2048xf32>
    %add3A = vector.broadcast %broadcast_in_dim3A : vector<256x1xf32> to vector<256x2048xf32>
    %add3A_20 = vector.broadcast %broadcast_in_dim3A_19 : vector<1x2048xf32> to vector<256x2048xf32>
    %add3A_21 = arith.addf %add3A, %add3A_20 : vector<256x2048xf32>
    %mul3A_22 = arith.constant 2.000000e+00 : f32
    %mul3A_23 = vector.broadcast %mul3A_22 : f32 to vector<256x2048xf32>
    %mul3A_24 = arith.mulf %mul3A_23, %dot_general3A_18 : vector<256x2048xf32>
    %sub3A = arith.subf %add3A_21, %mul3A_24 : vector<256x2048xf32>
    %iota3A = tpu.iota {dimensions = array<i32: 1>} : vector<256x2048xi32>
    %mul3A_25 = arith.constant 2048 : i32
    %mul3A_26 = arith.muli %arg0, %mul3A_25 : i32
    %iota3A_27 = tpu.iota {dimensions = array<i32: 0>} : vector<256x1xi32>
    %mul3A_28 = arith.constant 256 : i32
    %mul3A_29 = arith.muli %arg1, %mul3A_28 : i32
    %add3A_30 = vector.broadcast %mul3A_29 : i32 to vector<256x1xi32>
    %add3A_31 = arith.addi %iota3A_27, %add3A_30 : vector<256x1xi32>
    %eq3A = vector.broadcast %add3A_31 : vector<256x1xi32> to vector<256x2048xi32>
    %eq3A_32 = arith.cmpi eq, %iota3A, %eq3A : vector<256x2048xi32>
    %jit3A = arith.constant 0x7F800000 : f32
    %broadcast_in_dim3A_33 = vector.broadcast %jit3A : f32 to vector<256x2048xf32>
    %select_n3A = arith.select %eq3A_32, %broadcast_in_dim3A_33, %sub3A : vector<256x2048xi1>, vector<256x2048xf32>
    %squeeze3A = vector.shape_cast %add3A_31 : vector<256x1xi32> to vector<256xi32>
    %add3A_34 = vector.broadcast %mul3A_26 : i32 to vector<256xi32>
    %add3A_35 = arith.addi %squeeze3A, %add3A_34 : vector<256xi32>
    %argmin3A = tpu.reduce_index %select_n3A {axis = 1 : i32, kind = #tpu.reduction_kind<arg_min>} : vector<256x2048xf32> -> vector<256xi32>
    %add3A_36 = vector.broadcast %mul3A_26 : i32 to vector<256xi32>
    %add3A_37 = arith.addi %argmin3A, %add3A_36 : vector<256xi32>
    %broadcast_in_dim3A_38 = vector.shape_cast %argmin3A : vector<256xi32> to vector<256x1xi32>
    %eq3A_39 = vector.broadcast %broadcast_in_dim3A_38 : vector<256x1xi32> to vector<256x2048xi32>
    %eq3A_40 = arith.cmpi eq, %iota3A, %eq3A_39 : vector<256x2048xi32>
    %jit3A_41 = arith.constant 0x7F800000 : f32
    %broadcast_in_dim3A_42 = vector.broadcast %jit3A_41 : f32 to vector<256x2048xf32>
    %select_n3A_43 = arith.select %eq3A_40, %broadcast_in_dim3A_42, %select_n3A : vector<256x2048xi1>, vector<256x2048xf32>
    %argmin3A_44 = tpu.reduce_index %select_n3A_43 {axis = 1 : i32, kind = #tpu.reduction_kind<arg_min>} : vector<256x2048xf32> -> vector<256xi32>
    %add3A_45 = vector.broadcast %mul3A_26 : i32 to vector<256xi32>
    %add3A_46 = arith.addi %argmin3A_44, %add3A_45 : vector<256xi32>
    %broadcast_in_dim3A_47 = vector.shape_cast %argmin3A_44 : vector<256xi32> to vector<256x1xi32>
    %eq3A_48 = vector.broadcast %broadcast_in_dim3A_47 : vector<256x1xi32> to vector<256x2048xi32>
    %eq3A_49 = arith.cmpi eq, %iota3A, %eq3A_48 : vector<256x2048xi32>
    %jit3A_50 = arith.constant 0x7F800000 : f32
    %broadcast_in_dim3A_51 = vector.broadcast %jit3A_50 : f32 to vector<256x2048xf32>
    %select_n3A_52 = arith.select %eq3A_49, %broadcast_in_dim3A_51, %select_n3A_43 : vector<256x2048xi1>, vector<256x2048xf32>
    %argmin3A_53 = tpu.reduce_index %select_n3A_52 {axis = 1 : i32, kind = #tpu.reduction_kind<arg_min>} : vector<256x2048xf32> -> vector<256xi32>
    %add3A_54 = vector.broadcast %mul3A_26 : i32 to vector<256xi32>
    %add3A_55 = arith.addi %argmin3A_53, %add3A_54 : vector<256xi32>
    %broadcast_in_dim3A_56 = vector.shape_cast %argmin3A_53 : vector<256xi32> to vector<256x1xi32>
    %eq3A_57 = vector.broadcast %broadcast_in_dim3A_56 : vector<256x1xi32> to vector<256x2048xi32>
    %eq3A_58 = arith.cmpi eq, %iota3A, %eq3A_57 : vector<256x2048xi32>
    %jit3A_59 = arith.constant 0x7F800000 : f32
    %broadcast_in_dim3A_60 = vector.broadcast %jit3A_59 : f32 to vector<256x2048xf32>
    %select_n3A_61 = arith.select %eq3A_58, %broadcast_in_dim3A_60, %select_n3A_52 : vector<256x2048xi1>, vector<256x2048xf32>
    %argmin3A_62 = tpu.reduce_index %select_n3A_61 {axis = 1 : i32, kind = #tpu.reduction_kind<arg_min>} : vector<256x2048xf32> -> vector<256xi32>
    %add3A_63 = vector.broadcast %mul3A_26 : i32 to vector<256xi32>
    %add3A_64 = arith.addi %argmin3A_62, %add3A_63 : vector<256xi32>
    %broadcast_in_dim3A_65 = vector.shape_cast %argmin3A_62 : vector<256xi32> to vector<256x1xi32>
    %eq3A_66 = vector.broadcast %broadcast_in_dim3A_65 : vector<256x1xi32> to vector<256x2048xi32>
    %eq3A_67 = arith.cmpi eq, %iota3A, %eq3A_66 : vector<256x2048xi32>
    %jit3A_68 = arith.constant 0x7F800000 : f32
    %broadcast_in_dim3A_69 = vector.broadcast %jit3A_68 : f32 to vector<256x2048xf32>
    %select_n3A_70 = arith.select %eq3A_67, %broadcast_in_dim3A_69, %select_n3A_61 : vector<256x2048xi1>, vector<256x2048xf32>
    %argmin3A_71 = tpu.reduce_index %select_n3A_70 {axis = 1 : i32, kind = #tpu.reduction_kind<arg_min>} : vector<256x2048xf32> -> vector<256xi32>
    %add3A_72 = vector.broadcast %mul3A_26 : i32 to vector<256xi32>
    %add3A_73 = arith.addi %argmin3A_71, %add3A_72 : vector<256xi32>
    %broadcast_in_dim3A_74 = vector.shape_cast %argmin3A_71 : vector<256xi32> to vector<256x1xi32>
    %eq3A_75 = vector.broadcast %broadcast_in_dim3A_74 : vector<256x1xi32> to vector<256x2048xi32>
    %eq3A_76 = arith.cmpi eq, %iota3A, %eq3A_75 : vector<256x2048xi32>
    %jit3A_77 = arith.constant 0x7F800000 : f32
    %broadcast_in_dim3A_78 = vector.broadcast %jit3A_77 : f32 to vector<256x2048xf32>
    %select_n3A_79 = arith.select %eq3A_76, %broadcast_in_dim3A_78, %select_n3A_70 : vector<256x2048xi1>, vector<256x2048xf32>
    %argmin3A_80 = tpu.reduce_index %select_n3A_79 {axis = 1 : i32, kind = #tpu.reduction_kind<arg_min>} : vector<256x2048xf32> -> vector<256xi32>
    %add3A_81 = vector.broadcast %mul3A_26 : i32 to vector<256xi32>
    %add3A_82 = arith.addi %argmin3A_80, %add3A_81 : vector<256xi32>
    %broadcast_in_dim3A_83 = vector.shape_cast %argmin3A_80 : vector<256xi32> to vector<256x1xi32>
    %eq3A_84 = vector.broadcast %broadcast_in_dim3A_83 : vector<256x1xi32> to vector<256x2048xi32>
    %eq3A_85 = arith.cmpi eq, %iota3A, %eq3A_84 : vector<256x2048xi32>
    %jit3A_86 = arith.constant 0x7F800000 : f32
    %broadcast_in_dim3A_87 = vector.broadcast %jit3A_86 : f32 to vector<256x2048xf32>
    %select_n3A_88 = arith.select %eq3A_85, %broadcast_in_dim3A_87, %select_n3A_79 : vector<256x2048xi1>, vector<256x2048xf32>
    %argmin3A_89 = tpu.reduce_index %select_n3A_88 {axis = 1 : i32, kind = #tpu.reduction_kind<arg_min>} : vector<256x2048xf32> -> vector<256xi32>
    %add3A_90 = vector.broadcast %mul3A_26 : i32 to vector<256xi32>
    %add3A_91 = arith.addi %argmin3A_89, %add3A_90 : vector<256xi32>
    %broadcast_in_dim3A_92 = vector.shape_cast %argmin3A_89 : vector<256xi32> to vector<256x1xi32>
    %eq3A_93 = vector.broadcast %broadcast_in_dim3A_92 : vector<256x1xi32> to vector<256x2048xi32>
    %eq3A_94 = arith.cmpi eq, %iota3A, %eq3A_93 : vector<256x2048xi32>
    %jit3A_95 = arith.constant 0x7F800000 : f32
    %broadcast_in_dim3A_96 = vector.broadcast %jit3A_95 : f32 to vector<256x2048xf32>
    %select_n3A_97 = arith.select %eq3A_94, %broadcast_in_dim3A_96, %select_n3A_88 : vector<256x2048xi1>, vector<256x2048xf32>
    %argmin3A_98 = tpu.reduce_index %select_n3A_97 {axis = 1 : i32, kind = #tpu.reduction_kind<arg_min>} : vector<256x2048xf32> -> vector<256xi32>
    %add3A_99 = vector.broadcast %mul3A_26 : i32 to vector<256xi32>
    %add3A_100 = arith.addi %argmin3A_98, %add3A_99 : vector<256xi32>
    %broadcast_in_dim3A_101 = vector.shape_cast %argmin3A_98 : vector<256xi32> to vector<256x1xi32>
    %eq3A_102 = vector.broadcast %broadcast_in_dim3A_101 : vector<256x1xi32> to vector<256x2048xi32>
    %eq3A_103 = arith.cmpi eq, %iota3A, %eq3A_102 : vector<256x2048xi32>
    %jit3A_104 = arith.constant 0x7F800000 : f32
    %broadcast_in_dim3A_105 = vector.broadcast %jit3A_104 : f32 to vector<256x2048xf32>
    %select_n3A_106 = arith.select %eq3A_103, %broadcast_in_dim3A_105, %select_n3A_97 : vector<256x2048xi1>, vector<256x2048xf32>
    %argmin3A_107 = tpu.reduce_index %select_n3A_106 {axis = 1 : i32, kind = #tpu.reduction_kind<arg_min>} : vector<256x2048xf32> -> vector<256xi32>
    %add3A_108 = vector.broadcast %mul3A_26 : i32 to vector<256xi32>
    %add3A_109 = arith.addi %argmin3A_107, %add3A_108 : vector<256xi32>
    %broadcast_in_dim3A_110 = vector.shape_cast %argmin3A_107 : vector<256xi32> to vector<256x1xi32>
    %eq3A_111 = vector.broadcast %broadcast_in_dim3A_110 : vector<256x1xi32> to vector<256x2048xi32>
    %eq3A_112 = arith.cmpi eq, %iota3A, %eq3A_111 : vector<256x2048xi32>
    %jit3A_113 = arith.constant 0x7F800000 : f32
    %broadcast_in_dim3A_114 = vector.broadcast %jit3A_113 : f32 to vector<256x2048xf32>
    %select_n3A_115 = arith.select %eq3A_112, %broadcast_in_dim3A_114, %select_n3A_106 : vector<256x2048xi1>, vector<256x2048xf32>
    %argmin3A_116 = tpu.reduce_index %select_n3A_115 {axis = 1 : i32, kind = #tpu.reduction_kind<arg_min>} : vector<256x2048xf32> -> vector<256xi32>
    %add3A_117 = vector.broadcast %mul3A_26 : i32 to vector<256xi32>
    %add3A_118 = arith.addi %argmin3A_116, %add3A_117 : vector<256xi32>
    %broadcast_in_dim3A_119 = vector.shape_cast %argmin3A_116 : vector<256xi32> to vector<256x1xi32>
    %eq3A_120 = vector.broadcast %broadcast_in_dim3A_119 : vector<256x1xi32> to vector<256x2048xi32>
    %eq3A_121 = arith.cmpi eq, %iota3A, %eq3A_120 : vector<256x2048xi32>
    %jit3A_122 = arith.constant 0x7F800000 : f32
    %broadcast_in_dim3A_123 = vector.broadcast %jit3A_122 : f32 to vector<256x2048xf32>
    %select_n3A_124 = arith.select %eq3A_121, %broadcast_in_dim3A_123, %select_n3A_115 : vector<256x2048xi1>, vector<256x2048xf32>
    %argmin3A_125 = tpu.reduce_index %select_n3A_124 {axis = 1 : i32, kind = #tpu.reduction_kind<arg_min>} : vector<256x2048xf32> -> vector<256xi32>
    %add3A_126 = vector.broadcast %mul3A_26 : i32 to vector<256xi32>
    %add3A_127 = arith.addi %argmin3A_125, %add3A_126 : vector<256xi32>
    %broadcast_in_dim3A_128 = vector.shape_cast %argmin3A_125 : vector<256xi32> to vector<256x1xi32>
    %eq3A_129 = vector.broadcast %broadcast_in_dim3A_128 : vector<256x1xi32> to vector<256x2048xi32>
    %eq3A_130 = arith.cmpi eq, %iota3A, %eq3A_129 : vector<256x2048xi32>
    %jit3A_131 = arith.constant 0x7F800000 : f32
    %broadcast_in_dim3A_132 = vector.broadcast %jit3A_131 : f32 to vector<256x2048xf32>
    %select_n3A_133 = arith.select %eq3A_130, %broadcast_in_dim3A_132, %select_n3A_124 : vector<256x2048xi1>, vector<256x2048xf32>
    %argmin3A_134 = tpu.reduce_index %select_n3A_133 {axis = 1 : i32, kind = #tpu.reduction_kind<arg_min>} : vector<256x2048xf32> -> vector<256xi32>
    %add3A_135 = vector.broadcast %mul3A_26 : i32 to vector<256xi32>
    %add3A_136 = arith.addi %argmin3A_134, %add3A_135 : vector<256xi32>
    %broadcast_in_dim3A_137 = vector.shape_cast %argmin3A_134 : vector<256xi32> to vector<256x1xi32>
    %eq3A_138 = vector.broadcast %broadcast_in_dim3A_137 : vector<256x1xi32> to vector<256x2048xi32>
    %eq3A_139 = arith.cmpi eq, %iota3A, %eq3A_138 : vector<256x2048xi32>
    %jit3A_140 = arith.constant 0x7F800000 : f32
    %broadcast_in_dim3A_141 = vector.broadcast %jit3A_140 : f32 to vector<256x2048xf32>
    %select_n3A_142 = arith.select %eq3A_139, %broadcast_in_dim3A_141, %select_n3A_133 : vector<256x2048xi1>, vector<256x2048xf32>
    %argmin3A_143 = tpu.reduce_index %select_n3A_142 {axis = 1 : i32, kind = #tpu.reduction_kind<arg_min>} : vector<256x2048xf32> -> vector<256xi32>
    %add3A_144 = vector.broadcast %mul3A_26 : i32 to vector<256xi32>
    %add3A_145 = arith.addi %argmin3A_143, %add3A_144 : vector<256xi32>
    %broadcast_in_dim3A_146 = vector.shape_cast %argmin3A_143 : vector<256xi32> to vector<256x1xi32>
    %eq3A_147 = vector.broadcast %broadcast_in_dim3A_146 : vector<256x1xi32> to vector<256x2048xi32>
    %eq3A_148 = arith.cmpi eq, %iota3A, %eq3A_147 : vector<256x2048xi32>
    %jit3A_149 = arith.constant 0x7F800000 : f32
    %broadcast_in_dim3A_150 = vector.broadcast %jit3A_149 : f32 to vector<256x2048xf32>
    %select_n3A_151 = arith.select %eq3A_148, %broadcast_in_dim3A_150, %select_n3A_142 : vector<256x2048xi1>, vector<256x2048xf32>
    %argmin3A_152 = tpu.reduce_index %select_n3A_151 {axis = 1 : i32, kind = #tpu.reduction_kind<arg_min>} : vector<256x2048xf32> -> vector<256xi32>
    %add3A_153 = vector.broadcast %mul3A_26 : i32 to vector<256xi32>
    %add3A_154 = arith.addi %argmin3A_152, %add3A_153 : vector<256xi32>
    %broadcast_in_dim3A_155 = vector.shape_cast %argmin3A_152 : vector<256xi32> to vector<256x1xi32>
    %eq3A_156 = vector.broadcast %broadcast_in_dim3A_155 : vector<256x1xi32> to vector<256x2048xi32>
    %eq3A_157 = arith.cmpi eq, %iota3A, %eq3A_156 : vector<256x2048xi32>
    %jit3A_158 = arith.constant 0x7F800000 : f32
    %broadcast_in_dim3A_159 = vector.broadcast %jit3A_158 : f32 to vector<256x2048xf32>
    %select_n3A_160 = arith.select %eq3A_157, %broadcast_in_dim3A_159, %select_n3A_151 : vector<256x2048xi1>, vector<256x2048xf32>
    %argmin3A_161 = tpu.reduce_index %select_n3A_160 {axis = 1 : i32, kind = #tpu.reduction_kind<arg_min>} : vector<256x2048xf32> -> vector<256xi32>
    %add3A_162 = vector.broadcast %mul3A_26 : i32 to vector<256xi32>
    %add3A_163 = arith.addi %argmin3A_161, %add3A_162 : vector<256xi32>
    %stack3A = vector.shape_cast %add3A_35 : vector<256xi32> to vector<256x1xi32>
    %stack3A_164 = vector.shape_cast %add3A_37 : vector<256xi32> to vector<256x1xi32>
    %stack3A_165 = vector.shape_cast %add3A_46 : vector<256xi32> to vector<256x1xi32>
    %stack3A_166 = vector.shape_cast %add3A_55 : vector<256xi32> to vector<256x1xi32>
    %stack3A_167 = vector.shape_cast %add3A_64 : vector<256xi32> to vector<256x1xi32>
    %stack3A_168 = vector.shape_cast %add3A_73 : vector<256xi32> to vector<256x1xi32>
    %stack3A_169 = vector.shape_cast %add3A_82 : vector<256xi32> to vector<256x1xi32>
    %stack3A_170 = vector.shape_cast %add3A_91 : vector<256xi32> to vector<256x1xi32>
    %stack3A_171 = vector.shape_cast %add3A_100 : vector<256xi32> to vector<256x1xi32>
    %stack3A_172 = vector.shape_cast %add3A_109 : vector<256xi32> to vector<256x1xi32>
    %stack3A_173 = vector.shape_cast %add3A_118 : vector<256xi32> to vector<256x1xi32>
    %stack3A_174 = vector.shape_cast %add3A_127 : vector<256xi32> to vector<256x1xi32>
    %stack3A_175 = vector.shape_cast %add3A_136 : vector<256xi32> to vector<256x1xi32>
    %stack3A_176 = vector.shape_cast %add3A_145 : vector<256xi32> to vector<256x1xi32>
    %stack3A_177 = vector.shape_cast %add3A_154 : vector<256xi32> to vector<256x1xi32>
    %stack3A_178 = vector.shape_cast %add3A_163 : vector<256xi32> to vector<256x1xi32>
    %stack3A_179 = tpu.concatenate %stack3A, %stack3A_164, %stack3A_165, %stack3A_166, %stack3A_167, %stack3A_168, %stack3A_169, %stack3A_170, %stack3A_171, %stack3A_172, %stack3A_173, %stack3A_174, %stack3A_175, %stack3A_176, %stack3A_177, %stack3A_178 in 1 : vector<256x1xi32>, vector<256x1xi32>, vector<256x1xi32>, vector<256x1xi32>, vector<256x1xi32>, vector<256x1xi32>, vector<256x1xi32>, vector<256x1xi32>, vector<256x1xi32>, vector<256x1xi32>, vector<256x1xi32>, vector<256x1xi32>, vector<256x1xi32>, vector<256x1xi32>, vector<256x1xi32>, vector<256x1xi32> -> vector<256x16xi32>
    %swap3A = arith.constant 0 : index
    %swap3A_180 = arith.constant 0 : index
    %swap3A_181 = arith.constant 0 : index
    %swap3A_182 = vector.load %arg5[%swap3A, %swap3A_180, %swap3A_181] : memref<1x256x16xi32, #tpu.memory_space<vmem>>, vector<1x256x16xi32>
    %swap3A_183 = vector.shape_cast %swap3A_182 : vector<1x256x16xi32> to vector<256x16xi32>
    %swap3A_184 = vector.shape_cast %stack3A_179 : vector<256x16xi32> to vector<1x256x16xi32>
    tpu.vector_store %arg5[%swap3A, %swap3A_180, %swap3A_181], %swap3A_184 {strides = array<i32>} : memref<1x256x16xi32, #tpu.memory_space<vmem>>, vector<1x256x16xi32>,
    return
  }
  func.func @transform_0(%arg0: i32, %arg1: i32) -> (i32, i32, i32) {
    %c0_i32 = arith.constant 0 : i32
    %c0_i32_0 = arith.constant 0 : i32
    %c0_i32_1 = arith.constant 0 : i32
    return %arg0, %c0_i32, %c0_i32_0 : i32, i32, i32
  }
  func.func @transform_1(%arg0: i32, %arg1: i32) -> (i32, i32, i32) {
    %c0_i32 = arith.constant 0 : i32
    %c0_i32_0 = arith.constant 0 : i32
    return %arg0, %c0_i32, %arg1 : i32, i32, i32
  }
  func.func @transform_2(%arg0: i32, %arg1: i32) -> (i32, i32, i32) {
    %c0_i32 = arith.constant 0 : i32
    %c0_i32_0 = arith.constant 0 : i32
    return %arg0, %arg1, %c0_i32 : i32, i32, i32
  }
  func.func @transform_3(%arg0: i32, %arg1: i32) -> (i32, i32, i32) {
    %c0_i32 = arith.constant 0 : i32
    %c0_i32_0 = arith.constant 0 : i32
    return %arg0, %arg1, %c0_i32 : i32, i32, i32
  }
}

module attributes {stable_mosaic.version = 14 : i64} {
  func.func @_mlp1_body(%arg0: i32, %arg1: i32, %arg2: memref<1x4096x16xf32, #tpu.memory_space<vmem>>, %arg3: memref<1x256x16xf32, #tpu.memory_space<vmem>>, %arg4: memref<16x16xf32, #tpu.memory_space<vmem>>, %arg5: memref<16x16xf32, #tpu.memory_space<vmem>>, %arg6: memref<1x16xf32, #tpu.memory_space<vmem>>, %arg7: memref<16x64xf32, #tpu.memory_space<vmem>>, %arg8: memref<1x64xf32, #tpu.memory_space<vmem>>, %arg9: memref<64x32xf32, #tpu.memory_space<vmem>>, %arg10: memref<1x32xf32, #tpu.memory_space<vmem>>, %arg11: memref<1x256x32xf32, #tpu.memory_space<vmem>>) attributes {dimension_semantics = [#tpu.dimension_semantics<arbitrary>, #tpu.dimension_semantics<arbitrary>], iteration_bounds = array<i64: 8, 8>, scalar_prefetch = 0 : i64, scratch_operands = 0 : i64, tpu.core_type = #tpu.core_type<tc>, window_params = [{transform_indices = @transform_0, window_bounds = array<i64: 1, 4096, 16>}, {transform_indices = @transform_1, window_bounds = array<i64: 1, 256, 16>}, {pipeline_mode = #tpu.pipeline_mode<synchronous>, transform_indices = @transform_2, window_bounds = array<i64: 16, 16>}, {pipeline_mode = #tpu.pipeline_mode<synchronous>, transform_indices = @transform_3, window_bounds = array<i64: 16, 16>}, {pipeline_mode = #tpu.pipeline_mode<synchronous>, transform_indices = @transform_4, window_bounds = array<i64: 1, 16>}, {pipeline_mode = #tpu.pipeline_mode<synchronous>, transform_indices = @transform_5, window_bounds = array<i64: 16, 64>}, {pipeline_mode = #tpu.pipeline_mode<synchronous>, transform_indices = @transform_6, window_bounds = array<i64: 1, 64>}, {pipeline_mode = #tpu.pipeline_mode<synchronous>, transform_indices = @transform_7, window_bounds = array<i64: 64, 32>}, {pipeline_mode = #tpu.pipeline_mode<synchronous>, transform_indices = @transform_8, window_bounds = array<i64: 1, 32>}, {transform_indices = @transform_9, window_bounds = array<i64: 1, 256, 32>}]} {
    %get3A = arith.constant 0 : index
    %get3A_0 = arith.constant 0 : index
    %get3A_1 = arith.constant 0 : index
    %get3A_2 = vector.load %arg3[%get3A, %get3A_0, %get3A_1] : memref<1x256x16xf32, #tpu.memory_space<vmem>>, vector<1x256x16xf32>
    %get3A_3 = vector.shape_cast %get3A_2 : vector<1x256x16xf32> to vector<256x16xf32>
    %get3A_4 = arith.constant 0 : index
    %get3A_5 = arith.constant 0 : index
    %get3A_6 = vector.load %arg4[%get3A_4, %get3A_5] : memref<16x16xf32, #tpu.memory_space<vmem>>, vector<16x16xf32>
    %dot_general3A = arith.constant dense<0.000000e+00> : vector<256x16xf32>
    %dot_general3A_7 = tpu.matmul %get3A_3, %get3A_6, %dot_general3A {dimension_numbers = #tpu.dot_dimension_numbers<[1], [0], [0], [1], [0, 0, 1, 1], [], []>, transpose_lhs_hint = false} : vector<256x16xf32>, vector<16x16xf32>, vector<256x16xf32> -> vector<256x16xf32>
    %get3A_8 = arith.constant 0 : index
    %get3A_9 = arith.constant 0 : index
    %get3A_10 = vector.load %arg6[%get3A_8, %get3A_9] : memref<1x16xf32, #tpu.memory_space<vmem>>, vector<1x16xf32>
    %add3A = vector.broadcast %get3A_10 : vector<1x16xf32> to vector<256x16xf32>
    %add3A_11 = arith.addf %dot_general3A_7, %add3A : vector<256x16xf32>
    %get3A_12 = arith.constant 0 : index
    %get3A_13 = arith.constant 0 : index
    %get3A_14 = arith.constant 0 : index
    %get3A_15 = vector.load %arg2[%get3A_12, %get3A_13, %get3A_14] : memref<1x4096x16xf32, #tpu.memory_space<vmem>>, vector<1x4096x16xf32>
    %get3A_16 = vector.shape_cast %get3A_15 : vector<1x4096x16xf32> to vector<4096x16xf32>
    %get3A_17 = arith.constant 0 : index
    %get3A_18 = arith.constant 0 : index
    %get3A_19 = vector.load %arg5[%get3A_17, %get3A_18] : memref<16x16xf32, #tpu.memory_space<vmem>>, vector<16x16xf32>
    %dot_general3A_20 = arith.constant dense<0.000000e+00> : vector<4096x16xf32>
    %dot_general3A_21 = tpu.matmul %get3A_16, %get3A_19, %dot_general3A_20 {dimension_numbers = #tpu.dot_dimension_numbers<[1], [0], [0], [1], [0, 0, 1, 1], [], []>, transpose_lhs_hint = false} : vector<4096x16xf32>, vector<16x16xf32>, vector<4096x16xf32> -> vector<4096x16xf32>
    %reshape3A = vector.shape_cast %dot_general3A_21 : vector<4096x16xf32> to vector<256x16x16xf32>
    %broadcast_in_dim3A = vector.shape_cast %add3A_11 : vector<256x16xf32> to vector<256x1x16xf32>
    %add3A_22 = vector.broadcast %broadcast_in_dim3A : vector<256x1x16xf32> to vector<256x16x16xf32>
    %add3A_23 = arith.addf %reshape3A, %add3A_22 : vector<256x16x16xf32>
    %jit3A = arith.constant 0.00999999977 : f32
    %ge3A = arith.constant 0.000000e+00 : f32
    %ge3A_24 = vector.broadcast %ge3A : f32 to vector<256x16x16xf32>
    %ge3A_25 = arith.cmpf oge, %add3A_23, %ge3A_24 : vector<256x16x16xf32>
    %mul3A = vector.broadcast %jit3A : f32 to vector<256x16x16xf32>
    %mul3A_26 = arith.mulf %mul3A, %add3A_23 : vector<256x16x16xf32>
    %select_n3A = arith.select %ge3A_25, %add3A_23, %mul3A_26 : vector<256x16x16xi1>, vector<256x16x16xf32>
    %reshape3A_27 = vector.shape_cast %select_n3A : vector<256x16x16xf32> to vector<4096x16xf32>
    %get3A_28 = arith.constant 0 : index
    %get3A_29 = arith.constant 0 : index
    %get3A_30 = vector.load %arg7[%get3A_28, %get3A_29] : memref<16x64xf32, #tpu.memory_space<vmem>>, vector<16x64xf32>
    %dot_general3A_31 = arith.constant dense<0.000000e+00> : vector<4096x64xf32>
    %dot_general3A_32 = tpu.matmul %reshape3A_27, %get3A_30, %dot_general3A_31 {dimension_numbers = #tpu.dot_dimension_numbers<[1], [0], [0], [1], [0, 0, 1, 1], [], []>, transpose_lhs_hint = false} : vector<4096x16xf32>, vector<16x64xf32>, vector<4096x64xf32> -> vector<4096x64xf32>
    %get3A_33 = arith.constant 0 : index
    %get3A_34 = arith.constant 0 : index
    %get3A_35 = vector.load %arg8[%get3A_33, %get3A_34] : memref<1x64xf32, #tpu.memory_space<vmem>>, vector<1x64xf32>
    %add3A_36 = vector.broadcast %get3A_35 : vector<1x64xf32> to vector<4096x64xf32>
    %add3A_37 = arith.addf %dot_general3A_32, %add3A_36 : vector<4096x64xf32>
    %jit3A_38 = arith.constant 0.00999999977 : f32
    %ge3A_39 = arith.constant 0.000000e+00 : f32
    %ge3A_40 = vector.broadcast %ge3A_39 : f32 to vector<4096x64xf32>
    %ge3A_41 = arith.cmpf oge, %add3A_37, %ge3A_40 : vector<4096x64xf32>
    %mul3A_42 = vector.broadcast %jit3A_38 : f32 to vector<4096x64xf32>
    %mul3A_43 = arith.mulf %mul3A_42, %add3A_37 : vector<4096x64xf32>
    %select_n3A_44 = arith.select %ge3A_41, %add3A_37, %mul3A_43 : vector<4096x64xi1>, vector<4096x64xf32>
    %get3A_45 = arith.constant 0 : index
    %get3A_46 = arith.constant 0 : index
    %get3A_47 = vector.load %arg9[%get3A_45, %get3A_46] : memref<64x32xf32, #tpu.memory_space<vmem>>, vector<64x32xf32>
    %dot_general3A_48 = arith.constant dense<0.000000e+00> : vector<4096x32xf32>
    %dot_general3A_49 = tpu.matmul %select_n3A_44, %get3A_47, %dot_general3A_48 {dimension_numbers = #tpu.dot_dimension_numbers<[1], [0], [0], [1], [0, 0, 1, 1], [], []>, transpose_lhs_hint = false} : vector<4096x64xf32>, vector<64x32xf32>, vector<4096x32xf32> -> vector<4096x32xf32>
    %get3A_50 = arith.constant 0 : index
    %get3A_51 = arith.constant 0 : index
    %get3A_52 = vector.load %arg10[%get3A_50, %get3A_51] : memref<1x32xf32, #tpu.memory_space<vmem>>, vector<1x32xf32>
    %add3A_53 = vector.broadcast %get3A_52 : vector<1x32xf32> to vector<4096x32xf32>
    %add3A_54 = arith.addf %dot_general3A_49, %add3A_53 : vector<4096x32xf32>
    %jit3A_55 = arith.constant 0.00999999977 : f32
    %ge3A_56 = arith.constant 0.000000e+00 : f32
    %ge3A_57 = vector.broadcast %ge3A_56 : f32 to vector<4096x32xf32>
    %ge3A_58 = arith.cmpf oge, %add3A_54, %ge3A_57 : vector<4096x32xf32>
    %mul3A_59 = vector.broadcast %jit3A_55 : f32 to vector<4096x32xf32>
    %mul3A_60 = arith.mulf %mul3A_59, %add3A_54 : vector<4096x32xf32>
    %select_n3A_61 = arith.select %ge3A_58, %add3A_54, %mul3A_60 : vector<4096x32xi1>, vector<4096x32xf32>
    %reshape3A_62 = vector.shape_cast %select_n3A_61 : vector<4096x32xf32> to vector<256x16x32xf32>
    %reduce_sum3A = arith.constant dense<0.000000e+00> : vector<256x32xf32>
    %reduce_sum3A_63 = vector.multi_reduction <add>, %reshape3A_62, %reduce_sum3A [1] : vector<256x16x32xf32> to vector<256x32xf32>
    %swap3A = arith.constant 0 : index
    %swap3A_64 = arith.constant 0 : index
    %swap3A_65 = arith.constant 0 : index
    %swap3A_66 = vector.load %arg11[%swap3A, %swap3A_64, %swap3A_65] : memref<1x256x32xf32, #tpu.memory_space<vmem>>, vector<1x256x32xf32>
    %swap3A_67 = vector.shape_cast %swap3A_66 : vector<1x256x32xf32> to vector<256x32xf32>
    %swap3A_68 = vector.shape_cast %reduce_sum3A_63 : vector<256x32xf32> to vector<1x256x32xf32>
    tpu.vector_store %arg11[%swap3A, %swap3A_64, %swap3A_65], %swap3A_68 {strides = array<i32>} : memref<1x256x32xf32, #tpu.memory_space<vmem>>, vector<1x256x32xf32>,
    return
  }
  func.func @transform_0(%arg0: i32, %arg1: i32) -> (i32, i32, i32) {
    %c0_i32 = arith.constant 0 : i32
    %c0_i32_0 = arith.constant 0 : i32
    return %arg0, %arg1, %c0_i32 : i32, i32, i32
  }
  func.func @transform_1(%arg0: i32, %arg1: i32) -> (i32, i32, i32) {
    %c0_i32 = arith.constant 0 : i32
    %c0_i32_0 = arith.constant 0 : i32
    return %arg0, %arg1, %c0_i32 : i32, i32, i32
  }
  func.func @transform_2(%arg0: i32, %arg1: i32) -> (i32, i32) {
    %c0_i32 = arith.constant 0 : i32
    %c0_i32_0 = arith.constant 0 : i32
    %c0_i32_1 = arith.constant 0 : i32
    return %c0_i32, %c0_i32_0 : i32, i32
  }
  func.func @transform_3(%arg0: i32, %arg1: i32) -> (i32, i32) {
    %c0_i32 = arith.constant 0 : i32
    %c0_i32_0 = arith.constant 0 : i32
    %c0_i32_1 = arith.constant 0 : i32
    return %c0_i32, %c0_i32_0 : i32, i32
  }
  func.func @transform_4(%arg0: i32, %arg1: i32) -> (i32, i32) {
    %c0_i32 = arith.constant 0 : i32
    %c0_i32_0 = arith.constant 0 : i32
    %c0_i32_1 = arith.constant 0 : i32
    return %c0_i32, %c0_i32_0 : i32, i32
  }
  func.func @transform_5(%arg0: i32, %arg1: i32) -> (i32, i32) {
    %c0_i32 = arith.constant 0 : i32
    %c0_i32_0 = arith.constant 0 : i32
    %c0_i32_1 = arith.constant 0 : i32
    return %c0_i32, %c0_i32_0 : i32, i32
  }
  func.func @transform_6(%arg0: i32, %arg1: i32) -> (i32, i32) {
    %c0_i32 = arith.constant 0 : i32
    %c0_i32_0 = arith.constant 0 : i32
    %c0_i32_1 = arith.constant 0 : i32
    return %c0_i32, %c0_i32_0 : i32, i32
  }
  func.func @transform_7(%arg0: i32, %arg1: i32) -> (i32, i32) {
    %c0_i32 = arith.constant 0 : i32
    %c0_i32_0 = arith.constant 0 : i32
    %c0_i32_1 = arith.constant 0 : i32
    return %c0_i32, %c0_i32_0 : i32, i32
  }
  func.func @transform_8(%arg0: i32, %arg1: i32) -> (i32, i32) {
    %c0_i32 = arith.constant 0 : i32
    %c0_i32_0 = arith.constant 0 : i32
    %c0_i32_1 = arith.constant 0 : i32
    return %c0_i32, %c0_i32_0 : i32, i32
  }
  func.func @transform_9(%arg0: i32, %arg1: i32) -> (i32, i32, i32) {
    %c0_i32 = arith.constant 0 : i32
    %c0_i32_0 = arith.constant 0 : i32
    return %arg0, %arg1, %c0_i32 : i32, i32, i32
  }
}

module attributes {stable_mosaic.version = 14 : i64} {
  func.func @_topk_body(%arg0: i32, %arg1: i32, %arg2: memref<1x32x2048xf32, #tpu.memory_space<vmem>>, %arg3: memref<1x32x256xf32, #tpu.memory_space<vmem>>, %arg4: memref<1x256x32xf32, #tpu.memory_space<vmem>>, %arg5: memref<1x256x16xi32, #tpu.memory_space<vmem>>) attributes {dimension_semantics = [#tpu.dimension_semantics<arbitrary>, #tpu.dimension_semantics<arbitrary>], iteration_bounds = array<i64: 8, 8>, scalar_prefetch = 0 : i64, scratch_operands = 0 : i64, tpu.core_type = #tpu.core_type<tc>, window_params = [{transform_indices = @transform_0, window_bounds = array<i64: 1, 32, 2048>}, {transform_indices = @transform_1, window_bounds = array<i64: 1, 32, 256>}, {transform_indices = @transform_2, window_bounds = array<i64: 1, 256, 32>}, {transform_indices = @transform_3, window_bounds = array<i64: 1, 256, 16>}]} {
    %get3A = arith.constant 0 : index
    %get3A_0 = arith.constant 0 : index
    %get3A_1 = arith.constant 0 : index
    %get3A_2 = vector.load %arg2[%get3A, %get3A_0, %get3A_1] : memref<1x32x2048xf32, #tpu.memory_space<vmem>>, vector<1x32x2048xf32>
    %get3A_3 = vector.shape_cast %get3A_2 : vector<1x32x2048xf32> to vector<32x2048xf32>
    %get3A_4 = arith.constant 0 : index
    %get3A_5 = arith.constant 0 : index
    %get3A_6 = arith.constant 0 : index
    %get3A_7 = vector.load %arg3[%get3A_4, %get3A_5, %get3A_6] : memref<1x32x256xf32, #tpu.memory_space<vmem>>, vector<1x32x256xf32>
    %get3A_8 = vector.shape_cast %get3A_7 : vector<1x32x256xf32> to vector<32x256xf32>
    %get3A_9 = arith.constant 0 : index
    %get3A_10 = arith.constant 0 : index
    %get3A_11 = arith.constant 0 : index
    %get3A_12 = vector.load %arg4[%get3A_9, %get3A_10, %get3A_11] : memref<1x256x32xf32, #tpu.memory_space<vmem>>, vector<1x256x32xf32>
    %get3A_13 = vector.shape_cast %get3A_12 : vector<1x256x32xf32> to vector<256x32xf32>
    %mul3A = arith.mulf %get3A_3, %get3A_3 : vector<32x2048xf32>
    %reduce_sum3A = arith.constant dense<0.000000e+00> : vector<2048xf32>
    %reduce_sum3A_14 = vector.multi_reduction <add>, %mul3A, %reduce_sum3A [0] : vector<32x2048xf32> to vector<2048xf32>
    %mul3A_15 = arith.mulf %get3A_13, %get3A_13 : vector<256x32xf32>
    %reduce_sum3A_16 = arith.constant dense<0.000000e+00> : vector<256xf32>
    %reduce_sum3A_17 = vector.multi_reduction <add>, %mul3A_15, %reduce_sum3A_16 [1] : vector<256x32xf32> to vector<256xf32>
    %dot_general3A = arith.constant dense<0.000000e+00> : vector<256x2048xf32>
    %dot_general3A_18 = tpu.matmul %get3A_8, %get3A_3, %dot_general3A {dimension_numbers = #tpu.dot_dimension_numbers<[0], [0], [1], [1], [0, 1, 1, 1], [], []>, transpose_lhs_hint = false} : vector<32x256xf32>, vector<32x2048xf32>, vector<256x2048xf32> -> vector<256x2048xf32>
    %broadcast_in_dim3A = vector.shape_cast %reduce_sum3A_17 : vector<256xf32> to vector<256x1xf32>
    %broadcast_in_dim3A_19 = vector.shape_cast %reduce_sum3A_14 : vector<2048xf32> to vector<1x2048xf32>
    %add3A = vector.broadcast %broadcast_in_dim3A : vector<256x1xf32> to vector<256x2048xf32>
    %add3A_20 = vector.broadcast %broadcast_in_dim3A_19 : vector<1x2048xf32> to vector<256x2048xf32>
    %add3A_21 = arith.addf %add3A, %add3A_20 : vector<256x2048xf32>
    %mul3A_22 = arith.constant 2.000000e+00 : f32
    %mul3A_23 = vector.broadcast %mul3A_22 : f32 to vector<256x2048xf32>
    %mul3A_24 = arith.mulf %mul3A_23, %dot_general3A_18 : vector<256x2048xf32>
    %sub3A = arith.subf %add3A_21, %mul3A_24 : vector<256x2048xf32>
    %iota3A = tpu.iota {dimensions = array<i32: 1>} : vector<256x2048xi32>
    %mul3A_25 = arith.constant 2048 : i32
    %mul3A_26 = arith.muli %arg0, %mul3A_25 : i32
    %iota3A_27 = tpu.iota {dimensions = array<i32: 0>} : vector<256x1xi32>
    %mul3A_28 = arith.constant 256 : i32
    %mul3A_29 = arith.muli %arg1, %mul3A_28 : i32
    %add3A_30 = vector.broadcast %mul3A_29 : i32 to vector<256x1xi32>
    %add3A_31 = arith.addi %iota3A_27, %add3A_30 : vector<256x1xi32>
    %eq3A = vector.broadcast %add3A_31 : vector<256x1xi32> to vector<256x2048xi32>
    %eq3A_32 = arith.cmpi eq, %iota3A, %eq3A : vector<256x2048xi32>
    %jit3A = arith.constant 0x7F800000 : f32
    %broadcast_in_dim3A_33 = vector.broadcast %jit3A : f32 to vector<256x2048xf32>
    %select_n3A = arith.select %eq3A_32, %broadcast_in_dim3A_33, %sub3A : vector<256x2048xi1>, vector<256x2048xf32>
    %squeeze3A = vector.shape_cast %add3A_31 : vector<256x1xi32> to vector<256xi32>
    %add3A_34 = vector.broadcast %mul3A_26 : i32 to vector<256xi32>
    %add3A_35 = arith.addi %squeeze3A, %add3A_34 : vector<256xi32>
    %argmin3A = tpu.reduce_index %select_n3A {axis = 1 : i32, kind = #tpu.reduction_kind<arg_min>} : vector<256x2048xf32> -> vector<256xi32>
    %add3A_36 = vector.broadcast %mul3A_26 : i32 to vector<256xi32>
    %add3A_37 = arith.addi %argmin3A, %add3A_36 : vector<256xi32>
    %broadcast_in_dim3A_38 = vector.shape_cast %argmin3A : vector<256xi32> to vector<256x1xi32>
    %eq3A_39 = vector.broadcast %broadcast_in_dim3A_38 : vector<256x1xi32> to vector<256x2048xi32>
    %eq3A_40 = arith.cmpi eq, %iota3A, %eq3A_39 : vector<256x2048xi32>
    %jit3A_41 = arith.constant 0x7F800000 : f32
    %broadcast_in_dim3A_42 = vector.broadcast %jit3A_41 : f32 to vector<256x2048xf32>
    %select_n3A_43 = arith.select %eq3A_40, %broadcast_in_dim3A_42, %select_n3A : vector<256x2048xi1>, vector<256x2048xf32>
    %argmin3A_44 = tpu.reduce_index %select_n3A_43 {axis = 1 : i32, kind = #tpu.reduction_kind<arg_min>} : vector<256x2048xf32> -> vector<256xi32>
    %add3A_45 = vector.broadcast %mul3A_26 : i32 to vector<256xi32>
    %add3A_46 = arith.addi %argmin3A_44, %add3A_45 : vector<256xi32>
    %broadcast_in_dim3A_47 = vector.shape_cast %argmin3A_44 : vector<256xi32> to vector<256x1xi32>
    %eq3A_48 = vector.broadcast %broadcast_in_dim3A_47 : vector<256x1xi32> to vector<256x2048xi32>
    %eq3A_49 = arith.cmpi eq, %iota3A, %eq3A_48 : vector<256x2048xi32>
    %jit3A_50 = arith.constant 0x7F800000 : f32
    %broadcast_in_dim3A_51 = vector.broadcast %jit3A_50 : f32 to vector<256x2048xf32>
    %select_n3A_52 = arith.select %eq3A_49, %broadcast_in_dim3A_51, %select_n3A_43 : vector<256x2048xi1>, vector<256x2048xf32>
    %argmin3A_53 = tpu.reduce_index %select_n3A_52 {axis = 1 : i32, kind = #tpu.reduction_kind<arg_min>} : vector<256x2048xf32> -> vector<256xi32>
    %add3A_54 = vector.broadcast %mul3A_26 : i32 to vector<256xi32>
    %add3A_55 = arith.addi %argmin3A_53, %add3A_54 : vector<256xi32>
    %broadcast_in_dim3A_56 = vector.shape_cast %argmin3A_53 : vector<256xi32> to vector<256x1xi32>
    %eq3A_57 = vector.broadcast %broadcast_in_dim3A_56 : vector<256x1xi32> to vector<256x2048xi32>
    %eq3A_58 = arith.cmpi eq, %iota3A, %eq3A_57 : vector<256x2048xi32>
    %jit3A_59 = arith.constant 0x7F800000 : f32
    %broadcast_in_dim3A_60 = vector.broadcast %jit3A_59 : f32 to vector<256x2048xf32>
    %select_n3A_61 = arith.select %eq3A_58, %broadcast_in_dim3A_60, %select_n3A_52 : vector<256x2048xi1>, vector<256x2048xf32>
    %argmin3A_62 = tpu.reduce_index %select_n3A_61 {axis = 1 : i32, kind = #tpu.reduction_kind<arg_min>} : vector<256x2048xf32> -> vector<256xi32>
    %add3A_63 = vector.broadcast %mul3A_26 : i32 to vector<256xi32>
    %add3A_64 = arith.addi %argmin3A_62, %add3A_63 : vector<256xi32>
    %broadcast_in_dim3A_65 = vector.shape_cast %argmin3A_62 : vector<256xi32> to vector<256x1xi32>
    %eq3A_66 = vector.broadcast %broadcast_in_dim3A_65 : vector<256x1xi32> to vector<256x2048xi32>
    %eq3A_67 = arith.cmpi eq, %iota3A, %eq3A_66 : vector<256x2048xi32>
    %jit3A_68 = arith.constant 0x7F800000 : f32
    %broadcast_in_dim3A_69 = vector.broadcast %jit3A_68 : f32 to vector<256x2048xf32>
    %select_n3A_70 = arith.select %eq3A_67, %broadcast_in_dim3A_69, %select_n3A_61 : vector<256x2048xi1>, vector<256x2048xf32>
    %argmin3A_71 = tpu.reduce_index %select_n3A_70 {axis = 1 : i32, kind = #tpu.reduction_kind<arg_min>} : vector<256x2048xf32> -> vector<256xi32>
    %add3A_72 = vector.broadcast %mul3A_26 : i32 to vector<256xi32>
    %add3A_73 = arith.addi %argmin3A_71, %add3A_72 : vector<256xi32>
    %broadcast_in_dim3A_74 = vector.shape_cast %argmin3A_71 : vector<256xi32> to vector<256x1xi32>
    %eq3A_75 = vector.broadcast %broadcast_in_dim3A_74 : vector<256x1xi32> to vector<256x2048xi32>
    %eq3A_76 = arith.cmpi eq, %iota3A, %eq3A_75 : vector<256x2048xi32>
    %jit3A_77 = arith.constant 0x7F800000 : f32
    %broadcast_in_dim3A_78 = vector.broadcast %jit3A_77 : f32 to vector<256x2048xf32>
    %select_n3A_79 = arith.select %eq3A_76, %broadcast_in_dim3A_78, %select_n3A_70 : vector<256x2048xi1>, vector<256x2048xf32>
    %argmin3A_80 = tpu.reduce_index %select_n3A_79 {axis = 1 : i32, kind = #tpu.reduction_kind<arg_min>} : vector<256x2048xf32> -> vector<256xi32>
    %add3A_81 = vector.broadcast %mul3A_26 : i32 to vector<256xi32>
    %add3A_82 = arith.addi %argmin3A_80, %add3A_81 : vector<256xi32>
    %broadcast_in_dim3A_83 = vector.shape_cast %argmin3A_80 : vector<256xi32> to vector<256x1xi32>
    %eq3A_84 = vector.broadcast %broadcast_in_dim3A_83 : vector<256x1xi32> to vector<256x2048xi32>
    %eq3A_85 = arith.cmpi eq, %iota3A, %eq3A_84 : vector<256x2048xi32>
    %jit3A_86 = arith.constant 0x7F800000 : f32
    %broadcast_in_dim3A_87 = vector.broadcast %jit3A_86 : f32 to vector<256x2048xf32>
    %select_n3A_88 = arith.select %eq3A_85, %broadcast_in_dim3A_87, %select_n3A_79 : vector<256x2048xi1>, vector<256x2048xf32>
    %argmin3A_89 = tpu.reduce_index %select_n3A_88 {axis = 1 : i32, kind = #tpu.reduction_kind<arg_min>} : vector<256x2048xf32> -> vector<256xi32>
    %add3A_90 = vector.broadcast %mul3A_26 : i32 to vector<256xi32>
    %add3A_91 = arith.addi %argmin3A_89, %add3A_90 : vector<256xi32>
    %broadcast_in_dim3A_92 = vector.shape_cast %argmin3A_89 : vector<256xi32> to vector<256x1xi32>
    %eq3A_93 = vector.broadcast %broadcast_in_dim3A_92 : vector<256x1xi32> to vector<256x2048xi32>
    %eq3A_94 = arith.cmpi eq, %iota3A, %eq3A_93 : vector<256x2048xi32>
    %jit3A_95 = arith.constant 0x7F800000 : f32
    %broadcast_in_dim3A_96 = vector.broadcast %jit3A_95 : f32 to vector<256x2048xf32>
    %select_n3A_97 = arith.select %eq3A_94, %broadcast_in_dim3A_96, %select_n3A_88 : vector<256x2048xi1>, vector<256x2048xf32>
    %argmin3A_98 = tpu.reduce_index %select_n3A_97 {axis = 1 : i32, kind = #tpu.reduction_kind<arg_min>} : vector<256x2048xf32> -> vector<256xi32>
    %add3A_99 = vector.broadcast %mul3A_26 : i32 to vector<256xi32>
    %add3A_100 = arith.addi %argmin3A_98, %add3A_99 : vector<256xi32>
    %broadcast_in_dim3A_101 = vector.shape_cast %argmin3A_98 : vector<256xi32> to vector<256x1xi32>
    %eq3A_102 = vector.broadcast %broadcast_in_dim3A_101 : vector<256x1xi32> to vector<256x2048xi32>
    %eq3A_103 = arith.cmpi eq, %iota3A, %eq3A_102 : vector<256x2048xi32>
    %jit3A_104 = arith.constant 0x7F800000 : f32
    %broadcast_in_dim3A_105 = vector.broadcast %jit3A_104 : f32 to vector<256x2048xf32>
    %select_n3A_106 = arith.select %eq3A_103, %broadcast_in_dim3A_105, %select_n3A_97 : vector<256x2048xi1>, vector<256x2048xf32>
    %argmin3A_107 = tpu.reduce_index %select_n3A_106 {axis = 1 : i32, kind = #tpu.reduction_kind<arg_min>} : vector<256x2048xf32> -> vector<256xi32>
    %add3A_108 = vector.broadcast %mul3A_26 : i32 to vector<256xi32>
    %add3A_109 = arith.addi %argmin3A_107, %add3A_108 : vector<256xi32>
    %broadcast_in_dim3A_110 = vector.shape_cast %argmin3A_107 : vector<256xi32> to vector<256x1xi32>
    %eq3A_111 = vector.broadcast %broadcast_in_dim3A_110 : vector<256x1xi32> to vector<256x2048xi32>
    %eq3A_112 = arith.cmpi eq, %iota3A, %eq3A_111 : vector<256x2048xi32>
    %jit3A_113 = arith.constant 0x7F800000 : f32
    %broadcast_in_dim3A_114 = vector.broadcast %jit3A_113 : f32 to vector<256x2048xf32>
    %select_n3A_115 = arith.select %eq3A_112, %broadcast_in_dim3A_114, %select_n3A_106 : vector<256x2048xi1>, vector<256x2048xf32>
    %argmin3A_116 = tpu.reduce_index %select_n3A_115 {axis = 1 : i32, kind = #tpu.reduction_kind<arg_min>} : vector<256x2048xf32> -> vector<256xi32>
    %add3A_117 = vector.broadcast %mul3A_26 : i32 to vector<256xi32>
    %add3A_118 = arith.addi %argmin3A_116, %add3A_117 : vector<256xi32>
    %broadcast_in_dim3A_119 = vector.shape_cast %argmin3A_116 : vector<256xi32> to vector<256x1xi32>
    %eq3A_120 = vector.broadcast %broadcast_in_dim3A_119 : vector<256x1xi32> to vector<256x2048xi32>
    %eq3A_121 = arith.cmpi eq, %iota3A, %eq3A_120 : vector<256x2048xi32>
    %jit3A_122 = arith.constant 0x7F800000 : f32
    %broadcast_in_dim3A_123 = vector.broadcast %jit3A_122 : f32 to vector<256x2048xf32>
    %select_n3A_124 = arith.select %eq3A_121, %broadcast_in_dim3A_123, %select_n3A_115 : vector<256x2048xi1>, vector<256x2048xf32>
    %argmin3A_125 = tpu.reduce_index %select_n3A_124 {axis = 1 : i32, kind = #tpu.reduction_kind<arg_min>} : vector<256x2048xf32> -> vector<256xi32>
    %add3A_126 = vector.broadcast %mul3A_26 : i32 to vector<256xi32>
    %add3A_127 = arith.addi %argmin3A_125, %add3A_126 : vector<256xi32>
    %broadcast_in_dim3A_128 = vector.shape_cast %argmin3A_125 : vector<256xi32> to vector<256x1xi32>
    %eq3A_129 = vector.broadcast %broadcast_in_dim3A_128 : vector<256x1xi32> to vector<256x2048xi32>
    %eq3A_130 = arith.cmpi eq, %iota3A, %eq3A_129 : vector<256x2048xi32>
    %jit3A_131 = arith.constant 0x7F800000 : f32
    %broadcast_in_dim3A_132 = vector.broadcast %jit3A_131 : f32 to vector<256x2048xf32>
    %select_n3A_133 = arith.select %eq3A_130, %broadcast_in_dim3A_132, %select_n3A_124 : vector<256x2048xi1>, vector<256x2048xf32>
    %argmin3A_134 = tpu.reduce_index %select_n3A_133 {axis = 1 : i32, kind = #tpu.reduction_kind<arg_min>} : vector<256x2048xf32> -> vector<256xi32>
    %add3A_135 = vector.broadcast %mul3A_26 : i32 to vector<256xi32>
    %add3A_136 = arith.addi %argmin3A_134, %add3A_135 : vector<256xi32>
    %broadcast_in_dim3A_137 = vector.shape_cast %argmin3A_134 : vector<256xi32> to vector<256x1xi32>
    %eq3A_138 = vector.broadcast %broadcast_in_dim3A_137 : vector<256x1xi32> to vector<256x2048xi32>
    %eq3A_139 = arith.cmpi eq, %iota3A, %eq3A_138 : vector<256x2048xi32>
    %jit3A_140 = arith.constant 0x7F800000 : f32
    %broadcast_in_dim3A_141 = vector.broadcast %jit3A_140 : f32 to vector<256x2048xf32>
    %select_n3A_142 = arith.select %eq3A_139, %broadcast_in_dim3A_141, %select_n3A_133 : vector<256x2048xi1>, vector<256x2048xf32>
    %argmin3A_143 = tpu.reduce_index %select_n3A_142 {axis = 1 : i32, kind = #tpu.reduction_kind<arg_min>} : vector<256x2048xf32> -> vector<256xi32>
    %add3A_144 = vector.broadcast %mul3A_26 : i32 to vector<256xi32>
    %add3A_145 = arith.addi %argmin3A_143, %add3A_144 : vector<256xi32>
    %broadcast_in_dim3A_146 = vector.shape_cast %argmin3A_143 : vector<256xi32> to vector<256x1xi32>
    %eq3A_147 = vector.broadcast %broadcast_in_dim3A_146 : vector<256x1xi32> to vector<256x2048xi32>
    %eq3A_148 = arith.cmpi eq, %iota3A, %eq3A_147 : vector<256x2048xi32>
    %jit3A_149 = arith.constant 0x7F800000 : f32
    %broadcast_in_dim3A_150 = vector.broadcast %jit3A_149 : f32 to vector<256x2048xf32>
    %select_n3A_151 = arith.select %eq3A_148, %broadcast_in_dim3A_150, %select_n3A_142 : vector<256x2048xi1>, vector<256x2048xf32>
    %argmin3A_152 = tpu.reduce_index %select_n3A_151 {axis = 1 : i32, kind = #tpu.reduction_kind<arg_min>} : vector<256x2048xf32> -> vector<256xi32>
    %add3A_153 = vector.broadcast %mul3A_26 : i32 to vector<256xi32>
    %add3A_154 = arith.addi %argmin3A_152, %add3A_153 : vector<256xi32>
    %broadcast_in_dim3A_155 = vector.shape_cast %argmin3A_152 : vector<256xi32> to vector<256x1xi32>
    %eq3A_156 = vector.broadcast %broadcast_in_dim3A_155 : vector<256x1xi32> to vector<256x2048xi32>
    %eq3A_157 = arith.cmpi eq, %iota3A, %eq3A_156 : vector<256x2048xi32>
    %jit3A_158 = arith.constant 0x7F800000 : f32
    %broadcast_in_dim3A_159 = vector.broadcast %jit3A_158 : f32 to vector<256x2048xf32>
    %select_n3A_160 = arith.select %eq3A_157, %broadcast_in_dim3A_159, %select_n3A_151 : vector<256x2048xi1>, vector<256x2048xf32>
    %argmin3A_161 = tpu.reduce_index %select_n3A_160 {axis = 1 : i32, kind = #tpu.reduction_kind<arg_min>} : vector<256x2048xf32> -> vector<256xi32>
    %add3A_162 = vector.broadcast %mul3A_26 : i32 to vector<256xi32>
    %add3A_163 = arith.addi %argmin3A_161, %add3A_162 : vector<256xi32>
    %stack3A = vector.shape_cast %add3A_35 : vector<256xi32> to vector<256x1xi32>
    %stack3A_164 = vector.shape_cast %add3A_37 : vector<256xi32> to vector<256x1xi32>
    %stack3A_165 = vector.shape_cast %add3A_46 : vector<256xi32> to vector<256x1xi32>
    %stack3A_166 = vector.shape_cast %add3A_55 : vector<256xi32> to vector<256x1xi32>
    %stack3A_167 = vector.shape_cast %add3A_64 : vector<256xi32> to vector<256x1xi32>
    %stack3A_168 = vector.shape_cast %add3A_73 : vector<256xi32> to vector<256x1xi32>
    %stack3A_169 = vector.shape_cast %add3A_82 : vector<256xi32> to vector<256x1xi32>
    %stack3A_170 = vector.shape_cast %add3A_91 : vector<256xi32> to vector<256x1xi32>
    %stack3A_171 = vector.shape_cast %add3A_100 : vector<256xi32> to vector<256x1xi32>
    %stack3A_172 = vector.shape_cast %add3A_109 : vector<256xi32> to vector<256x1xi32>
    %stack3A_173 = vector.shape_cast %add3A_118 : vector<256xi32> to vector<256x1xi32>
    %stack3A_174 = vector.shape_cast %add3A_127 : vector<256xi32> to vector<256x1xi32>
    %stack3A_175 = vector.shape_cast %add3A_136 : vector<256xi32> to vector<256x1xi32>
    %stack3A_176 = vector.shape_cast %add3A_145 : vector<256xi32> to vector<256x1xi32>
    %stack3A_177 = vector.shape_cast %add3A_154 : vector<256xi32> to vector<256x1xi32>
    %stack3A_178 = vector.shape_cast %add3A_163 : vector<256xi32> to vector<256x1xi32>
    %stack3A_179 = tpu.concatenate %stack3A, %stack3A_164, %stack3A_165, %stack3A_166, %stack3A_167, %stack3A_168, %stack3A_169, %stack3A_170, %stack3A_171, %stack3A_172, %stack3A_173, %stack3A_174, %stack3A_175, %stack3A_176, %stack3A_177, %stack3A_178 in 1 : vector<256x1xi32>, vector<256x1xi32>, vector<256x1xi32>, vector<256x1xi32>, vector<256x1xi32>, vector<256x1xi32>, vector<256x1xi32>, vector<256x1xi32>, vector<256x1xi32>, vector<256x1xi32>, vector<256x1xi32>, vector<256x1xi32>, vector<256x1xi32>, vector<256x1xi32>, vector<256x1xi32>, vector<256x1xi32> -> vector<256x16xi32>
    %swap3A = arith.constant 0 : index
    %swap3A_180 = arith.constant 0 : index
    %swap3A_181 = arith.constant 0 : index
    %swap3A_182 = vector.load %arg5[%swap3A, %swap3A_180, %swap3A_181] : memref<1x256x16xi32, #tpu.memory_space<vmem>>, vector<1x256x16xi32>
    %swap3A_183 = vector.shape_cast %swap3A_182 : vector<1x256x16xi32> to vector<256x16xi32>
    %swap3A_184 = vector.shape_cast %stack3A_179 : vector<256x16xi32> to vector<1x256x16xi32>
    tpu.vector_store %arg5[%swap3A, %swap3A_180, %swap3A_181], %swap3A_184 {strides = array<i32>} : memref<1x256x16xi32, #tpu.memory_space<vmem>>, vector<1x256x16xi32>,
    return
  }
  func.func @transform_0(%arg0: i32, %arg1: i32) -> (i32, i32, i32) {
    %c0_i32 = arith.constant 0 : i32
    %c0_i32_0 = arith.constant 0 : i32
    %c0_i32_1 = arith.constant 0 : i32
    return %arg0, %c0_i32, %c0_i32_0 : i32, i32, i32
  }
  func.func @transform_1(%arg0: i32, %arg1: i32) -> (i32, i32, i32) {
    %c0_i32 = arith.constant 0 : i32
    %c0_i32_0 = arith.constant 0 : i32
    return %arg0, %c0_i32, %arg1 : i32, i32, i32
  }
  func.func @transform_2(%arg0: i32, %arg1: i32) -> (i32, i32, i32) {
    %c0_i32 = arith.constant 0 : i32
    %c0_i32_0 = arith.constant 0 : i32
    return %arg0, %arg1, %c0_i32 : i32, i32, i32
  }
  func.func @transform_3(%arg0: i32, %arg1: i32) -> (i32, i32, i32) {
    %c0_i32 = arith.constant 0 : i32
    %c0_i32_0 = arith.constant 0 : i32
    return %arg0, %arg1, %c0_i32 : i32, i32, i32
  }
}

module attributes {stable_mosaic.version = 14 : i64} {
  func.func @_mlp2_body(%arg0: i32, %arg1: i32, %arg2: memref<1x4096x32xf32, #tpu.memory_space<vmem>>, %arg3: memref<1x256x32xf32, #tpu.memory_space<vmem>>, %arg4: memref<32x256xf32, #tpu.memory_space<vmem>>, %arg5: memref<32x256xf32, #tpu.memory_space<vmem>>, %arg6: memref<1x256xf32, #tpu.memory_space<vmem>>, %arg7: memref<256x128xf32, #tpu.memory_space<vmem>>, %arg8: memref<1x128xf32, #tpu.memory_space<vmem>>, %arg9: memref<1x256x128xf32, #tpu.memory_space<vmem>>) attributes {dimension_semantics = [#tpu.dimension_semantics<arbitrary>, #tpu.dimension_semantics<arbitrary>], iteration_bounds = array<i64: 8, 8>, scalar_prefetch = 0 : i64, scratch_operands = 0 : i64, tpu.core_type = #tpu.core_type<tc>, window_params = [{transform_indices = @transform_0, window_bounds = array<i64: 1, 4096, 32>}, {transform_indices = @transform_1, window_bounds = array<i64: 1, 256, 32>}, {pipeline_mode = #tpu.pipeline_mode<synchronous>, transform_indices = @transform_2, window_bounds = array<i64: 32, 256>}, {pipeline_mode = #tpu.pipeline_mode<synchronous>, transform_indices = @transform_3, window_bounds = array<i64: 32, 256>}, {pipeline_mode = #tpu.pipeline_mode<synchronous>, transform_indices = @transform_4, window_bounds = array<i64: 1, 256>}, {pipeline_mode = #tpu.pipeline_mode<synchronous>, transform_indices = @transform_5, window_bounds = array<i64: 256, 128>}, {pipeline_mode = #tpu.pipeline_mode<synchronous>, transform_indices = @transform_6, window_bounds = array<i64: 1, 128>}, {transform_indices = @transform_7, window_bounds = array<i64: 1, 256, 128>}]} {
    %get3A = arith.constant 0 : index
    %get3A_0 = arith.constant 0 : index
    %get3A_1 = arith.constant 0 : index
    %get3A_2 = vector.load %arg3[%get3A, %get3A_0, %get3A_1] : memref<1x256x32xf32, #tpu.memory_space<vmem>>, vector<1x256x32xf32>
    %get3A_3 = vector.shape_cast %get3A_2 : vector<1x256x32xf32> to vector<256x32xf32>
    %get3A_4 = arith.constant 0 : index
    %get3A_5 = arith.constant 0 : index
    %get3A_6 = vector.load %arg4[%get3A_4, %get3A_5] : memref<32x256xf32, #tpu.memory_space<vmem>>, vector<32x256xf32>
    %dot_general3A = arith.constant dense<0.000000e+00> : vector<256x256xf32>
    %dot_general3A_7 = tpu.matmul %get3A_3, %get3A_6, %dot_general3A {dimension_numbers = #tpu.dot_dimension_numbers<[1], [0], [0], [1], [0, 0, 1, 1], [], []>, transpose_lhs_hint = false} : vector<256x32xf32>, vector<32x256xf32>, vector<256x256xf32> -> vector<256x256xf32>
    %get3A_8 = arith.constant 0 : index
    %get3A_9 = arith.constant 0 : index
    %get3A_10 = vector.load %arg6[%get3A_8, %get3A_9] : memref<1x256xf32, #tpu.memory_space<vmem>>, vector<1x256xf32>
    %add3A = vector.broadcast %get3A_10 : vector<1x256xf32> to vector<256x256xf32>
    %add3A_11 = arith.addf %dot_general3A_7, %add3A : vector<256x256xf32>
    %get3A_12 = arith.constant 0 : index
    %get3A_13 = arith.constant 0 : index
    %get3A_14 = arith.constant 0 : index
    %get3A_15 = vector.load %arg2[%get3A_12, %get3A_13, %get3A_14] : memref<1x4096x32xf32, #tpu.memory_space<vmem>>, vector<1x4096x32xf32>
    %get3A_16 = vector.shape_cast %get3A_15 : vector<1x4096x32xf32> to vector<4096x32xf32>
    %get3A_17 = arith.constant 0 : index
    %get3A_18 = arith.constant 0 : index
    %get3A_19 = vector.load %arg5[%get3A_17, %get3A_18] : memref<32x256xf32, #tpu.memory_space<vmem>>, vector<32x256xf32>
    %dot_general3A_20 = arith.constant dense<0.000000e+00> : vector<4096x256xf32>
    %dot_general3A_21 = tpu.matmul %get3A_16, %get3A_19, %dot_general3A_20 {dimension_numbers = #tpu.dot_dimension_numbers<[1], [0], [0], [1], [0, 0, 1, 1], [], []>, transpose_lhs_hint = false} : vector<4096x32xf32>, vector<32x256xf32>, vector<4096x256xf32> -> vector<4096x256xf32>
    %reshape3A = vector.shape_cast %dot_general3A_21 : vector<4096x256xf32> to vector<256x16x256xf32>
    %broadcast_in_dim3A = vector.shape_cast %add3A_11 : vector<256x256xf32> to vector<256x1x256xf32>
    %add3A_22 = vector.broadcast %broadcast_in_dim3A : vector<256x1x256xf32> to vector<256x16x256xf32>
    %add3A_23 = arith.addf %reshape3A, %add3A_22 : vector<256x16x256xf32>
    %jit3A = arith.constant 0.00999999977 : f32
    %ge3A = arith.constant 0.000000e+00 : f32
    %ge3A_24 = vector.broadcast %ge3A : f32 to vector<256x16x256xf32>
    %ge3A_25 = arith.cmpf oge, %add3A_23, %ge3A_24 : vector<256x16x256xf32>
    %mul3A = vector.broadcast %jit3A : f32 to vector<256x16x256xf32>
    %mul3A_26 = arith.mulf %mul3A, %add3A_23 : vector<256x16x256xf32>
    %select_n3A = arith.select %ge3A_25, %add3A_23, %mul3A_26 : vector<256x16x256xi1>, vector<256x16x256xf32>
    %reshape3A_27 = vector.shape_cast %select_n3A : vector<256x16x256xf32> to vector<4096x256xf32>
    %get3A_28 = arith.constant 0 : index
    %get3A_29 = arith.constant 0 : index
    %get3A_30 = vector.load %arg7[%get3A_28, %get3A_29] : memref<256x128xf32, #tpu.memory_space<vmem>>, vector<256x128xf32>
    %dot_general3A_31 = arith.constant dense<0.000000e+00> : vector<4096x128xf32>
    %dot_general3A_32 = tpu.matmul %reshape3A_27, %get3A_30, %dot_general3A_31 {dimension_numbers = #tpu.dot_dimension_numbers<[1], [0], [0], [1], [0, 0, 1, 1], [], []>, transpose_lhs_hint = false} : vector<4096x256xf32>, vector<256x128xf32>, vector<4096x128xf32> -> vector<4096x128xf32>
    %get3A_33 = arith.constant 0 : index
    %get3A_34 = arith.constant 0 : index
    %get3A_35 = vector.load %arg8[%get3A_33, %get3A_34] : memref<1x128xf32, #tpu.memory_space<vmem>>, vector<1x128xf32>
    %add3A_36 = vector.broadcast %get3A_35 : vector<1x128xf32> to vector<4096x128xf32>
    %add3A_37 = arith.addf %dot_general3A_32, %add3A_36 : vector<4096x128xf32>
    %jit3A_38 = arith.constant 0.00999999977 : f32
    %ge3A_39 = arith.constant 0.000000e+00 : f32
    %ge3A_40 = vector.broadcast %ge3A_39 : f32 to vector<4096x128xf32>
    %ge3A_41 = arith.cmpf oge, %add3A_37, %ge3A_40 : vector<4096x128xf32>
    %mul3A_42 = vector.broadcast %jit3A_38 : f32 to vector<4096x128xf32>
    %mul3A_43 = arith.mulf %mul3A_42, %add3A_37 : vector<4096x128xf32>
    %select_n3A_44 = arith.select %ge3A_41, %add3A_37, %mul3A_43 : vector<4096x128xi1>, vector<4096x128xf32>
    %reshape3A_45 = vector.shape_cast %select_n3A_44 : vector<4096x128xf32> to vector<256x16x128xf32>
    %reduce_sum3A = arith.constant dense<0.000000e+00> : vector<256x128xf32>
    %reduce_sum3A_46 = vector.multi_reduction <add>, %reshape3A_45, %reduce_sum3A [1] : vector<256x16x128xf32> to vector<256x128xf32>
    %swap3A = arith.constant 0 : index
    %swap3A_47 = arith.constant 0 : index
    %swap3A_48 = arith.constant 0 : index
    %swap3A_49 = vector.load %arg9[%swap3A, %swap3A_47, %swap3A_48] : memref<1x256x128xf32, #tpu.memory_space<vmem>>, vector<1x256x128xf32>
    %swap3A_50 = vector.shape_cast %swap3A_49 : vector<1x256x128xf32> to vector<256x128xf32>
    %swap3A_51 = vector.shape_cast %reduce_sum3A_46 : vector<256x128xf32> to vector<1x256x128xf32>
    tpu.vector_store %arg9[%swap3A, %swap3A_47, %swap3A_48], %swap3A_51 {strides = array<i32>} : memref<1x256x128xf32, #tpu.memory_space<vmem>>, vector<1x256x128xf32>,
    return
  }
  func.func @transform_0(%arg0: i32, %arg1: i32) -> (i32, i32, i32) {
    %c0_i32 = arith.constant 0 : i32
    %c0_i32_0 = arith.constant 0 : i32
    return %arg0, %arg1, %c0_i32 : i32, i32, i32
  }
  func.func @transform_1(%arg0: i32, %arg1: i32) -> (i32, i32, i32) {
    %c0_i32 = arith.constant 0 : i32
    %c0_i32_0 = arith.constant 0 : i32
    return %arg0, %arg1, %c0_i32 : i32, i32, i32
  }
  func.func @transform_2(%arg0: i32, %arg1: i32) -> (i32, i32) {
    %c0_i32 = arith.constant 0 : i32
    %c0_i32_0 = arith.constant 0 : i32
    %c0_i32_1 = arith.constant 0 : i32
    return %c0_i32, %c0_i32_0 : i32, i32
  }
  func.func @transform_3(%arg0: i32, %arg1: i32) -> (i32, i32) {
    %c0_i32 = arith.constant 0 : i32
    %c0_i32_0 = arith.constant 0 : i32
    %c0_i32_1 = arith.constant 0 : i32
    return %c0_i32, %c0_i32_0 : i32, i32
  }
  func.func @transform_4(%arg0: i32, %arg1: i32) -> (i32, i32) {
    %c0_i32 = arith.constant 0 : i32
    %c0_i32_0 = arith.constant 0 : i32
    %c0_i32_1 = arith.constant 0 : i32
    return %c0_i32, %c0_i32_0 : i32, i32
  }
  func.func @transform_5(%arg0: i32, %arg1: i32) -> (i32, i32) {
    %c0_i32 = arith.constant 0 : i32
    %c0_i32_0 = arith.constant 0 : i32
    %c0_i32_1 = arith.constant 0 : i32
    return %c0_i32, %c0_i32_0 : i32, i32
  }
  func.func @transform_6(%arg0: i32, %arg1: i32) -> (i32, i32) {
    %c0_i32 = arith.constant 0 : i32
    %c0_i32_0 = arith.constant 0 : i32
    %c0_i32_1 = arith.constant 0 : i32
    return %c0_i32, %c0_i32_0 : i32, i32
  }
  func.func @transform_7(%arg0: i32, %arg1: i32) -> (i32, i32, i32) {
    %c0_i32 = arith.constant 0 : i32
    %c0_i32_0 = arith.constant 0 : i32
    return %arg0, %arg1, %c0_i32 : i32, i32, i32
  }
}

module attributes {stable_mosaic.version = 14 : i64} {
  func.func @_topk_body(%arg0: i32, %arg1: i32, %arg2: memref<1x128x2048xf32, #tpu.memory_space<vmem>>, %arg3: memref<1x128x256xf32, #tpu.memory_space<vmem>>, %arg4: memref<1x256x128xf32, #tpu.memory_space<vmem>>, %arg5: memref<1x256x16xi32, #tpu.memory_space<vmem>>) attributes {dimension_semantics = [#tpu.dimension_semantics<arbitrary>, #tpu.dimension_semantics<arbitrary>], iteration_bounds = array<i64: 8, 8>, scalar_prefetch = 0 : i64, scratch_operands = 0 : i64, tpu.core_type = #tpu.core_type<tc>, window_params = [{transform_indices = @transform_0, window_bounds = array<i64: 1, 128, 2048>}, {transform_indices = @transform_1, window_bounds = array<i64: 1, 128, 256>}, {transform_indices = @transform_2, window_bounds = array<i64: 1, 256, 128>}, {transform_indices = @transform_3, window_bounds = array<i64: 1, 256, 16>}]} {
    %get3A = arith.constant 0 : index
    %get3A_0 = arith.constant 0 : index
    %get3A_1 = arith.constant 0 : index
    %get3A_2 = vector.load %arg2[%get3A, %get3A_0, %get3A_1] : memref<1x128x2048xf32, #tpu.memory_space<vmem>>, vector<1x128x2048xf32>
    %get3A_3 = vector.shape_cast %get3A_2 : vector<1x128x2048xf32> to vector<128x2048xf32>
    %get3A_4 = arith.constant 0 : index
    %get3A_5 = arith.constant 0 : index
    %get3A_6 = arith.constant 0 : index
    %get3A_7 = vector.load %arg3[%get3A_4, %get3A_5, %get3A_6] : memref<1x128x256xf32, #tpu.memory_space<vmem>>, vector<1x128x256xf32>
    %get3A_8 = vector.shape_cast %get3A_7 : vector<1x128x256xf32> to vector<128x256xf32>
    %get3A_9 = arith.constant 0 : index
    %get3A_10 = arith.constant 0 : index
    %get3A_11 = arith.constant 0 : index
    %get3A_12 = vector.load %arg4[%get3A_9, %get3A_10, %get3A_11] : memref<1x256x128xf32, #tpu.memory_space<vmem>>, vector<1x256x128xf32>
    %get3A_13 = vector.shape_cast %get3A_12 : vector<1x256x128xf32> to vector<256x128xf32>
    %mul3A = arith.mulf %get3A_3, %get3A_3 : vector<128x2048xf32>
    %reduce_sum3A = arith.constant dense<0.000000e+00> : vector<2048xf32>
    %reduce_sum3A_14 = vector.multi_reduction <add>, %mul3A, %reduce_sum3A [0] : vector<128x2048xf32> to vector<2048xf32>
    %mul3A_15 = arith.mulf %get3A_13, %get3A_13 : vector<256x128xf32>
    %reduce_sum3A_16 = arith.constant dense<0.000000e+00> : vector<256xf32>
    %reduce_sum3A_17 = vector.multi_reduction <add>, %mul3A_15, %reduce_sum3A_16 [1] : vector<256x128xf32> to vector<256xf32>
    %dot_general3A = arith.constant dense<0.000000e+00> : vector<256x2048xf32>
    %dot_general3A_18 = tpu.matmul %get3A_8, %get3A_3, %dot_general3A {dimension_numbers = #tpu.dot_dimension_numbers<[0], [0], [1], [1], [0, 1, 1, 1], [], []>, transpose_lhs_hint = false} : vector<128x256xf32>, vector<128x2048xf32>, vector<256x2048xf32> -> vector<256x2048xf32>
    %broadcast_in_dim3A = vector.shape_cast %reduce_sum3A_17 : vector<256xf32> to vector<256x1xf32>
    %broadcast_in_dim3A_19 = vector.shape_cast %reduce_sum3A_14 : vector<2048xf32> to vector<1x2048xf32>
    %add3A = vector.broadcast %broadcast_in_dim3A : vector<256x1xf32> to vector<256x2048xf32>
    %add3A_20 = vector.broadcast %broadcast_in_dim3A_19 : vector<1x2048xf32> to vector<256x2048xf32>
    %add3A_21 = arith.addf %add3A, %add3A_20 : vector<256x2048xf32>
    %mul3A_22 = arith.constant 2.000000e+00 : f32
    %mul3A_23 = vector.broadcast %mul3A_22 : f32 to vector<256x2048xf32>
    %mul3A_24 = arith.mulf %mul3A_23, %dot_general3A_18 : vector<256x2048xf32>
    %sub3A = arith.subf %add3A_21, %mul3A_24 : vector<256x2048xf32>
    %iota3A = tpu.iota {dimensions = array<i32: 1>} : vector<256x2048xi32>
    %mul3A_25 = arith.constant 2048 : i32
    %mul3A_26 = arith.muli %arg0, %mul3A_25 : i32
    %iota3A_27 = tpu.iota {dimensions = array<i32: 0>} : vector<256x1xi32>
    %mul3A_28 = arith.constant 256 : i32
    %mul3A_29 = arith.muli %arg1, %mul3A_28 : i32
    %add3A_30 = vector.broadcast %mul3A_29 : i32 to vector<256x1xi32>
    %add3A_31 = arith.addi %iota3A_27, %add3A_30 : vector<256x1xi32>
    %eq3A = vector.broadcast %add3A_31 : vector<256x1xi32> to vector<256x2048xi32>
    %eq3A_32 = arith.cmpi eq, %iota3A, %eq3A : vector<256x2048xi32>
    %jit3A = arith.constant 0x7F800000 : f32
    %broadcast_in_dim3A_33 = vector.broadcast %jit3A : f32 to vector<256x2048xf32>
    %select_n3A = arith.select %eq3A_32, %broadcast_in_dim3A_33, %sub3A : vector<256x2048xi1>, vector<256x2048xf32>
    %squeeze3A = vector.shape_cast %add3A_31 : vector<256x1xi32> to vector<256xi32>
    %add3A_34 = vector.broadcast %mul3A_26 : i32 to vector<256xi32>
    %add3A_35 = arith.addi %squeeze3A, %add3A_34 : vector<256xi32>
    %argmin3A = tpu.reduce_index %select_n3A {axis = 1 : i32, kind = #tpu.reduction_kind<arg_min>} : vector<256x2048xf32> -> vector<256xi32>
    %add3A_36 = vector.broadcast %mul3A_26 : i32 to vector<256xi32>
    %add3A_37 = arith.addi %argmin3A, %add3A_36 : vector<256xi32>
    %broadcast_in_dim3A_38 = vector.shape_cast %argmin3A : vector<256xi32> to vector<256x1xi32>
    %eq3A_39 = vector.broadcast %broadcast_in_dim3A_38 : vector<256x1xi32> to vector<256x2048xi32>
    %eq3A_40 = arith.cmpi eq, %iota3A, %eq3A_39 : vector<256x2048xi32>
    %jit3A_41 = arith.constant 0x7F800000 : f32
    %broadcast_in_dim3A_42 = vector.broadcast %jit3A_41 : f32 to vector<256x2048xf32>
    %select_n3A_43 = arith.select %eq3A_40, %broadcast_in_dim3A_42, %select_n3A : vector<256x2048xi1>, vector<256x2048xf32>
    %argmin3A_44 = tpu.reduce_index %select_n3A_43 {axis = 1 : i32, kind = #tpu.reduction_kind<arg_min>} : vector<256x2048xf32> -> vector<256xi32>
    %add3A_45 = vector.broadcast %mul3A_26 : i32 to vector<256xi32>
    %add3A_46 = arith.addi %argmin3A_44, %add3A_45 : vector<256xi32>
    %broadcast_in_dim3A_47 = vector.shape_cast %argmin3A_44 : vector<256xi32> to vector<256x1xi32>
    %eq3A_48 = vector.broadcast %broadcast_in_dim3A_47 : vector<256x1xi32> to vector<256x2048xi32>
    %eq3A_49 = arith.cmpi eq, %iota3A, %eq3A_48 : vector<256x2048xi32>
    %jit3A_50 = arith.constant 0x7F800000 : f32
    %broadcast_in_dim3A_51 = vector.broadcast %jit3A_50 : f32 to vector<256x2048xf32>
    %select_n3A_52 = arith.select %eq3A_49, %broadcast_in_dim3A_51, %select_n3A_43 : vector<256x2048xi1>, vector<256x2048xf32>
    %argmin3A_53 = tpu.reduce_index %select_n3A_52 {axis = 1 : i32, kind = #tpu.reduction_kind<arg_min>} : vector<256x2048xf32> -> vector<256xi32>
    %add3A_54 = vector.broadcast %mul3A_26 : i32 to vector<256xi32>
    %add3A_55 = arith.addi %argmin3A_53, %add3A_54 : vector<256xi32>
    %broadcast_in_dim3A_56 = vector.shape_cast %argmin3A_53 : vector<256xi32> to vector<256x1xi32>
    %eq3A_57 = vector.broadcast %broadcast_in_dim3A_56 : vector<256x1xi32> to vector<256x2048xi32>
    %eq3A_58 = arith.cmpi eq, %iota3A, %eq3A_57 : vector<256x2048xi32>
    %jit3A_59 = arith.constant 0x7F800000 : f32
    %broadcast_in_dim3A_60 = vector.broadcast %jit3A_59 : f32 to vector<256x2048xf32>
    %select_n3A_61 = arith.select %eq3A_58, %broadcast_in_dim3A_60, %select_n3A_52 : vector<256x2048xi1>, vector<256x2048xf32>
    %argmin3A_62 = tpu.reduce_index %select_n3A_61 {axis = 1 : i32, kind = #tpu.reduction_kind<arg_min>} : vector<256x2048xf32> -> vector<256xi32>
    %add3A_63 = vector.broadcast %mul3A_26 : i32 to vector<256xi32>
    %add3A_64 = arith.addi %argmin3A_62, %add3A_63 : vector<256xi32>
    %broadcast_in_dim3A_65 = vector.shape_cast %argmin3A_62 : vector<256xi32> to vector<256x1xi32>
    %eq3A_66 = vector.broadcast %broadcast_in_dim3A_65 : vector<256x1xi32> to vector<256x2048xi32>
    %eq3A_67 = arith.cmpi eq, %iota3A, %eq3A_66 : vector<256x2048xi32>
    %jit3A_68 = arith.constant 0x7F800000 : f32
    %broadcast_in_dim3A_69 = vector.broadcast %jit3A_68 : f32 to vector<256x2048xf32>
    %select_n3A_70 = arith.select %eq3A_67, %broadcast_in_dim3A_69, %select_n3A_61 : vector<256x2048xi1>, vector<256x2048xf32>
    %argmin3A_71 = tpu.reduce_index %select_n3A_70 {axis = 1 : i32, kind = #tpu.reduction_kind<arg_min>} : vector<256x2048xf32> -> vector<256xi32>
    %add3A_72 = vector.broadcast %mul3A_26 : i32 to vector<256xi32>
    %add3A_73 = arith.addi %argmin3A_71, %add3A_72 : vector<256xi32>
    %broadcast_in_dim3A_74 = vector.shape_cast %argmin3A_71 : vector<256xi32> to vector<256x1xi32>
    %eq3A_75 = vector.broadcast %broadcast_in_dim3A_74 : vector<256x1xi32> to vector<256x2048xi32>
    %eq3A_76 = arith.cmpi eq, %iota3A, %eq3A_75 : vector<256x2048xi32>
    %jit3A_77 = arith.constant 0x7F800000 : f32
    %broadcast_in_dim3A_78 = vector.broadcast %jit3A_77 : f32 to vector<256x2048xf32>
    %select_n3A_79 = arith.select %eq3A_76, %broadcast_in_dim3A_78, %select_n3A_70 : vector<256x2048xi1>, vector<256x2048xf32>
    %argmin3A_80 = tpu.reduce_index %select_n3A_79 {axis = 1 : i32, kind = #tpu.reduction_kind<arg_min>} : vector<256x2048xf32> -> vector<256xi32>
    %add3A_81 = vector.broadcast %mul3A_26 : i32 to vector<256xi32>
    %add3A_82 = arith.addi %argmin3A_80, %add3A_81 : vector<256xi32>
    %broadcast_in_dim3A_83 = vector.shape_cast %argmin3A_80 : vector<256xi32> to vector<256x1xi32>
    %eq3A_84 = vector.broadcast %broadcast_in_dim3A_83 : vector<256x1xi32> to vector<256x2048xi32>
    %eq3A_85 = arith.cmpi eq, %iota3A, %eq3A_84 : vector<256x2048xi32>
    %jit3A_86 = arith.constant 0x7F800000 : f32
    %broadcast_in_dim3A_87 = vector.broadcast %jit3A_86 : f32 to vector<256x2048xf32>
    %select_n3A_88 = arith.select %eq3A_85, %broadcast_in_dim3A_87, %select_n3A_79 : vector<256x2048xi1>, vector<256x2048xf32>
    %argmin3A_89 = tpu.reduce_index %select_n3A_88 {axis = 1 : i32, kind = #tpu.reduction_kind<arg_min>} : vector<256x2048xf32> -> vector<256xi32>
    %add3A_90 = vector.broadcast %mul3A_26 : i32 to vector<256xi32>
    %add3A_91 = arith.addi %argmin3A_89, %add3A_90 : vector<256xi32>
    %broadcast_in_dim3A_92 = vector.shape_cast %argmin3A_89 : vector<256xi32> to vector<256x1xi32>
    %eq3A_93 = vector.broadcast %broadcast_in_dim3A_92 : vector<256x1xi32> to vector<256x2048xi32>
    %eq3A_94 = arith.cmpi eq, %iota3A, %eq3A_93 : vector<256x2048xi32>
    %jit3A_95 = arith.constant 0x7F800000 : f32
    %broadcast_in_dim3A_96 = vector.broadcast %jit3A_95 : f32 to vector<256x2048xf32>
    %select_n3A_97 = arith.select %eq3A_94, %broadcast_in_dim3A_96, %select_n3A_88 : vector<256x2048xi1>, vector<256x2048xf32>
    %argmin3A_98 = tpu.reduce_index %select_n3A_97 {axis = 1 : i32, kind = #tpu.reduction_kind<arg_min>} : vector<256x2048xf32> -> vector<256xi32>
    %add3A_99 = vector.broadcast %mul3A_26 : i32 to vector<256xi32>
    %add3A_100 = arith.addi %argmin3A_98, %add3A_99 : vector<256xi32>
    %broadcast_in_dim3A_101 = vector.shape_cast %argmin3A_98 : vector<256xi32> to vector<256x1xi32>
    %eq3A_102 = vector.broadcast %broadcast_in_dim3A_101 : vector<256x1xi32> to vector<256x2048xi32>
    %eq3A_103 = arith.cmpi eq, %iota3A, %eq3A_102 : vector<256x2048xi32>
    %jit3A_104 = arith.constant 0x7F800000 : f32
    %broadcast_in_dim3A_105 = vector.broadcast %jit3A_104 : f32 to vector<256x2048xf32>
    %select_n3A_106 = arith.select %eq3A_103, %broadcast_in_dim3A_105, %select_n3A_97 : vector<256x2048xi1>, vector<256x2048xf32>
    %argmin3A_107 = tpu.reduce_index %select_n3A_106 {axis = 1 : i32, kind = #tpu.reduction_kind<arg_min>} : vector<256x2048xf32> -> vector<256xi32>
    %add3A_108 = vector.broadcast %mul3A_26 : i32 to vector<256xi32>
    %add3A_109 = arith.addi %argmin3A_107, %add3A_108 : vector<256xi32>
    %broadcast_in_dim3A_110 = vector.shape_cast %argmin3A_107 : vector<256xi32> to vector<256x1xi32>
    %eq3A_111 = vector.broadcast %broadcast_in_dim3A_110 : vector<256x1xi32> to vector<256x2048xi32>
    %eq3A_112 = arith.cmpi eq, %iota3A, %eq3A_111 : vector<256x2048xi32>
    %jit3A_113 = arith.constant 0x7F800000 : f32
    %broadcast_in_dim3A_114 = vector.broadcast %jit3A_113 : f32 to vector<256x2048xf32>
    %select_n3A_115 = arith.select %eq3A_112, %broadcast_in_dim3A_114, %select_n3A_106 : vector<256x2048xi1>, vector<256x2048xf32>
    %argmin3A_116 = tpu.reduce_index %select_n3A_115 {axis = 1 : i32, kind = #tpu.reduction_kind<arg_min>} : vector<256x2048xf32> -> vector<256xi32>
    %add3A_117 = vector.broadcast %mul3A_26 : i32 to vector<256xi32>
    %add3A_118 = arith.addi %argmin3A_116, %add3A_117 : vector<256xi32>
    %broadcast_in_dim3A_119 = vector.shape_cast %argmin3A_116 : vector<256xi32> to vector<256x1xi32>
    %eq3A_120 = vector.broadcast %broadcast_in_dim3A_119 : vector<256x1xi32> to vector<256x2048xi32>
    %eq3A_121 = arith.cmpi eq, %iota3A, %eq3A_120 : vector<256x2048xi32>
    %jit3A_122 = arith.constant 0x7F800000 : f32
    %broadcast_in_dim3A_123 = vector.broadcast %jit3A_122 : f32 to vector<256x2048xf32>
    %select_n3A_124 = arith.select %eq3A_121, %broadcast_in_dim3A_123, %select_n3A_115 : vector<256x2048xi1>, vector<256x2048xf32>
    %argmin3A_125 = tpu.reduce_index %select_n3A_124 {axis = 1 : i32, kind = #tpu.reduction_kind<arg_min>} : vector<256x2048xf32> -> vector<256xi32>
    %add3A_126 = vector.broadcast %mul3A_26 : i32 to vector<256xi32>
    %add3A_127 = arith.addi %argmin3A_125, %add3A_126 : vector<256xi32>
    %broadcast_in_dim3A_128 = vector.shape_cast %argmin3A_125 : vector<256xi32> to vector<256x1xi32>
    %eq3A_129 = vector.broadcast %broadcast_in_dim3A_128 : vector<256x1xi32> to vector<256x2048xi32>
    %eq3A_130 = arith.cmpi eq, %iota3A, %eq3A_129 : vector<256x2048xi32>
    %jit3A_131 = arith.constant 0x7F800000 : f32
    %broadcast_in_dim3A_132 = vector.broadcast %jit3A_131 : f32 to vector<256x2048xf32>
    %select_n3A_133 = arith.select %eq3A_130, %broadcast_in_dim3A_132, %select_n3A_124 : vector<256x2048xi1>, vector<256x2048xf32>
    %argmin3A_134 = tpu.reduce_index %select_n3A_133 {axis = 1 : i32, kind = #tpu.reduction_kind<arg_min>} : vector<256x2048xf32> -> vector<256xi32>
    %add3A_135 = vector.broadcast %mul3A_26 : i32 to vector<256xi32>
    %add3A_136 = arith.addi %argmin3A_134, %add3A_135 : vector<256xi32>
    %broadcast_in_dim3A_137 = vector.shape_cast %argmin3A_134 : vector<256xi32> to vector<256x1xi32>
    %eq3A_138 = vector.broadcast %broadcast_in_dim3A_137 : vector<256x1xi32> to vector<256x2048xi32>
    %eq3A_139 = arith.cmpi eq, %iota3A, %eq3A_138 : vector<256x2048xi32>
    %jit3A_140 = arith.constant 0x7F800000 : f32
    %broadcast_in_dim3A_141 = vector.broadcast %jit3A_140 : f32 to vector<256x2048xf32>
    %select_n3A_142 = arith.select %eq3A_139, %broadcast_in_dim3A_141, %select_n3A_133 : vector<256x2048xi1>, vector<256x2048xf32>
    %argmin3A_143 = tpu.reduce_index %select_n3A_142 {axis = 1 : i32, kind = #tpu.reduction_kind<arg_min>} : vector<256x2048xf32> -> vector<256xi32>
    %add3A_144 = vector.broadcast %mul3A_26 : i32 to vector<256xi32>
    %add3A_145 = arith.addi %argmin3A_143, %add3A_144 : vector<256xi32>
    %broadcast_in_dim3A_146 = vector.shape_cast %argmin3A_143 : vector<256xi32> to vector<256x1xi32>
    %eq3A_147 = vector.broadcast %broadcast_in_dim3A_146 : vector<256x1xi32> to vector<256x2048xi32>
    %eq3A_148 = arith.cmpi eq, %iota3A, %eq3A_147 : vector<256x2048xi32>
    %jit3A_149 = arith.constant 0x7F800000 : f32
    %broadcast_in_dim3A_150 = vector.broadcast %jit3A_149 : f32 to vector<256x2048xf32>
    %select_n3A_151 = arith.select %eq3A_148, %broadcast_in_dim3A_150, %select_n3A_142 : vector<256x2048xi1>, vector<256x2048xf32>
    %argmin3A_152 = tpu.reduce_index %select_n3A_151 {axis = 1 : i32, kind = #tpu.reduction_kind<arg_min>} : vector<256x2048xf32> -> vector<256xi32>
    %add3A_153 = vector.broadcast %mul3A_26 : i32 to vector<256xi32>
    %add3A_154 = arith.addi %argmin3A_152, %add3A_153 : vector<256xi32>
    %broadcast_in_dim3A_155 = vector.shape_cast %argmin3A_152 : vector<256xi32> to vector<256x1xi32>
    %eq3A_156 = vector.broadcast %broadcast_in_dim3A_155 : vector<256x1xi32> to vector<256x2048xi32>
    %eq3A_157 = arith.cmpi eq, %iota3A, %eq3A_156 : vector<256x2048xi32>
    %jit3A_158 = arith.constant 0x7F800000 : f32
    %broadcast_in_dim3A_159 = vector.broadcast %jit3A_158 : f32 to vector<256x2048xf32>
    %select_n3A_160 = arith.select %eq3A_157, %broadcast_in_dim3A_159, %select_n3A_151 : vector<256x2048xi1>, vector<256x2048xf32>
    %argmin3A_161 = tpu.reduce_index %select_n3A_160 {axis = 1 : i32, kind = #tpu.reduction_kind<arg_min>} : vector<256x2048xf32> -> vector<256xi32>
    %add3A_162 = vector.broadcast %mul3A_26 : i32 to vector<256xi32>
    %add3A_163 = arith.addi %argmin3A_161, %add3A_162 : vector<256xi32>
    %stack3A = vector.shape_cast %add3A_35 : vector<256xi32> to vector<256x1xi32>
    %stack3A_164 = vector.shape_cast %add3A_37 : vector<256xi32> to vector<256x1xi32>
    %stack3A_165 = vector.shape_cast %add3A_46 : vector<256xi32> to vector<256x1xi32>
    %stack3A_166 = vector.shape_cast %add3A_55 : vector<256xi32> to vector<256x1xi32>
    %stack3A_167 = vector.shape_cast %add3A_64 : vector<256xi32> to vector<256x1xi32>
    %stack3A_168 = vector.shape_cast %add3A_73 : vector<256xi32> to vector<256x1xi32>
    %stack3A_169 = vector.shape_cast %add3A_82 : vector<256xi32> to vector<256x1xi32>
    %stack3A_170 = vector.shape_cast %add3A_91 : vector<256xi32> to vector<256x1xi32>
    %stack3A_171 = vector.shape_cast %add3A_100 : vector<256xi32> to vector<256x1xi32>
    %stack3A_172 = vector.shape_cast %add3A_109 : vector<256xi32> to vector<256x1xi32>
    %stack3A_173 = vector.shape_cast %add3A_118 : vector<256xi32> to vector<256x1xi32>
    %stack3A_174 = vector.shape_cast %add3A_127 : vector<256xi32> to vector<256x1xi32>
    %stack3A_175 = vector.shape_cast %add3A_136 : vector<256xi32> to vector<256x1xi32>
    %stack3A_176 = vector.shape_cast %add3A_145 : vector<256xi32> to vector<256x1xi32>
    %stack3A_177 = vector.shape_cast %add3A_154 : vector<256xi32> to vector<256x1xi32>
    %stack3A_178 = vector.shape_cast %add3A_163 : vector<256xi32> to vector<256x1xi32>
    %stack3A_179 = tpu.concatenate %stack3A, %stack3A_164, %stack3A_165, %stack3A_166, %stack3A_167, %stack3A_168, %stack3A_169, %stack3A_170, %stack3A_171, %stack3A_172, %stack3A_173, %stack3A_174, %stack3A_175, %stack3A_176, %stack3A_177, %stack3A_178 in 1 : vector<256x1xi32>, vector<256x1xi32>, vector<256x1xi32>, vector<256x1xi32>, vector<256x1xi32>, vector<256x1xi32>, vector<256x1xi32>, vector<256x1xi32>, vector<256x1xi32>, vector<256x1xi32>, vector<256x1xi32>, vector<256x1xi32>, vector<256x1xi32>, vector<256x1xi32>, vector<256x1xi32>, vector<256x1xi32> -> vector<256x16xi32>
    %swap3A = arith.constant 0 : index
    %swap3A_180 = arith.constant 0 : index
    %swap3A_181 = arith.constant 0 : index
    %swap3A_182 = vector.load %arg5[%swap3A, %swap3A_180, %swap3A_181] : memref<1x256x16xi32, #tpu.memory_space<vmem>>, vector<1x256x16xi32>
    %swap3A_183 = vector.shape_cast %swap3A_182 : vector<1x256x16xi32> to vector<256x16xi32>
    %swap3A_184 = vector.shape_cast %stack3A_179 : vector<256x16xi32> to vector<1x256x16xi32>
    tpu.vector_store %arg5[%swap3A, %swap3A_180, %swap3A_181], %swap3A_184 {strides = array<i32>} : memref<1x256x16xi32, #tpu.memory_space<vmem>>, vector<1x256x16xi32>,
    return
  }
  func.func @transform_0(%arg0: i32, %arg1: i32) -> (i32, i32, i32) {
    %c0_i32 = arith.constant 0 : i32
    %c0_i32_0 = arith.constant 0 : i32
    %c0_i32_1 = arith.constant 0 : i32
    return %arg0, %c0_i32, %c0_i32_0 : i32, i32, i32
  }
  func.func @transform_1(%arg0: i32, %arg1: i32) -> (i32, i32, i32) {
    %c0_i32 = arith.constant 0 : i32
    %c0_i32_0 = arith.constant 0 : i32
    return %arg0, %c0_i32, %arg1 : i32, i32, i32
  }
  func.func @transform_2(%arg0: i32, %arg1: i32) -> (i32, i32, i32) {
    %c0_i32 = arith.constant 0 : i32
    %c0_i32_0 = arith.constant 0 : i32
    return %arg0, %arg1, %c0_i32 : i32, i32, i32
  }
  func.func @transform_3(%arg0: i32, %arg1: i32) -> (i32, i32, i32) {
    %c0_i32 = arith.constant 0 : i32
    %c0_i32_0 = arith.constant 0 : i32
    return %arg0, %arg1, %c0_i32 : i32, i32, i32
  }
}

module attributes {stable_mosaic.version = 14 : i64} {
  func.func @_mlp3_body(%arg0: i32, %arg1: i32, %arg2: memref<1x4096x128xf32, #tpu.memory_space<vmem>>, %arg3: memref<1x256x128xf32, #tpu.memory_space<vmem>>, %arg4: memref<128x128xf32, #tpu.memory_space<vmem>>, %arg5: memref<128x128xf32, #tpu.memory_space<vmem>>, %arg6: memref<1x128xf32, #tpu.memory_space<vmem>>, %arg7: memref<1x1x1x128xf32, #tpu.memory_space<vmem>>) attributes {dimension_semantics = [#tpu.dimension_semantics<arbitrary>, #tpu.dimension_semantics<arbitrary>], iteration_bounds = array<i64: 8, 8>, scalar_prefetch = 0 : i64, scratch_operands = 0 : i64, tpu.core_type = #tpu.core_type<tc>, window_params = [{transform_indices = @transform_0, window_bounds = array<i64: 1, 4096, 128>}, {transform_indices = @transform_1, window_bounds = array<i64: 1, 256, 128>}, {pipeline_mode = #tpu.pipeline_mode<synchronous>, transform_indices = @transform_2, window_bounds = array<i64: 128, 128>}, {pipeline_mode = #tpu.pipeline_mode<synchronous>, transform_indices = @transform_3, window_bounds = array<i64: 128, 128>}, {pipeline_mode = #tpu.pipeline_mode<synchronous>, transform_indices = @transform_4, window_bounds = array<i64: 1, 128>}, {transform_indices = @transform_5, window_bounds = array<i64: 1, 1, 1, 128>}]} {
    %get3A = arith.constant 0 : index
    %get3A_0 = arith.constant 0 : index
    %get3A_1 = arith.constant 0 : index
    %get3A_2 = vector.load %arg3[%get3A, %get3A_0, %get3A_1] : memref<1x256x128xf32, #tpu.memory_space<vmem>>, vector<1x256x128xf32>
    %get3A_3 = vector.shape_cast %get3A_2 : vector<1x256x128xf32> to vector<256x128xf32>
    %get3A_4 = arith.constant 0 : index
    %get3A_5 = arith.constant 0 : index
    %get3A_6 = vector.load %arg4[%get3A_4, %get3A_5] : memref<128x128xf32, #tpu.memory_space<vmem>>, vector<128x128xf32>
    %dot_general3A = arith.constant dense<0.000000e+00> : vector<256x128xf32>
    %dot_general3A_7 = tpu.matmul %get3A_3, %get3A_6, %dot_general3A {dimension_numbers = #tpu.dot_dimension_numbers<[1], [0], [0], [1], [0, 0, 1, 1], [], []>, transpose_lhs_hint = false} : vector<256x128xf32>, vector<128x128xf32>, vector<256x128xf32> -> vector<256x128xf32>
    %get3A_8 = arith.constant 0 : index
    %get3A_9 = arith.constant 0 : index
    %get3A_10 = vector.load %arg6[%get3A_8, %get3A_9] : memref<1x128xf32, #tpu.memory_space<vmem>>, vector<1x128xf32>
    %add3A = vector.broadcast %get3A_10 : vector<1x128xf32> to vector<256x128xf32>
    %add3A_11 = arith.addf %dot_general3A_7, %add3A : vector<256x128xf32>
    %get3A_12 = arith.constant 0 : index
    %get3A_13 = arith.constant 0 : index
    %get3A_14 = arith.constant 0 : index
    %get3A_15 = vector.load %arg2[%get3A_12, %get3A_13, %get3A_14] : memref<1x4096x128xf32, #tpu.memory_space<vmem>>, vector<1x4096x128xf32>
    %get3A_16 = vector.shape_cast %get3A_15 : vector<1x4096x128xf32> to vector<4096x128xf32>
    %get3A_17 = arith.constant 0 : index
    %get3A_18 = arith.constant 0 : index
    %get3A_19 = vector.load %arg5[%get3A_17, %get3A_18] : memref<128x128xf32, #tpu.memory_space<vmem>>, vector<128x128xf32>
    %dot_general3A_20 = arith.constant dense<0.000000e+00> : vector<4096x128xf32>
    %dot_general3A_21 = tpu.matmul %get3A_16, %get3A_19, %dot_general3A_20 {dimension_numbers = #tpu.dot_dimension_numbers<[1], [0], [0], [1], [0, 0, 1, 1], [], []>, transpose_lhs_hint = false} : vector<4096x128xf32>, vector<128x128xf32>, vector<4096x128xf32> -> vector<4096x128xf32>
    %reshape3A = vector.shape_cast %dot_general3A_21 : vector<4096x128xf32> to vector<256x16x128xf32>
    %broadcast_in_dim3A = vector.shape_cast %add3A_11 : vector<256x128xf32> to vector<256x1x128xf32>
    %add3A_22 = vector.broadcast %broadcast_in_dim3A : vector<256x1x128xf32> to vector<256x16x128xf32>
    %add3A_23 = arith.addf %reshape3A, %add3A_22 : vector<256x16x128xf32>
    %jit3A = arith.constant 0.00999999977 : f32
    %ge3A = arith.constant 0.000000e+00 : f32
    %ge3A_24 = vector.broadcast %ge3A : f32 to vector<256x16x128xf32>
    %ge3A_25 = arith.cmpf oge, %add3A_23, %ge3A_24 : vector<256x16x128xf32>
    %mul3A = vector.broadcast %jit3A : f32 to vector<256x16x128xf32>
    %mul3A_26 = arith.mulf %mul3A, %add3A_23 : vector<256x16x128xf32>
    %select_n3A = arith.select %ge3A_25, %add3A_23, %mul3A_26 : vector<256x16x128xi1>, vector<256x16x128xf32>
    %reduce_sum3A = arith.constant dense<0.000000e+00> : vector<256x128xf32>
    %reduce_sum3A_27 = vector.multi_reduction <add>, %select_n3A, %reduce_sum3A [1] : vector<256x16x128xf32> to vector<256x128xf32>
    %reduce_max3A = arith.constant dense<0xFF800000> : vector<128xf32>
    %reduce_max3A_28 = vector.multi_reduction <maximumf>, %reduce_sum3A_27, %reduce_max3A [0] : vector<256x128xf32> to vector<128xf32>
    %broadcast_in_dim3A_29 = vector.shape_cast %reduce_max3A_28 : vector<128xf32> to vector<1x128xf32>
    %swap3A = arith.constant 0 : index
    %swap3A_30 = arith.constant 0 : index
    %swap3A_31 = arith.constant 0 : index
    %swap3A_32 = arith.constant 0 : index
    %swap3A_33 = vector.load %arg7[%swap3A, %swap3A_30, %swap3A_31, %swap3A_32] : memref<1x1x1x128xf32, #tpu.memory_space<vmem>>, vector<1x1x1x128xf32>
    %swap3A_34 = vector.shape_cast %swap3A_33 : vector<1x1x1x128xf32> to vector<1x128xf32>
    %swap3A_35 = vector.shape_cast %broadcast_in_dim3A_29 : vector<1x128xf32> to vector<1x1x1x128xf32>
    tpu.vector_store %arg7[%swap3A, %swap3A_30, %swap3A_31, %swap3A_32], %swap3A_35 {strides = array<i32>} : memref<1x1x1x128xf32, #tpu.memory_space<vmem>>, vector<1x1x1x128xf32>,
    return
  }
  func.func @transform_0(%arg0: i32, %arg1: i32) -> (i32, i32, i32) {
    %c0_i32 = arith.constant 0 : i32
    %c0_i32_0 = arith.constant 0 : i32
    return %arg0, %arg1, %c0_i32 : i32, i32, i32
  }
  func.func @transform_1(%arg0: i32, %arg1: i32) -> (i32, i32, i32) {
    %c0_i32 = arith.constant 0 : i32
    %c0_i32_0 = arith.constant 0 : i32
    return %arg0, %arg1, %c0_i32 : i32, i32, i32
  }
  func.func @transform_2(%arg0: i32, %arg1: i32) -> (i32, i32) {
    %c0_i32 = arith.constant 0 : i32
    %c0_i32_0 = arith.constant 0 : i32
    %c0_i32_1 = arith.constant 0 : i32
    return %c0_i32, %c0_i32_0 : i32, i32
  }
  func.func @transform_3(%arg0: i32, %arg1: i32) -> (i32, i32) {
    %c0_i32 = arith.constant 0 : i32
    %c0_i32_0 = arith.constant 0 : i32
    %c0_i32_1 = arith.constant 0 : i32
    return %c0_i32, %c0_i32_0 : i32, i32
  }
  func.func @transform_4(%arg0: i32, %arg1: i32) -> (i32, i32) {
    %c0_i32 = arith.constant 0 : i32
    %c0_i32_0 = arith.constant 0 : i32
    %c0_i32_1 = arith.constant 0 : i32
    return %c0_i32, %c0_i32_0 : i32, i32
  }
  func.func @transform_5(%arg0: i32, %arg1: i32) -> (i32, i32, i32, i32) {
    %c0_i32 = arith.constant 0 : i32
    %c0_i32_0 = arith.constant 0 : i32
    %c0_i32_1 = arith.constant 0 : i32
    return %arg0, %arg1, %c0_i32, %c0_i32_0 : i32, i32, i32, i32
  }
}

module attributes {stable_mosaic.version = 14 : i64} {
  func.func @_head_body(%arg0: memref<8x8x1x128xf32, #tpu.memory_space<vmem>>, %arg1: memref<128x128xf32, #tpu.memory_space<vmem>>, %arg2: memref<1x128xf32, #tpu.memory_space<vmem>>, %arg3: memref<128x128xf32, #tpu.memory_space<vmem>>, %arg4: memref<1x128xf32, #tpu.memory_space<vmem>>, %arg5: memref<128x6144xf32, #tpu.memory_space<vmem>>, %arg6: memref<1x6144xf32, #tpu.memory_space<vmem>>, %arg7: memref<8x6144xf32, #tpu.memory_space<vmem>>) attributes {dimension_semantics = [], scalar_prefetch = 0 : i64, scratch_operands = 0 : i64, tpu.core_type = #tpu.core_type<tc>} {
    %get3A = arith.constant 0 : index
    %get3A_0 = arith.constant 0 : index
    %get3A_1 = arith.constant 0 : index
    %get3A_2 = arith.constant 0 : index
    %get3A_3 = vector.load %arg0[%get3A, %get3A_0, %get3A_1, %get3A_2] : memref<8x8x1x128xf32, #tpu.memory_space<vmem>>, vector<8x1x1x128xf32>
    %get3A_4 = vector.shape_cast %get3A_3 : vector<8x1x1x128xf32> to vector<8x128xf32>
    %get3A_5 = arith.constant 0 : index
    %get3A_6 = arith.constant 1 : index
    %get3A_7 = arith.constant 0 : index
    %get3A_8 = arith.constant 0 : index
    %get3A_9 = vector.load %arg0[%get3A_5, %get3A_6, %get3A_7, %get3A_8] : memref<8x8x1x128xf32, #tpu.memory_space<vmem>>, vector<8x1x1x128xf32>
    %get3A_10 = vector.shape_cast %get3A_9 : vector<8x1x1x128xf32> to vector<8x128xf32>
    %max3A = arith.maximumf %get3A_4, %get3A_10 : vector<8x128xf32>
    %get3A_11 = arith.constant 0 : index
    %get3A_12 = arith.constant 2 : index
    %get3A_13 = arith.constant 0 : index
    %get3A_14 = arith.constant 0 : index
    %get3A_15 = vector.load %arg0[%get3A_11, %get3A_12, %get3A_13, %get3A_14] : memref<8x8x1x128xf32, #tpu.memory_space<vmem>>, vector<8x1x1x128xf32>
    %get3A_16 = vector.shape_cast %get3A_15 : vector<8x1x1x128xf32> to vector<8x128xf32>
    %max3A_17 = arith.maximumf %max3A, %get3A_16 : vector<8x128xf32>
    %get3A_18 = arith.constant 0 : index
    %get3A_19 = arith.constant 3 : index
    %get3A_20 = arith.constant 0 : index
    %get3A_21 = arith.constant 0 : index
    %get3A_22 = vector.load %arg0[%get3A_18, %get3A_19, %get3A_20, %get3A_21] : memref<8x8x1x128xf32, #tpu.memory_space<vmem>>, vector<8x1x1x128xf32>
    %get3A_23 = vector.shape_cast %get3A_22 : vector<8x1x1x128xf32> to vector<8x128xf32>
    %max3A_24 = arith.maximumf %max3A_17, %get3A_23 : vector<8x128xf32>
    %get3A_25 = arith.constant 0 : index
    %get3A_26 = arith.constant 4 : index
    %get3A_27 = arith.constant 0 : index
    %get3A_28 = arith.constant 0 : index
    %get3A_29 = vector.load %arg0[%get3A_25, %get3A_26, %get3A_27, %get3A_28] : memref<8x8x1x128xf32, #tpu.memory_space<vmem>>, vector<8x1x1x128xf32>
    %get3A_30 = vector.shape_cast %get3A_29 : vector<8x1x1x128xf32> to vector<8x128xf32>
    %max3A_31 = arith.maximumf %max3A_24, %get3A_30 : vector<8x128xf32>
    %get3A_32 = arith.constant 0 : index
    %get3A_33 = arith.constant 5 : index
    %get3A_34 = arith.constant 0 : index
    %get3A_35 = arith.constant 0 : index
    %get3A_36 = vector.load %arg0[%get3A_32, %get3A_33, %get3A_34, %get3A_35] : memref<8x8x1x128xf32, #tpu.memory_space<vmem>>, vector<8x1x1x128xf32>
    %get3A_37 = vector.shape_cast %get3A_36 : vector<8x1x1x128xf32> to vector<8x128xf32>
    %max3A_38 = arith.maximumf %max3A_31, %get3A_37 : vector<8x128xf32>
    %get3A_39 = arith.constant 0 : index
    %get3A_40 = arith.constant 6 : index
    %get3A_41 = arith.constant 0 : index
    %get3A_42 = arith.constant 0 : index
    %get3A_43 = vector.load %arg0[%get3A_39, %get3A_40, %get3A_41, %get3A_42] : memref<8x8x1x128xf32, #tpu.memory_space<vmem>>, vector<8x1x1x128xf32>
    %get3A_44 = vector.shape_cast %get3A_43 : vector<8x1x1x128xf32> to vector<8x128xf32>
    %max3A_45 = arith.maximumf %max3A_38, %get3A_44 : vector<8x128xf32>
    %get3A_46 = arith.constant 0 : index
    %get3A_47 = arith.constant 7 : index
    %get3A_48 = arith.constant 0 : index
    %get3A_49 = arith.constant 0 : index
    %get3A_50 = vector.load %arg0[%get3A_46, %get3A_47, %get3A_48, %get3A_49] : memref<8x8x1x128xf32, #tpu.memory_space<vmem>>, vector<8x1x1x128xf32>
    %get3A_51 = vector.shape_cast %get3A_50 : vector<8x1x1x128xf32> to vector<8x128xf32>
    %max3A_52 = arith.maximumf %max3A_45, %get3A_51 : vector<8x128xf32>
    %get3A_53 = arith.constant 0 : index
    %get3A_54 = arith.constant 0 : index
    %get3A_55 = vector.load %arg1[%get3A_53, %get3A_54] : memref<128x128xf32, #tpu.memory_space<vmem>>, vector<128x128xf32>
    %dot_general3A = arith.constant dense<0.000000e+00> : vector<8x128xf32>
    %dot_general3A_56 = tpu.matmul %max3A_52, %get3A_55, %dot_general3A {dimension_numbers = #tpu.dot_dimension_numbers<[1], [0], [0], [1], [0, 0, 1, 1], [], []>, transpose_lhs_hint = false} : vector<8x128xf32>, vector<128x128xf32>, vector<8x128xf32> -> vector<8x128xf32>
    %get3A_57 = arith.constant 0 : index
    %get3A_58 = arith.constant 0 : index
    %get3A_59 = vector.load %arg2[%get3A_57, %get3A_58] : memref<1x128xf32, #tpu.memory_space<vmem>>, vector<1x128xf32>
    %add3A = vector.broadcast %get3A_59 : vector<1x128xf32> to vector<8x128xf32>
    %add3A_60 = arith.addf %dot_general3A_56, %add3A : vector<8x128xf32>
    %jit3A = arith.constant 0.00999999977 : f32
    %ge3A = arith.constant 0.000000e+00 : f32
    %ge3A_61 = vector.broadcast %ge3A : f32 to vector<8x128xf32>
    %ge3A_62 = arith.cmpf oge, %add3A_60, %ge3A_61 : vector<8x128xf32>
    %mul3A = vector.broadcast %jit3A : f32 to vector<8x128xf32>
    %mul3A_63 = arith.mulf %mul3A, %add3A_60 : vector<8x128xf32>
    %select_n3A = arith.select %ge3A_62, %add3A_60, %mul3A_63 : vector<8x128xi1>, vector<8x128xf32>
    %get3A_64 = arith.constant 0 : index
    %get3A_65 = arith.constant 0 : index
    %get3A_66 = vector.load %arg3[%get3A_64, %get3A_65] : memref<128x128xf32, #tpu.memory_space<vmem>>, vector<128x128xf32>
    %dot_general3A_67 = arith.constant dense<0.000000e+00> : vector<8x128xf32>
    %dot_general3A_68 = tpu.matmul %select_n3A, %get3A_66, %dot_general3A_67 {dimension_numbers = #tpu.dot_dimension_numbers<[1], [0], [0], [1], [0, 0, 1, 1], [], []>, transpose_lhs_hint = false} : vector<8x128xf32>, vector<128x128xf32>, vector<8x128xf32> -> vector<8x128xf32>
    %get3A_69 = arith.constant 0 : index
    %get3A_70 = arith.constant 0 : index
    %get3A_71 = vector.load %arg4[%get3A_69, %get3A_70] : memref<1x128xf32, #tpu.memory_space<vmem>>, vector<1x128xf32>
    %add3A_72 = vector.broadcast %get3A_71 : vector<1x128xf32> to vector<8x128xf32>
    %add3A_73 = arith.addf %dot_general3A_68, %add3A_72 : vector<8x128xf32>
    %jit3A_74 = arith.constant 0.00999999977 : f32
    %ge3A_75 = arith.constant 0.000000e+00 : f32
    %ge3A_76 = vector.broadcast %ge3A_75 : f32 to vector<8x128xf32>
    %ge3A_77 = arith.cmpf oge, %add3A_73, %ge3A_76 : vector<8x128xf32>
    %mul3A_78 = vector.broadcast %jit3A_74 : f32 to vector<8x128xf32>
    %mul3A_79 = arith.mulf %mul3A_78, %add3A_73 : vector<8x128xf32>
    %select_n3A_80 = arith.select %ge3A_77, %add3A_73, %mul3A_79 : vector<8x128xi1>, vector<8x128xf32>
    %get3A_81 = arith.constant 0 : index
    %get3A_82 = arith.constant 0 : index
    %get3A_83 = vector.load %arg5[%get3A_81, %get3A_82] : memref<128x6144xf32, #tpu.memory_space<vmem>>, vector<128x6144xf32>
    %dot_general3A_84 = arith.constant dense<0.000000e+00> : vector<8x6144xf32>
    %dot_general3A_85 = tpu.matmul %select_n3A_80, %get3A_83, %dot_general3A_84 {dimension_numbers = #tpu.dot_dimension_numbers<[1], [0], [0], [1], [0, 0, 1, 1], [], []>, transpose_lhs_hint = false} : vector<8x128xf32>, vector<128x6144xf32>, vector<8x6144xf32> -> vector<8x6144xf32>
    %get3A_86 = arith.constant 0 : index
    %get3A_87 = arith.constant 0 : index
    %get3A_88 = vector.load %arg6[%get3A_86, %get3A_87] : memref<1x6144xf32, #tpu.memory_space<vmem>>, vector<1x6144xf32>
    %add3A_89 = vector.broadcast %get3A_88 : vector<1x6144xf32> to vector<8x6144xf32>
    %add3A_90 = arith.addf %dot_general3A_85, %add3A_89 : vector<8x6144xf32>
    %swap3A = arith.constant 0 : index
    %swap3A_91 = arith.constant 0 : index
    %swap3A_92 = vector.load %arg7[%swap3A, %swap3A_91] : memref<8x6144xf32, #tpu.memory_space<vmem>>, vector<8x6144xf32>
    tpu.vector_store %arg7[%swap3A, %swap3A_91], %add3A_90 {strides = array<i32>} : memref<8x6144xf32, #tpu.memory_space<vmem>>, vector<8x6144xf32>,
    return
  }
}

</mosaic_0001>

<sc_bundles>
// kernel: kernel.12.cloned.1.call-start
scs
__scs_entry_jumppad:
0x0: {  	(pc) =	sbr.rel $0x88, $3  }
0x1: {  	(tag) =	ssettag $0x0;
	lr =	simm.s32 $0x1  }
0x2: {  	[smem:$0x3F8E] =	sst lr;
	_ =	strace $0xD0000000  }
0x3: {  	_ = 	snop  }
0x4: {  	_ = 	snop  }
0x5: {  	_ = 	snop  }
0x6: {  	_ = 	snop  }
0x7: {  	_ = 	snop  }
__scs_overlays_trampoline_lowered:
0x8: {  	[smem:$0x3F9D] =	sst s0  }
0x9: {  	[smem:$0x3F9E] =	sst s1  }
0xa: {  	[smem:$0x3F9F] =	sst s2  }
0xb: {  	[smem:$0x3FA0] =	sst s3  }
0xc: {  	[smem:$0x3FA1] =	sst s4  }
0xd: {  	[smem:$0x3FA2] =	sst s5  }
0xe: {  	[smem:$0x3FA3] =	sst s6  }
0xf: {  	[smem:$0x3FA4] =	sst s7  }
0x10: {  	[smem:$0x3FA5] =	sst s8  }
0x11: {  	[smem:$0x3FA6] =	sst s9;
	s0 =	simm.s32 @!p0 $0x0  }
0x12: {  	s1 =	sld [smem:$0x3F8C];
	s0 =	simm.s32 @p0 $0x1  }
0x13: {  	[smem:$0x3FA7] =	sst s0;
	s0 =	simm.s32 @!p1 $0x0  }
0x14: {  	s2 =	sld [smem:$0x3F8B];
	s0 =	simm.s32 @p1 $0x1  }
0x15: {  	[smem:$0x3FA8] =	sst s0;
	s0 =	simm.s32 @!p2 $0x0  }
0x16: {  	s3 =	sld [smem:$0x3FDB];
	s0 =	simm.s32 @p2 $0x1  }
0x17: {  	s4 =	simm.s32 $0x1BF5;
	[smem:$0x3FAA] =	sst s0  }
0x18: {  	s0 =	sld [smem:$0x3F8D];
	_ =	swait.ge [sflag:s4], $0x0  }
0x19: {  	s7 =	sld [smem:$0x3F8E]  }
0x1a: {  	s8 =	sadd.s32 $0xFFFFE003, lr  }
0x1b: {  	s9 =	sadd.s32 $0xFFFFFEF7, lr;
	s5 =	simm.s32 $0xFFFFFFFF;
	p2 =	slt.u32 s8, $0xFFFFF086  }
0x1c: {  	p1 =	slt.u32 s9, $0xF7A;
	s5 =	simm.s32 @!p2 $0x0  }
0x1d: {  	s5 =	simm.s32 @p1 $0x1;
	p0 =	seq.s32 s7, s2  }
0x1e: {  	s7 =	smul.u32 @!p0 $0xF7A, s2;
	p2 =	seq.s32 @!p0 s5, $0x0  }
0x1f: {  	s9 =	smul.u32 $0xF7A, s1;
	s8 =	simm.s32 @!p0 $0x1BF5;
	p2 =	por !p2, p0  }
0x20: {  	[sflag:s8] =	ssyncset.s32 @!p0 $0xFFFFF086;
	s6 =	sadd.s32 @!p0 s3, s7;
	s7 =	simm.s32 @!p0 $0x108  }
0x21: {  	s3 =	sadd.s32 s3, s9;
	s6 =	sadd.s32 @!p0 $0x88, s6;
	s7 =	simm.s32 @p2 $0x1082  }
0x22: {  	[simem:s7], [sflag:s8] =	dma.local @!p0 [hbm:s6], $0xF7A  }
0x23: {  	s9 =	sor.u32 $0xD0000000, s2;
	s6 =	simm.s32 $0x108;
	_ =	swait.ge @!p0 [sflag:s8], $0x0  }
0x24: {  	s3 =	sadd.s32 $0x88, s3;
	s6 =	simm.s32 @!p1 $0x1082;
	[sflag:s4] =	ssyncset.s32 $0xFFFFF086  }
0x25: {  	[simem:s6], [sflag:s4] =	dma.local [hbm:s3], $0xF7A  }
0x26: {  	[smem:$0x3F8E] =	sst s1;
	(tag) =	ssettag s2;
	_ =	strace s9  }
0x27: {  	s1 =	sld [smem:$0x3F9E]  }
0x28: {  	s2 =	sld [smem:$0x3F9F]  }
0x29: {  	s4 =	sld [smem:$0x3FA1]  }
0x2a: {  	p0 =	seq.s32 s5, $0x0;
	s5 =	sld [smem:$0x3FA2]  }
0x2b: {  	s6 =	sld [smem:$0x3FA3]  }
0x2c: {  	s7 =	sld [smem:$0x3FA4]  }
0x2d: {  	s3 =	simm.s32 $0x108;
	s8 =	sld [smem:$0x3FA5]  }
0x2e: {  	s3 =	simm.s32 @!p0 $0x1082;
	s9 =	sld [smem:$0x3FA6]  }
0x2f: {  	lr =	sadd.s32 s0, s3;
	s0 =	sld [smem:$0x3F9D]  }
0x30: {  	s3 =	sld [smem:$0x3FA0]  }
0x31: {  	[smem:$0x3FA9] =	sst s10  }
0x32: {  	s10 =	sld [smem:$0x3FA7];
	_ =	sdelay $0x3  }
0x33: {  	p0 =	seq.s32 s10, $0x1;
	s10 =	sld [smem:$0x3FA9];
	_ =	sdelay $0x3  }
0x34: {  	[smem:$0x3FA9] =	sst s10  }
0x35: {  	s10 =	sld [smem:$0x3FA8];
	_ =	sdelay $0x3  }
0x36: {  	p1 =	seq.s32 s10, $0x1;
	s10 =	sld [smem:$0x3FA9];
	_ =	sdelay $0x3  }
0x37: {  	[smem:$0x3FA9] =	sst s10  }
0x38: {  	s10 =	sld [smem:$0x3FAA]  }
0x39: {  	_ = 	snop;
	(pc) =	sbr.ind lr, $3  }
0x3a: {  	_ = 	snop  }
0x3b: {  	_ = 	snop  }
0x3c: {  	p2 =	seq.s32 s10, $0x1;
	s10 =	sld [smem:$0x3FA9]  }
0x3d: {  	_ =	shalt  }
0x3e: {  	_ =	shalt  }
0x3f: {  	_ =	shalt  }
0x40: {  	_ =	shalt  }
0x41: {  	_ =	shalt  }
0x42: {  	_ =	shalt  }
0x43: {  	_ =	shalt  }
0x44: {  	_ =	shalt  }
0x45: {  	_ =	shalt  }
0x46: {  	_ =	shalt  }
0x47: {  	_ =	shalt  }
0x48: {  	_ =	shalt  }
0x49: {  	_ =	shalt  }
0x4a: {  	_ =	shalt  }
0x4b: {  	_ =	shalt  }
0x4c: {  	_ =	shalt  }
0x4d: {  	_ =	shalt  }
0x4e: {  	_ =	shalt  }
0x4f: {  	_ =	shalt  }
0x50: {  	_ =	shalt  }
0x51: {  	_ =	shalt  }
0x52: {  	_ =	shalt  }
0x53: {  	_ =	shalt  }
0x54: {  	_ =	shalt  }
0x55: {  	_ =	shalt  }
0x56: {  	_ =	shalt  }
0x57: {  	_ =	shalt  }
0x58: {  	_ =	shalt  }
0x59: {  	_ =	shalt  }
0x5a: {  	_ =	shalt  }
0x5b: {  	_ =	shalt  }
0x5c: {  	_ =	shalt  }
0x5d: {  	_ =	shalt  }
0x5e: {  	_ =	shalt  }
0x5f: {  	_ =	shalt  }
0x60: {  	_ =	shalt  }
0x61: {  	_ =	shalt  }
0x62: {  	_ =	shalt  }
0x63: {  	_ =	shalt  }
0x64: {  	_ =	shalt  }
0x65: {  	_ =	shalt  }
0x66: {  	_ =	shalt  }
0x67: {  	_ =	shalt  }
0x68: {  	_ =	shalt  }
0x69: {  	_ =	shalt  }
0x6a: {  	_ =	shalt  }
0x6b: {  	_ =	shalt  }
0x6c: {  	_ =	shalt  }
0x6d: {  	_ =	shalt  }
0x6e: {  	_ =	shalt  }
0x6f: {  	_ =	shalt  }
0x70: {  	_ =	shalt  }
0x71: {  	_ =	shalt  }
0x72: {  	_ =	shalt  }
0x73: {  	_ =	shalt  }
0x74: {  	_ =	shalt  }
0x75: {  	_ =	shalt  }
0x76: {  	_ =	shalt  }
0x77: {  	_ =	shalt  }
0x78: {  	_ =	shalt  }
0x79: {  	_ =	shalt  }
0x7a: {  	_ =	shalt  }
0x7b: {  	_ =	shalt  }
0x7c: {  	_ =	shalt  }
0x7d: {  	_ =	shalt  }
0x7e: {  	_ =	shalt  }
0x7f: {  	_ =	shalt  }
0x80: {  	_ =	shalt  }
0x81: {  	_ =	shalt  }
0x82: {  	_ =	shalt  }
0x83: {  	_ =	shalt  }
0x84: {  	_ =	shalt  }
0x85: {  	_ =	shalt  }
0x86: {  	_ =	shalt  }
0x87: {  	_ =	shalt  }
.Lfunc_end0:
.L_simem_size_0:
called_computation_lowered:
.L_overlay_start_0:
0x88: {  	s2 =	sld [smem:$0x3FD9]  }
0x89: {  	s3 =	sld [smem:$0x3FFE];
	_ =	sdelay $0x1  }
0x8a: {  	s1 =	srdreg.scid  }
0x8b: {  	s0 =	sand.u32 $0x1, s1  }
0x8c: {  	s16 =	sshll.u32 s0, $0xA;
	s2 =	sadd.s32 s3, s2  }
0x8d: {  	s2 =	sadd.s32 s2, s16  }
0x8e: {  	[smem:$0x3FB5] =	sst s2  }
0x8f: {  	_ = 	snop  }
0x90: {  	(tm) =	ssettm $0x1  }
0x91: {  	s17 =	sld [smem:$0x3FFB];
	_ =	sdelay $0x3  }
0x92: {  	_ =	strace s17  }
0x93: {  	s2 =	sld [smem:$0x3FFC];
	_ =	sdelay $0x3  }
0x94: {  	_ =	strace s2  }
0x95: {  	s2 =	sld [smem:$0x3FFD];
	_ =	sdelay $0x3  }
0x96: {  	_ =	strace s2  }
0x97: {  	_ =	strace $0x8FFFFFFF  }
0x98: {  	s18 =	sld [smem:$0x3FDB];
	_ =	sdelay $0x1  }
0x99: {  	s19 =	simm.s32 $_scs_section_size  }
0x9a: {  	s4 =	simm.s32 $_size__tile_overlayer_lowered;
	s5 =	simm.s32 $_tile_overlayer_lowered  }
0x9b: {  	s22 =	simm.s32 $0x1BFF;
	s21 =	sshll.u32 s5, $0x1;
	s2 =	sadd.s32 s19, s18  }
0x9c: {  	s6 =	simm.s32 $0x0;
	s20 =	sshll.u32 s4, $0x1;
	s4 =	sadd.s32 s21, s2  }
0x9d: {  	[timem:s6], [sflag:s22] =	dma.local [hbm:s4], s20  }
0x9e: {  	_ =	swait.ge [sflag:s22], s20  }
0x9f: {  	s3 =	ssub.s32 $0x0, s20;
	[sflag:s22] =	ssyncset.done $0x0  }
0xa0: {  	[sflag:s22] =	ssyncadd.s32 s3;
	_ =	sdelay $0x1  }
0xa1: {  	s23 =	simm.s32 $0x1B8B  }
0xa2: {  	_ =	swait.ge [sflag:s23], $0x1  }
0xa3: {  	[sflag:s23] =	ssyncset.done $0x0  }
0xa4: {  	s25 =	simm.s32 $0x1B8E;
	s24 =	sld [smem:$0x3FFE];
	[sflag:s23] =	ssyncadd.s32 $0xFFFFFFFF  }
0xa5: {  	s26 =	simm.s32 $execute0_lowered;
	[smem:$0x3FD2] =	sst s25  }
0xa6: {  	s4 =	sshll.u32 s26, $0x1;
	_ =	strace $0x80000046;
	[dreg:$0x1] =	wrdreg $0xFFFFFFFF  }
0xa7: {  	s28 =	simm.s32 $_size_execute0_lowered;
	s2 =	sadd.s32 s2, s4;
	[dreg:$0x0] =	wrdreg $0x0  }
0xa8: {  	s4 =	sshll.u32 s28, $0x1;
	[dreg:$0x2] =	wrdreg s2  }
0xa9: {  	[dreg:$0x3] =	wrdreg s4  }
0xaa: {  	[dreg:$0x4] =	wrdreg $0xC0  }
0xab: {  	_ =	task [dreg:s6], $0x5FFFF  }
0xac: {  	[dreg:$0x1] =	wrdreg $0xFFFFFFFF  }
0xad: {  	[dreg:$0x0] =	wrdreg $0x60  }
0xae: {  	[dreg:$0x2] =	wrdreg s24  }
0xaf: {  	[dreg:$0x3] =	wrdreg $0x9  }
0xb0: {  	_ =	task.clear_ibuf [dreg:s6], $0x4FFFF;
	_ =	strace $0x90000046  }
0xb1: {  	s29 =	simm.s32 $0x9;
	_ =	strace $0x80000048  }
0xb2: {  	_ =	swait.ge [sflag:s29], $0x1  }
0xb3: {  	[sflag:s29] =	ssyncadd.s32 $0xFFFFFFFF  }
0xb4: {  	_ =	strace $0x90000048  }
0xb5: {  	_ =	sfence  }
0xb6: {  	s30 =	sld [smem:$0x0];
	_ =	sdelay $0x2  }
0xb7: {  	s31 =	sshll.u32 s1, $0xD;
	s1 =	sshrl.u32 s1, $0x2  }
0xb8: {  	s3 =	sand.u32 $0x4000, s31;
	s1 =	sadd.s32 s1, s30  }
0xb9: {  	s0 =	sor.u32 s3, s0;
	s1 =	sshll.u32 s1, $0x11  }
0xba: {  	s0 =	sor.u32 s1, s0  }
0xbb: {  	s0 =	sadd.s32 $0x8F2B, s0  }
0xbc: {  	[sflag:s0] =	ssyncadd.remote.s32 $0x1  }
0xbd: {  	_ =	sfence.sel $0xFFFF  }
0xbe: {  	[dreg:$0x0] =	wrdreg $0xFFFFFFFF;
	(pc) =	sbr.abs _section_cstart, $3  }
0xbf: {  	[dreg:$0x1] =	wrdreg $0xFFFFFFFF  }
0xc0: {  	_ =	task.clear_ibuf [dreg:s6], $0x2FFFF;
	_ =	strace $0x9FFFFFFF  }
0xc1: {  	(tm) =	ssettm $0x7FFFFFFF  }
tec
execute0_lowered:
.L_overlay_start_1:
0x0: {  	(tag) =	ssettag $0x1  }
0x1: {  	s4 =	rddreg [dreg:$0x0]  }
0x2: {  	s0 =	rddreg [dreg:$0x1];
	s3 =	srdreg.scid  }
0x3: {  	s2 =	simm.s32 $0x0;
	s1 =	stileid.u32;
	s12 =	simm.s32 $0x2000  }
0x4: {  	s13 =	simm.s32 $0x2800;
	s14 =	simm.s32 $0x3000;
	s15 =	simm.s32 $0x3800  }
0x5: {  	s16 =	simm.s32 $0x1;
	s17 =	simm.s32 $0x2;
	s18 =	simm.s32 $0x3  }
0x6: {  	s19 =	simm.s32 $0x4;
	s20 =	simm.s32 $0x5;
	s21 =	simm.s32 $0x6  }
0x7: {  	s22 =	simm.s32 $0x7;
	s23 =	simm.s32 $0x8;
	s24 =	simm.s32 $0x0  }
0x8: {  	s5 =	sand.u32 $0x1, s3;
	[smem:$0x7FF] =	sst s2;
	s6 =	sshll.u32 s1, $0xB  }
0x9: {  	s3 =	sadd.s32 $0x4D000, s4;
	s8 =	sshll.u32 s1, $0x12;
	s10 =	sadd.s32 $0x55000, s4  }
0xa: {  	s7 =	sshll.u32 s5, $0xA;
	_ =	strace $0x80000047;
	s26 =	ssub.s32 $0x2, s5  }
0xb: {  	s5 =	sshll.u32 s5, $0x11;
	s6 =	sor.u32 s7, s6;
	s9 =	sshrl.u32 s26, $0x1  }
0xc: {  	s8 =	sor.u32 s5, s8;
	s6 =	sadd.s32 s6, s4;
	s28 =	ssub.s32 s26, s9  }
0xd: {  	s29 =	sshrl.u32 s8, $0x3;
	s30 =	sor.u32 $0x1800, s8;
	s31 =	sor.u32 $0x1000, s8  }
0xe: {  	s8 =	sor.u32 $0x800, s8;
	s4 =	sadd.s32 $0x45000, s6;
	s5 =	smax.u32 s28, $0x1  }
0xf: {  	s6 =	sadd.s32 s29, s10;
	s7 =	sshrl.u32 s30, $0x3;
	s9 =	sshrl.u32 s31, $0x3  }
0x10: {  	s11 =	sshrl.u32 s8, $0x3;
	s7 =	sadd.s32 s7, s10;
	s8 =	sadd.s32 s9, s10  }
0x11: {  	s9 =	sadd.s32 s11, s10;
	s10 =	simm.s32 $0x9;
	s11 =	simm.s32 $0x80  }
.LBB2_1:
0x12: {  	[tilespmem:s2], [sflag:$0x9] =	stream.linear.gather [hbm4b:s4+s2], $0x2000, $0x38;
	[tilespmem:$0x4000] =	vst v63  }
0x13: {  	_ =	swait.ge [sflag:s10], $0x2000  }
0x14: {  	[sflag:s10] =	ssyncset.done $0x0  }
0x15: {  	[sflag:s10] =	ssyncadd.s32 $0xFFFFE000  }
0x16: {  	[tilespmem:s12], [sflag:$0x1] =	stream.indirect.gather [hbm4b:s3+s11], $0x10, s2, s11, $0xb8;
	[tilespmem:$0x4000] =	vst v63  }
0x17: {  	s25 =	simm.s32 $0x80  }
0x18: {  	[tilespmem:s13], [sflag:$0x2] =	stream.indirect.gather [hbm4b:s3+s11], $0x10, s25, s11, $0xb8;
	[tilespmem:$0x4000] =	vst v63  }
0x19: {  	s31 =	simm.s32 $0x100  }
0x1a: {  	[tilespmem:s14], [sflag:$0x3] =	stream.indirect.gather [hbm4b:s3+s11], $0x10, s31, s11, $0xb8;
	[tilespmem:$0x4000] =	vst v63  }
0x1b: {  	s26 =	simm.s32 $0x180  }
0x1c: {  	[tilespmem:s15], [sflag:$0x4] =	stream.indirect.gather [hbm4b:s3+s11], $0x10, s26, s11, $0xb8;
	[tilespmem:$0x4000] =	vst v63  }
0x1d: {  	_ =	swait.ge [sflag:s16], $0x800  }
0x1e: {  	[sflag:s16] =	ssyncset.done $0x0  }
0x1f: {  	s28 =	sadd.s32 $0x0, s6;
	[sflag:s16] =	ssyncadd.s32 $0xFFFFF800  }
0x20: {  	[hbm4b:s28+s2] =	stream.linear.scatter [tilespmem:s12], [sflag:$0x5], $0x800, $0x38;
	[tilespmem:$0x4000] =	vst v63  }
0x21: {  	_ =	swait.ge [sflag:s17], $0x800  }
0x22: {  	[sflag:s17] =	ssyncset.done $0x0  }
0x23: {  	s29 =	sadd.s32 $0x0, s9;
	[sflag:s17] =	ssyncadd.s32 $0xFFFFF800  }
0x24: {  	[hbm4b:s29+s2] =	stream.linear.scatter [tilespmem:s13], [sflag:$0x6], $0x800, $0x38;
	[tilespmem:$0x4000] =	vst v63  }
0x25: {  	_ =	swait.ge [sflag:s18], $0x800  }
0x26: {  	[sflag:s18] =	ssyncset.done $0x0  }
0x27: {  	s30 =	sadd.s32 $0x0, s8;
	[sflag:s18] =	ssyncadd.s32 $0xFFFFF800  }
0x28: {  	[hbm4b:s30+s2] =	stream.linear.scatter [tilespmem:s14], [sflag:$0x7], $0x800, $0x38;
	[tilespmem:$0x4000] =	vst v63  }
0x29: {  	_ =	swait.ge [sflag:s19], $0x800  }
0x2a: {  	[sflag:s19] =	ssyncset.done $0x0  }
0x2b: {  	s31 =	sadd.s32 $0x0, s7;
	[sflag:s19] =	ssyncadd.s32 $0xFFFFF800  }
0x2c: {  	[hbm4b:s31+s2] =	stream.linear.scatter [tilespmem:s15], [sflag:$0x8], $0x800, $0x38;
	[tilespmem:$0x4000] =	vst v63  }
0x2d: {  	_ =	swait.ge [sflag:s20], $0x800  }
0x2e: {  	[sflag:s20] =	ssyncset.done $0x0  }
0x2f: {  	[sflag:s20] =	ssyncadd.s32 $0xFFFFF800  }
0x30: {  	_ =	swait.ge [sflag:s21], $0x800  }
0x31: {  	[sflag:s21] =	ssyncset.done $0x0  }
0x32: {  	[sflag:s21] =	ssyncadd.s32 $0xFFFFF800  }
0x33: {  	_ =	swait.ge [sflag:s22], $0x800  }
0x34: {  	[sflag:s22] =	ssyncset.done $0x0  }
0x35: {  	[sflag:s22] =	ssyncadd.s32 $0xFFFFF800  }
0x36: {  	_ =	swait.ge [sflag:s23], $0x800  }
0x37: {  	s25 =	simm.s32 $0x400;
	s26 =	simm.s32 $0x0;
	[sflag:s23] =	ssyncset.done $0x0  }
.LBB2_2:
0x38: {  	p0 =	sne.s32 s25, $0x3C00;
	[sflag:s23] =	ssyncadd.s32 $0xFFFFF800;
	s26 =	sadd.s32 $0x200, s26  }
0x39: {  	[tilespmem:s12], [sflag:$0x1] =	stream.indirect.gather [hbm4b:s3+s11], $0x10, s26, s11, $0xb8;
	[tilespmem:$0x4000] =	vst v63  }
0x3a: {  	s29 =	smov.u32 s25;
	s25 =	sadd.s32 $0x400, s25;
	s28 =	sadd.s32 $0x80, s26  }
0x3b: {  	[tilespmem:s13], [sflag:$0x2] =	stream.indirect.gather [hbm4b:s3+s11], $0x10, s28, s11, $0xb8;
	[tilespmem:$0x4000] =	vst v63  }
0x3c: {  	s28 =	sadd.s32 $0x100, s26  }
0x3d: {  	[tilespmem:s14], [sflag:$0x3] =	stream.indirect.gather [hbm4b:s3+s11], $0x10, s28, s11, $0xb8;
	[tilespmem:$0x4000] =	vst v63  }
0x3e: {  	s28 =	sadd.s32 $0x180, s26  }
0x3f: {  	[tilespmem:s15], [sflag:$0x4] =	stream.indirect.gather [hbm4b:s3+s11], $0x10, s28, s11, $0xb8;
	[tilespmem:$0x4000] =	vst v63  }
0x40: {  	_ =	swait.ge [sflag:s16], $0x800  }
0x41: {  	[sflag:s16] =	ssyncset.done $0x0  }
0x42: {  	s28 =	sadd.s32 s29, s6;
	[sflag:s16] =	ssyncadd.s32 $0xFFFFF800  }
0x43: {  	[hbm4b:s28+s2] =	stream.linear.scatter [tilespmem:s12], [sflag:$0x5], $0x800, $0x38;
	[tilespmem:$0x4000] =	vst v63  }
0x44: {  	_ =	swait.ge [sflag:s17], $0x800  }
0x45: {  	[sflag:s17] =	ssyncset.done $0x0  }
0x46: {  	s28 =	sadd.s32 s29, s9;
	[sflag:s17] =	ssyncadd.s32 $0xFFFFF800  }
0x47: {  	[hbm4b:s28+s2] =	stream.linear.scatter [tilespmem:s13], [sflag:$0x6], $0x800, $0x38;
	[tilespmem:$0x4000] =	vst v63  }
0x48: {  	_ =	swait.ge [sflag:s18], $0x800  }
0x49: {  	[sflag:s18] =	ssyncset.done $0x0  }
0x4a: {  	s28 =	sadd.s32 s29, s8;
	[sflag:s18] =	ssyncadd.s32 $0xFFFFF800  }
0x4b: {  	[hbm4b:s28+s2] =	stream.linear.scatter [tilespmem:s14], [sflag:$0x7], $0x800, $0x38;
	[tilespmem:$0x4000] =	vst v63  }
0x4c: {  	_ =	swait.ge [sflag:s19], $0x800  }
0x4d: {  	[sflag:s19] =	ssyncset.done $0x0  }
0x4e: {  	s28 =	sadd.s32 s29, s7;
	[sflag:s19] =	ssyncadd.s32 $0xFFFFF800  }
0x4f: {  	[hbm4b:s28+s2] =	stream.linear.scatter [tilespmem:s15], [sflag:$0x8], $0x800, $0x38;
	[tilespmem:$0x4000] =	vst v63  }
0x50: {  	_ =	swait.ge [sflag:s20], $0x800  }
0x51: {  	[sflag:s20] =	ssyncset.done $0x0  }
0x52: {  	[sflag:s20] =	ssyncadd.s32 $0xFFFFF800  }
0x53: {  	_ =	swait.ge [sflag:s21], $0x800  }
0x54: {  	[sflag:s21] =	ssyncset.done $0x0  }
0x55: {  	[sflag:s21] =	ssyncadd.s32 $0xFFFFF800  }
.Ltmp0:
0x56: {  	_ =	swait.ge [sflag:s22], $0x800;
	(pc) =	sbr.rel @p0 .LBB2_2-.Ltmp0, $4  }
0x57: {  	[sflag:s22] =	ssyncset.done $0x0  }
0x58: {  	[sflag:s22] =	ssyncadd.s32 $0xFFFFF800  }
0x59: {  	_ =	swait.ge [sflag:s23], $0x800  }
0x5a: {  	[sflag:s23] =	ssyncset.done $0x0  }
0x5b: {  	s24 =	sadd.s32 $0x1, s24  }
0x5c: {  	p0 =	sne.s32 s24, s5  }
.Ltmp1:
0x5d: {  	_ = 	snop;
	(pc) =	sbr.rel @p0 .LBB2_1-.Ltmp1, $2  }
0x5e: {  	_ =	sdelay $0x2  }
0x5f: {  	[sflag:s23] =	ssyncadd.s32 $0xFFFFF800  }
0x60: {  	_ =	sfence.sel $0x180000  }
0x61: {  	[bflag:$0x0] =	sbarrier.arrive $0xFFFF  }
0x62: {  	p0 =	sne.s32 s1, $0x0;
	_ =	strace $0x90000047  }
0x63: {  	s0 =	sadd.s32 @!p0 $0x100000, s0;
	[bflag:$0x2] =	sbarrier.arrive $0xFFFF  }
0x64: {  	[sflag:s0] =	ssyncadd.tile.s32 @!p0 $0x1;
	_ =	shalt  }
.Lfunc_end2:
_tile_overlayer_lowered:
.L_overlay_start_2:
0x65: {  	(tag) =	ssettag $0x2  }
0x66: {  	s0 =	rddreg [dreg:$0x0];
	s2 =	stileid.u32  }
0x67: {  	s1 =	rddreg [dreg:$0x1];
	p0 =	sne.s32 s2, $0x0  }
0x68: {  	s3 =	rddreg [dreg:$0x2];
	[bflag:$0x3] =	sbarrier.arrive $0xFFFF;
	s2 =	simm.s32 @!p0 $0x1C09  }
0x69: {  	[timem:s3], [sflag:s2] =	dma.local @!p0 [hbm:s0], s1  }
0x6a: {  	s0 =	simm.s32 @!p0 $0x9  }
0x6b: {  	_ =	swait.ge @!p0 [sflag:s0], s1  }
0x6c: {  	s1 =	ssub.s32 @!p0 $0x0, s1;
	[sflag:s0] =	ssyncset.done @!p0 $0x0  }
0x6d: {  	[sflag:s0] =	ssyncadd.s32 @!p0 s1  }
0x6e: {  	[bflag:$0x3] =	sbarrier.arrive $0xFFFF  }
0x6f: {  	_ =	shalt  }

// kernel: kernel.15.cloned.1.call-start
scs
__scs_entry_jumppad:
0x0: {  	(pc) =	sbr.rel $0x88, $3  }
0x1: {  	(tag) =	ssettag $0x0;
	lr =	simm.s32 $0x1  }
0x2: {  	[smem:$0x3F8E] =	sst lr;
	_ =	strace $0xD0000000  }
0x3: {  	_ = 	snop  }
0x4: {  	_ = 	snop  }
0x5: {  	_ = 	snop  }
0x6: {  	_ = 	snop  }
0x7: {  	_ = 	snop  }
__scs_overlays_trampoline_lowered:
0x8: {  	[smem:$0x3F9D] =	sst s0  }
0x9: {  	[smem:$0x3F9E] =	sst s1  }
0xa: {  	[smem:$0x3F9F] =	sst s2  }
0xb: {  	[smem:$0x3FA0] =	sst s3  }
0xc: {  	[smem:$0x3FA1] =	sst s4  }
0xd: {  	[smem:$0x3FA2] =	sst s5  }
0xe: {  	[smem:$0x3FA3] =	sst s6  }
0xf: {  	[smem:$0x3FA4] =	sst s7  }
0x10: {  	[smem:$0x3FA5] =	sst s8  }
0x11: {  	[smem:$0x3FA6] =	sst s9;
	s0 =	simm.s32 @!p0 $0x0  }
0x12: {  	s1 =	sld [smem:$0x3F8C];
	s0 =	simm.s32 @p0 $0x1  }
0x13: {  	[smem:$0x3FA7] =	sst s0;
	s0 =	simm.s32 @!p1 $0x0  }
0x14: {  	s2 =	sld [smem:$0x3F8B];
	s0 =	simm.s32 @p1 $0x1  }
0x15: {  	[smem:$0x3FA8] =	sst s0;
	s0 =	simm.s32 @!p2 $0x0  }
0x16: {  	s3 =	sld [smem:$0x3FDB];
	s0 =	simm.s32 @p2 $0x1  }
0x17: {  	s4 =	simm.s32 $0x1BF5;
	[smem:$0x3FAA] =	sst s0  }
0x18: {  	s0 =	sld [smem:$0x3F8D];
	_ =	swait.ge [sflag:s4], $0x0  }
0x19: {  	s7 =	sld [smem:$0x3F8E]  }
0x1a: {  	s8 =	sadd.s32 $0xFFFFE003, lr  }
0x1b: {  	s9 =	sadd.s32 $0xFFFFFEF7, lr;
	s5 =	simm.s32 $0xFFFFFFFF;
	p2 =	slt.u32 s8, $0xFFFFF086  }
0x1c: {  	p1 =	slt.u32 s9, $0xF7A;
	s5 =	simm.s32 @!p2 $0x0  }
0x1d: {  	s5 =	simm.s32 @p1 $0x1;
	p0 =	seq.s32 s7, s2  }
0x1e: {  	s7 =	smul.u32 @!p0 $0xF7A, s2;
	p2 =	seq.s32 @!p0 s5, $0x0  }
0x1f: {  	s9 =	smul.u32 $0xF7A, s1;
	s8 =	simm.s32 @!p0 $0x1BF5;
	p2 =	por !p2, p0  }
0x20: {  	[sflag:s8] =	ssyncset.s32 @!p0 $0xFFFFF086;
	s6 =	sadd.s32 @!p0 s3, s7;
	s7 =	simm.s32 @!p0 $0x108  }
0x21: {  	s3 =	sadd.s32 s3, s9;
	s6 =	sadd.s32 @!p0 $0x88, s6;
	s7 =	simm.s32 @p2 $0x1082  }
0x22: {  	[simem:s7], [sflag:s8] =	dma.local @!p0 [hbm:s6], $0xF7A  }
0x23: {  	s9 =	sor.u32 $0xD0000000, s2;
	s6 =	simm.s32 $0x108;
	_ =	swait.ge @!p0 [sflag:s8], $0x0  }
0x24: {  	s3 =	sadd.s32 $0x88, s3;
	s6 =	simm.s32 @!p1 $0x1082;
	[sflag:s4] =	ssyncset.s32 $0xFFFFF086  }
0x25: {  	[simem:s6], [sflag:s4] =	dma.local [hbm:s3], $0xF7A  }
0x26: {  	[smem:$0x3F8E] =	sst s1;
	(tag) =	ssettag s2;
	_ =	strace s9  }
0x27: {  	s1 =	sld [smem:$0x3F9E]  }
0x28: {  	s2 =	sld [smem:$0x3F9F]  }
0x29: {  	s4 =	sld [smem:$0x3FA1]  }
0x2a: {  	p0 =	seq.s32 s5, $0x0;
	s5 =	sld [smem:$0x3FA2]  }
0x2b: {  	s6 =	sld [smem:$0x3FA3]  }
0x2c: {  	s7 =	sld [smem:$0x3FA4]  }
0x2d: {  	s3 =	simm.s32 $0x108;
	s8 =	sld [smem:$0x3FA5]  }
0x2e: {  	s3 =	simm.s32 @!p0 $0x1082;
	s9 =	sld [smem:$0x3FA6]  }
0x2f: {  	lr =	sadd.s32 s0, s3;
	s0 =	sld [smem:$0x3F9D]  }
0x30: {  	s3 =	sld [smem:$0x3FA0]  }
0x31: {  	[smem:$0x3FA9] =	sst s10  }
0x32: {  	s10 =	sld [smem:$0x3FA7];
	_ =	sdelay $0x3  }
0x33: {  	p0 =	seq.s32 s10, $0x1;
	s10 =	sld [smem:$0x3FA9];
	_ =	sdelay $0x3  }
0x34: {  	[smem:$0x3FA9] =	sst s10  }
0x35: {  	s10 =	sld [smem:$0x3FA8];
	_ =	sdelay $0x3  }
0x36: {  	p1 =	seq.s32 s10, $0x1;
	s10 =	sld [smem:$0x3FA9];
	_ =	sdelay $0x3  }
0x37: {  	[smem:$0x3FA9] =	sst s10  }
0x38: {  	s10 =	sld [smem:$0x3FAA]  }
0x39: {  	_ = 	snop;
	(pc) =	sbr.ind lr, $3  }
0x3a: {  	_ = 	snop  }
0x3b: {  	_ = 	snop  }
0x3c: {  	p2 =	seq.s32 s10, $0x1;
	s10 =	sld [smem:$0x3FA9]  }
0x3d: {  	_ =	shalt  }
0x3e: {  	_ =	shalt  }
0x3f: {  	_ =	shalt  }
0x40: {  	_ =	shalt  }
0x41: {  	_ =	shalt  }
0x42: {  	_ =	shalt  }
0x43: {  	_ =	shalt  }
0x44: {  	_ =	shalt  }
0x45: {  	_ =	shalt  }
0x46: {  	_ =	shalt  }
0x47: {  	_ =	shalt  }
0x48: {  	_ =	shalt  }
0x49: {  	_ =	shalt  }
0x4a: {  	_ =	shalt  }
0x4b: {  	_ =	shalt  }
0x4c: {  	_ =	shalt  }
0x4d: {  	_ =	shalt  }
0x4e: {  	_ =	shalt  }
0x4f: {  	_ =	shalt  }
0x50: {  	_ =	shalt  }
0x51: {  	_ =	shalt  }
0x52: {  	_ =	shalt  }
0x53: {  	_ =	shalt  }
0x54: {  	_ =	shalt  }
0x55: {  	_ =	shalt  }
0x56: {  	_ =	shalt  }
0x57: {  	_ =	shalt  }
0x58: {  	_ =	shalt  }
0x59: {  	_ =	shalt  }
0x5a: {  	_ =	shalt  }
0x5b: {  	_ =	shalt  }
0x5c: {  	_ =	shalt  }
0x5d: {  	_ =	shalt  }
0x5e: {  	_ =	shalt  }
0x5f: {  	_ =	shalt  }
0x60: {  	_ =	shalt  }
0x61: {  	_ =	shalt  }
0x62: {  	_ =	shalt  }
0x63: {  	_ =	shalt  }
0x64: {  	_ =	shalt  }
0x65: {  	_ =	shalt  }
0x66: {  	_ =	shalt  }
0x67: {  	_ =	shalt  }
0x68: {  	_ =	shalt  }
0x69: {  	_ =	shalt  }
0x6a: {  	_ =	shalt  }
0x6b: {  	_ =	shalt  }
0x6c: {  	_ =	shalt  }
0x6d: {  	_ =	shalt  }
0x6e: {  	_ =	shalt  }
0x6f: {  	_ =	shalt  }
0x70: {  	_ =	shalt  }
0x71: {  	_ =	shalt  }
0x72: {  	_ =	shalt  }
0x73: {  	_ =	shalt  }
0x74: {  	_ =	shalt  }
0x75: {  	_ =	shalt  }
0x76: {  	_ =	shalt  }
0x77: {  	_ =	shalt  }
0x78: {  	_ =	shalt  }
0x79: {  	_ =	shalt  }
0x7a: {  	_ =	shalt  }
0x7b: {  	_ =	shalt  }
0x7c: {  	_ =	shalt  }
0x7d: {  	_ =	shalt  }
0x7e: {  	_ =	shalt  }
0x7f: {  	_ =	shalt  }
0x80: {  	_ =	shalt  }
0x81: {  	_ =	shalt  }
0x82: {  	_ =	shalt  }
0x83: {  	_ =	shalt  }
0x84: {  	_ =	shalt  }
0x85: {  	_ =	shalt  }
0x86: {  	_ =	shalt  }
0x87: {  	_ =	shalt  }
.Lfunc_end0:
.L_simem_size_0:
called_computation.1_lowered:
.L_overlay_start_0:
0x88: {  	s2 =	sld [smem:$0x3FD9]  }
0x89: {  	s3 =	sld [smem:$0x3FFE];
	_ =	sdelay $0x1  }
0x8a: {  	s1 =	srdreg.scid  }
0x8b: {  	s0 =	sand.u32 $0x1, s1  }
0x8c: {  	s16 =	sshll.u32 s0, $0xA;
	s2 =	sadd.s32 s3, s2  }
0x8d: {  	s2 =	sadd.s32 s2, s16  }
0x8e: {  	[smem:$0x3FB5] =	sst s2  }
0x8f: {  	_ = 	snop  }
0x90: {  	(tm) =	ssettm $0x1  }
0x91: {  	s17 =	sld [smem:$0x3FFB];
	_ =	sdelay $0x3  }
0x92: {  	_ =	strace s17  }
0x93: {  	s2 =	sld [smem:$0x3FFC];
	_ =	sdelay $0x3  }
0x94: {  	_ =	strace s2  }
0x95: {  	s2 =	sld [smem:$0x3FFD];
	_ =	sdelay $0x3  }
0x96: {  	_ =	strace s2  }
0x97: {  	_ =	strace $0x8FFFFFFF  }
0x98: {  	s18 =	sld [smem:$0x3FDB];
	_ =	sdelay $0x1  }
0x99: {  	s19 =	simm.s32 $_scs_section_size  }
0x9a: {  	s4 =	simm.s32 $_size__tile_overlayer_lowered;
	s5 =	simm.s32 $_tile_overlayer_lowered  }
0x9b: {  	s22 =	simm.s32 $0x1BFF;
	s21 =	sshll.u32 s5, $0x1;
	s2 =	sadd.s32 s19, s18  }
0x9c: {  	s6 =	simm.s32 $0x0;
	s20 =	sshll.u32 s4, $0x1;
	s4 =	sadd.s32 s21, s2  }
0x9d: {  	[timem:s6], [sflag:s22] =	dma.local [hbm:s4], s20  }
0x9e: {  	_ =	swait.ge [sflag:s22], s20  }
0x9f: {  	s3 =	ssub.s32 $0x0, s20;
	[sflag:s22] =	ssyncset.done $0x0  }
0xa0: {  	[sflag:s22] =	ssyncadd.s32 s3;
	_ =	sdelay $0x1  }
0xa1: {  	s23 =	simm.s32 $0x1B8B  }
0xa2: {  	_ =	swait.ge [sflag:s23], $0x1  }
0xa3: {  	[sflag:s23] =	ssyncset.done $0x0  }
0xa4: {  	s25 =	simm.s32 $0x1B8E;
	s24 =	sld [smem:$0x3FFE];
	[sflag:s23] =	ssyncadd.s32 $0xFFFFFFFF  }
0xa5: {  	s26 =	simm.s32 $execute0_lowered;
	[smem:$0x3FD2] =	sst s25  }
0xa6: {  	s4 =	sshll.u32 s26, $0x1;
	_ =	strace $0x80000049;
	[dreg:$0x1] =	wrdreg $0xFFFFFFFF  }
0xa7: {  	s28 =	simm.s32 $_size_execute0_lowered;
	s2 =	sadd.s32 s2, s4;
	[dreg:$0x0] =	wrdreg $0x0  }
0xa8: {  	s4 =	sshll.u32 s28, $0x1;
	[dreg:$0x2] =	wrdreg s2  }
0xa9: {  	[dreg:$0x3] =	wrdreg s4  }
0xaa: {  	[dreg:$0x4] =	wrdreg $0xC0  }
0xab: {  	_ =	task [dreg:s6], $0x5FFFF  }
0xac: {  	[dreg:$0x1] =	wrdreg $0xFFFFFFFF  }
0xad: {  	[dreg:$0x0] =	wrdreg $0x60  }
0xae: {  	[dreg:$0x2] =	wrdreg s24  }
0xaf: {  	[dreg:$0x3] =	wrdreg $0x9  }
0xb0: {  	_ =	task.clear_ibuf [dreg:s6], $0x4FFFF;
	_ =	strace $0x90000049  }
0xb1: {  	s29 =	simm.s32 $0x9;
	_ =	strace $0x8000004B  }
0xb2: {  	_ =	swait.ge [sflag:s29], $0x1  }
0xb3: {  	[sflag:s29] =	ssyncadd.s32 $0xFFFFFFFF  }
0xb4: {  	_ =	strace $0x9000004B  }
0xb5: {  	_ =	sfence  }
0xb6: {  	s30 =	sld [smem:$0x0];
	_ =	sdelay $0x2  }
0xb7: {  	s31 =	sshll.u32 s1, $0xD;
	s1 =	sshrl.u32 s1, $0x2  }
0xb8: {  	s3 =	sand.u32 $0x4000, s31;
	s1 =	sadd.s32 s1, s30  }
0xb9: {  	s0 =	sor.u32 s3, s0;
	s1 =	sshll.u32 s1, $0x11  }
0xba: {  	s0 =	sor.u32 s1, s0  }
0xbb: {  	s0 =	sadd.s32 $0x8F2B, s0  }
0xbc: {  	[sflag:s0] =	ssyncadd.remote.s32 $0x1  }
0xbd: {  	_ =	sfence.sel $0xFFFF  }
0xbe: {  	[dreg:$0x0] =	wrdreg $0xFFFFFFFF;
	(pc) =	sbr.abs _section_cstart, $3  }
0xbf: {  	[dreg:$0x1] =	wrdreg $0xFFFFFFFF  }
0xc0: {  	_ =	task.clear_ibuf [dreg:s6], $0x2FFFF;
	_ =	strace $0x9FFFFFFF  }
0xc1: {  	(tm) =	ssettm $0x7FFFFFFF  }
tec
execute0_lowered:
.L_overlay_start_1:
0x0: {  	(tag) =	ssettag $0x1  }
0x1: {  	s4 =	rddreg [dreg:$0x0]  }
0x2: {  	s0 =	rddreg [dreg:$0x1];
	s3 =	srdreg.scid  }
0x3: {  	s2 =	simm.s32 $0x0;
	s1 =	stileid.u32;
	s12 =	simm.s32 $0x2000  }
0x4: {  	s13 =	simm.s32 $0x3000;
	s14 =	simm.s32 $0x4000;
	s15 =	simm.s32 $0x5000  }
0x5: {  	s16 =	simm.s32 $0x1;
	s17 =	simm.s32 $0x2;
	s18 =	simm.s32 $0x3  }
0x6: {  	s19 =	simm.s32 $0x4;
	s20 =	simm.s32 $0x5;
	s21 =	simm.s32 $0x6  }
0x7: {  	s22 =	simm.s32 $0x7;
	s23 =	simm.s32 $0x8;
	s24 =	simm.s32 $0x0  }
0x8: {  	s5 =	sand.u32 $0x1, s3;
	[smem:$0x7FF] =	sst s2;
	s6 =	sshll.u32 s1, $0xB  }
0x9: {  	s3 =	sadd.s32 $0x4D000, s4;
	s8 =	sshll.u32 s1, $0x13;
	s10 =	sadd.s32 $0x5D000, s4  }
0xa: {  	s7 =	sshll.u32 s5, $0xA;
	_ =	strace $0x8000004A;
	s26 =	ssub.s32 $0x2, s5  }
0xb: {  	s5 =	sshll.u32 s5, $0x12;
	s6 =	sor.u32 s7, s6;
	s9 =	sshrl.u32 s26, $0x1  }
0xc: {  	s8 =	sor.u32 s5, s8;
	s6 =	sadd.s32 s6, s4;
	s28 =	ssub.s32 s26, s9  }
0xd: {  	s29 =	sshrl.u32 s8, $0x3;
	s30 =	sor.u32 $0x3000, s8;
	s31 =	sor.u32 $0x2000, s8  }
0xe: {  	s8 =	sor.u32 $0x1000, s8;
	s4 =	sadd.s32 $0x45000, s6;
	s5 =	smax.u32 s28, $0x1  }
0xf: {  	s6 =	sadd.s32 s29, s10;
	s7 =	sshrl.u32 s30, $0x3;
	s9 =	sshrl.u32 s31, $0x3  }
0x10: {  	s11 =	sshrl.u32 s8, $0x3;
	s7 =	sadd.s32 s7, s10;
	s8 =	sadd.s32 s9, s10  }
0x11: {  	s9 =	sadd.s32 s11, s10;
	s10 =	simm.s32 $0x9;
	s11 =	simm.s32 $0x80  }
.LBB2_1:
0x12: {  	[tilespmem:s2], [sflag:$0x9] =	stream.linear.gather [hbm4b:s4+s2], $0x2000, $0x38;
	[tilespmem:$0x6000] =	vst v63  }
0x13: {  	_ =	swait.ge [sflag:s10], $0x2000  }
0x14: {  	[sflag:s10] =	ssyncset.done $0x0  }
0x15: {  	s25 =	simm.s32 $0x0;
	[sflag:s10] =	ssyncadd.s32 $0xFFFFE000  }
0x16: {  	[tilespmem:s12], [sflag:$0x1] =	stream.indirect.gather [hbm4b:s3+s11], $0x20, s25, s11, $0xb8;
	[tilespmem:$0x6000] =	vst v63  }
0x17: {  	s29 =	simm.s32 $0x80  }
0x18: {  	[tilespmem:s13], [sflag:$0x2] =	stream.indirect.gather [hbm4b:s3+s11], $0x20, s29, s11, $0xb8;
	[tilespmem:$0x6000] =	vst v63  }
0x19: {  	s30 =	simm.s32 $0x100  }
0x1a: {  	[tilespmem:s14], [sflag:$0x3] =	stream.indirect.gather [hbm4b:s3+s11], $0x20, s30, s11, $0xb8;
	[tilespmem:$0x6000] =	vst v63  }
0x1b: {  	s31 =	simm.s32 $0x180  }
0x1c: {  	[tilespmem:s15], [sflag:$0x4] =	stream.indirect.gather [hbm4b:s3+s11], $0x20, s31, s11, $0xb8;
	[tilespmem:$0x6000] =	vst v63  }
0x1d: {  	_ =	swait.ge [sflag:s16], $0x1000  }
0x1e: {  	[sflag:s16] =	ssyncset.done $0x0  }
0x1f: {  	s26 =	sadd.s32 $0x0, s6;
	[sflag:s16] =	ssyncadd.s32 $0xFFFFF000  }
0x20: {  	[hbm4b:s26+s2] =	stream.linear.scatter [tilespmem:s12], [sflag:$0x5], $0x1000, $0x38;
	[tilespmem:$0x6000] =	vst v63  }
0x21: {  	_ =	swait.ge [sflag:s17], $0x1000  }
0x22: {  	[sflag:s17] =	ssyncset.done $0x0  }
0x23: {  	s29 =	sadd.s32 $0x0, s9;
	[sflag:s17] =	ssyncadd.s32 $0xFFFFF000  }
0x24: {  	[hbm4b:s29+s2] =	stream.linear.scatter [tilespmem:s13], [sflag:$0x6], $0x1000, $0x38;
	[tilespmem:$0x6000] =	vst v63  }
0x25: {  	_ =	swait.ge [sflag:s18], $0x1000  }
0x26: {  	[sflag:s18] =	ssyncset.done $0x0  }
0x27: {  	s30 =	sadd.s32 $0x0, s8;
	[sflag:s18] =	ssyncadd.s32 $0xFFFFF000  }
0x28: {  	[hbm4b:s30+s2] =	stream.linear.scatter [tilespmem:s14], [sflag:$0x7], $0x1000, $0x38;
	[tilespmem:$0x6000] =	vst v63  }
0x29: {  	_ =	swait.ge [sflag:s19], $0x1000  }
0x2a: {  	[sflag:s19] =	ssyncset.done $0x0  }
0x2b: {  	s31 =	sadd.s32 $0x0, s7;
	[sflag:s19] =	ssyncadd.s32 $0xFFFFF000  }
0x2c: {  	[hbm4b:s31+s2] =	stream.linear.scatter [tilespmem:s15], [sflag:$0x8], $0x1000, $0x38;
	[tilespmem:$0x6000] =	vst v63  }
0x2d: {  	_ =	swait.ge [sflag:s20], $0x1000  }
0x2e: {  	[sflag:s20] =	ssyncset.done $0x0  }
0x2f: {  	[sflag:s20] =	ssyncadd.s32 $0xFFFFF000  }
0x30: {  	_ =	swait.ge [sflag:s21], $0x1000  }
0x31: {  	[sflag:s21] =	ssyncset.done $0x0  }
0x32: {  	[sflag:s21] =	ssyncadd.s32 $0xFFFFF000  }
0x33: {  	_ =	swait.ge [sflag:s22], $0x1000  }
0x34: {  	[sflag:s22] =	ssyncset.done $0x0  }
0x35: {  	[sflag:s22] =	ssyncadd.s32 $0xFFFFF000  }
0x36: {  	_ =	swait.ge [sflag:s23], $0x1000  }
0x37: {  	s28 =	simm.s32 $0x1000;
	s25 =	simm.s32 $0x800;
	[sflag:s23] =	ssyncset.done $0x0  }
.LBB2_2:
0x38: {  	s29 =	sshra.s32 s25, $0x2  }
0x39: {  	[sflag:s23] =	ssyncadd.s32 $0xFFFFF000;
	s30 =	smov.u32 s28;
	s26 =	sadd.s32 $0x800, s28  }
0x3a: {  	[tilespmem:s12], [sflag:$0x1] =	stream.indirect.gather [hbm4b:s3+s11], $0x20, s29, s11, $0xb8;
	[tilespmem:$0x6000] =	vst v63  }
0x3b: {  	p0 =	sne.s32 s28, $0x7800;
	s28 =	sadd.s32 $0x80, s29  }
0x3c: {  	[tilespmem:s13], [sflag:$0x2] =	stream.indirect.gather [hbm4b:s3+s11], $0x20, s28, s11, $0xb8;
	[tilespmem:$0x6000] =	vst v63  }
0x3d: {  	s28 =	sadd.s32 $0x100, s29  }
0x3e: {  	[tilespmem:s14], [sflag:$0x3] =	stream.indirect.gather [hbm4b:s3+s11], $0x20, s28, s11, $0xb8;
	[tilespmem:$0x6000] =	vst v63  }
0x3f: {  	s28 =	sadd.s32 $0x180, s29  }
0x40: {  	[tilespmem:s15], [sflag:$0x4] =	stream.indirect.gather [hbm4b:s3+s11], $0x20, s28, s11, $0xb8;
	[tilespmem:$0x6000] =	vst v63  }
0x41: {  	_ =	swait.ge [sflag:s16], $0x1000  }
0x42: {  	[sflag:s16] =	ssyncset.done $0x0  }
0x43: {  	s28 =	sadd.s32 s25, s6;
	[sflag:s16] =	ssyncadd.s32 $0xFFFFF000  }
0x44: {  	[hbm4b:s28+s2] =	stream.linear.scatter [tilespmem:s12], [sflag:$0x5], $0x1000, $0x38;
	[tilespmem:$0x6000] =	vst v63  }
0x45: {  	_ =	swait.ge [sflag:s17], $0x1000  }
0x46: {  	[sflag:s17] =	ssyncset.done $0x0  }
0x47: {  	s28 =	sadd.s32 s25, s9;
	[sflag:s17] =	ssyncadd.s32 $0xFFFFF000  }
0x48: {  	[hbm4b:s28+s2] =	stream.linear.scatter [tilespmem:s13], [sflag:$0x6], $0x1000, $0x38;
	[tilespmem:$0x6000] =	vst v63  }
0x49: {  	_ =	swait.ge [sflag:s18], $0x1000  }
0x4a: {  	[sflag:s18] =	ssyncset.done $0x0  }
0x4b: {  	s28 =	sadd.s32 s25, s8;
	[sflag:s18] =	ssyncadd.s32 $0xFFFFF000  }
0x4c: {  	[hbm4b:s28+s2] =	stream.linear.scatter [tilespmem:s14], [sflag:$0x7], $0x1000, $0x38;
	[tilespmem:$0x6000] =	vst v63  }
0x4d: {  	_ =	swait.ge [sflag:s19], $0x1000  }
0x4e: {  	[sflag:s19] =	ssyncset.done $0x0  }
0x4f: {  	s28 =	sadd.s32 s25, s7;
	s25 =	smov.u32 s30;
	[sflag:s19] =	ssyncadd.s32 $0xFFFFF000  }
0x50: {  	[hbm4b:s28+s2] =	stream.linear.scatter [tilespmem:s15], [sflag:$0x8], $0x1000, $0x38;
	[tilespmem:$0x6000] =	vst v63  }
0x51: {  	_ =	swait.ge [sflag:s20], $0x1000  }
0x52: {  	[sflag:s20] =	ssyncset.done $0x0  }
0x53: {  	[sflag:s20] =	ssyncadd.s32 $0xFFFFF000  }
0x54: {  	_ =	swait.ge [sflag:s21], $0x1000  }
0x55: {  	[sflag:s21] =	ssyncset.done $0x0  }
0x56: {  	[sflag:s21] =	ssyncadd.s32 $0xFFFFF000  }
.Ltmp0:
0x57: {  	_ =	swait.ge [sflag:s22], $0x1000;
	(pc) =	sbr.rel @p0 .LBB2_2-.Ltmp0, $4  }
0x58: {  	[sflag:s22] =	ssyncset.done $0x0  }
0x59: {  	[sflag:s22] =	ssyncadd.s32 $0xFFFFF000  }
0x5a: {  	_ =	swait.ge [sflag:s23], $0x1000  }
0x5b: {  	s28 =	smov.u32 s26;
	[sflag:s23] =	ssyncset.done $0x0  }
0x5c: {  	s26 =	sshra.s32 s25, $0x2;
	[sflag:s23] =	ssyncadd.s32 $0xFFFFF000  }
0x5d: {  	[tilespmem:s12], [sflag:$0x1] =	stream.indirect.gather [hbm4b:s3+s11], $0x20, s26, s11, $0xb8;
	[tilespmem:$0x6000] =	vst v63  }
0x5e: {  	s28 =	sadd.s32 $0x80, s26  }
0x5f: {  	[tilespmem:s13], [sflag:$0x2] =	stream.indirect.gather [hbm4b:s3+s11], $0x20, s28, s11, $0xb8;
	[tilespmem:$0x6000] =	vst v63  }
0x60: {  	s31 =	sadd.s32 $0x100, s26  }
0x61: {  	[tilespmem:s14], [sflag:$0x3] =	stream.indirect.gather [hbm4b:s3+s11], $0x20, s31, s11, $0xb8;
	[tilespmem:$0x6000] =	vst v63  }
0x62: {  	s26 =	sadd.s32 $0x180, s26  }
0x63: {  	[tilespmem:s15], [sflag:$0x4] =	stream.indirect.gather [hbm4b:s3+s11], $0x20, s26, s11, $0xb8;
	[tilespmem:$0x6000] =	vst v63  }
0x64: {  	_ =	swait.ge [sflag:s16], $0x1000  }
0x65: {  	[sflag:s16] =	ssyncset.done $0x0  }
0x66: {  	s28 =	sadd.s32 s25, s6;
	[sflag:s16] =	ssyncadd.s32 $0xFFFFF000  }
0x67: {  	[hbm4b:s28+s2] =	stream.linear.scatter [tilespmem:s12], [sflag:$0x5], $0x1000, $0x38;
	[tilespmem:$0x6000] =	vst v63  }
0x68: {  	_ =	swait.ge [sflag:s17], $0x1000  }
0x69: {  	[sflag:s17] =	ssyncset.done $0x0  }
0x6a: {  	s29 =	sadd.s32 s25, s9;
	[sflag:s17] =	ssyncadd.s32 $0xFFFFF000  }
0x6b: {  	[hbm4b:s29+s2] =	stream.linear.scatter [tilespmem:s13], [sflag:$0x6], $0x1000, $0x38;
	[tilespmem:$0x6000] =	vst v63  }
0x6c: {  	_ =	swait.ge [sflag:s18], $0x1000  }
0x6d: {  	[sflag:s18] =	ssyncset.done $0x0  }
0x6e: {  	s30 =	sadd.s32 s25, s8;
	[sflag:s18] =	ssyncadd.s32 $0xFFFFF000  }
0x6f: {  	[hbm4b:s30+s2] =	stream.linear.scatter [tilespmem:s14], [sflag:$0x7], $0x1000, $0x38;
	[tilespmem:$0x6000] =	vst v63  }
0x70: {  	_ =	swait.ge [sflag:s19], $0x1000  }
0x71: {  	[sflag:s19] =	ssyncset.done $0x0  }
0x72: {  	s31 =	sadd.s32 s25, s7;
	[sflag:s19] =	ssyncadd.s32 $0xFFFFF000  }
0x73: {  	[hbm4b:s31+s2] =	stream.linear.scatter [tilespmem:s15], [sflag:$0x8], $0x1000, $0x38;
	[tilespmem:$0x6000] =	vst v63  }
0x74: {  	_ =	swait.ge [sflag:s20], $0x1000  }
0x75: {  	[sflag:s20] =	ssyncset.done $0x0  }
0x76: {  	[sflag:s20] =	ssyncadd.s32 $0xFFFFF000  }
0x77: {  	_ =	swait.ge [sflag:s21], $0x1000  }
0x78: {  	[sflag:s21] =	ssyncset.done $0x0  }
0x79: {  	s24 =	sadd.s32 $0x1, s24;
	[sflag:s21] =	ssyncadd.s32 $0xFFFFF000  }
0x7a: {  	p0 =	sne.s32 s24, s5;
	_ =	swait.ge [sflag:s22], $0x1000  }
.Ltmp1:
0x7b: {  	[sflag:s22] =	ssyncset.done $0x0;
	(pc) =	sbr.rel @p0 .LBB2_1-.Ltmp1, $4  }
0x7c: {  	[sflag:s22] =	ssyncadd.s32 $0xFFFFF000  }
0x7d: {  	_ =	swait.ge [sflag:s23], $0x1000  }
0x7e: {  	[sflag:s23] =	ssyncset.done $0x0  }
0x7f: {  	[sflag:s23] =	ssyncadd.s32 $0xFFFFF000  }
0x80: {  	_ =	sfence.sel $0x180000  }
0x81: {  	[bflag:$0x0] =	sbarrier.arrive $0xFFFF  }
0x82: {  	p0 =	sne.s32 s1, $0x0;
	_ =	strace $0x9000004A  }
0x83: {  	s0 =	sadd.s32 @!p0 $0x100000, s0;
	[bflag:$0x2] =	sbarrier.arrive $0xFFFF  }
0x84: {  	[sflag:s0] =	ssyncadd.tile.s32 @!p0 $0x1;
	_ =	shalt  }
.Lfunc_end2:
_tile_overlayer_lowered:
.L_overlay_start_2:
0x85: {  	(tag) =	ssettag $0x2  }
0x86: {  	s0 =	rddreg [dreg:$0x0];
	s2 =	stileid.u32  }
0x87: {  	s1 =	rddreg [dreg:$0x1];
	p0 =	sne.s32 s2, $0x0  }
0x88: {  	s3 =	rddreg [dreg:$0x2];
	[bflag:$0x3] =	sbarrier.arrive $0xFFFF;
	s2 =	simm.s32 @!p0 $0x1C09  }
0x89: {  	[timem:s3], [sflag:s2] =	dma.local @!p0 [hbm:s0], s1  }
0x8a: {  	s0 =	simm.s32 @!p0 $0x9  }
0x8b: {  	_ =	swait.ge @!p0 [sflag:s0], s1  }
0x8c: {  	s1 =	ssub.s32 @!p0 $0x0, s1;
	[sflag:s0] =	ssyncset.done @!p0 $0x0  }
0x8d: {  	[sflag:s0] =	ssyncadd.s32 @!p0 s1  }
0x8e: {  	[bflag:$0x3] =	sbarrier.arrive $0xFFFF  }
0x8f: {  	_ =	shalt  }

// kernel: kernel.18.cloned.1.call-start
scs
__scs_entry_jumppad:
0x0: {  	(pc) =	sbr.rel $0x88, $3  }
0x1: {  	(tag) =	ssettag $0x0;
	lr =	simm.s32 $0x1  }
0x2: {  	[smem:$0x3F8E] =	sst lr;
	_ =	strace $0xD0000000  }
0x3: {  	_ = 	snop  }
0x4: {  	_ = 	snop  }
0x5: {  	_ = 	snop  }
0x6: {  	_ = 	snop  }
0x7: {  	_ = 	snop  }
__scs_overlays_trampoline_lowered:
0x8: {  	[smem:$0x3F9D] =	sst s0  }
0x9: {  	[smem:$0x3F9E] =	sst s1  }
0xa: {  	[smem:$0x3F9F] =	sst s2  }
0xb: {  	[smem:$0x3FA0] =	sst s3  }
0xc: {  	[smem:$0x3FA1] =	sst s4  }
0xd: {  	[smem:$0x3FA2] =	sst s5  }
0xe: {  	[smem:$0x3FA3] =	sst s6  }
0xf: {  	[smem:$0x3FA4] =	sst s7  }
0x10: {  	[smem:$0x3FA5] =	sst s8  }
0x11: {  	[smem:$0x3FA6] =	sst s9;
	s0 =	simm.s32 @!p0 $0x0  }
0x12: {  	s1 =	sld [smem:$0x3F8C];
	s0 =	simm.s32 @p0 $0x1  }
0x13: {  	[smem:$0x3FA7] =	sst s0;
	s0 =	simm.s32 @!p1 $0x0  }
0x14: {  	s2 =	sld [smem:$0x3F8B];
	s0 =	simm.s32 @p1 $0x1  }
0x15: {  	[smem:$0x3FA8] =	sst s0;
	s0 =	simm.s32 @!p2 $0x0  }
0x16: {  	s3 =	sld [smem:$0x3FDB];
	s0 =	simm.s32 @p2 $0x1  }
0x17: {  	s4 =	simm.s32 $0x1BF5;
	[smem:$0x3FAA] =	sst s0  }
0x18: {  	s0 =	sld [smem:$0x3F8D];
	_ =	swait.ge [sflag:s4], $0x0  }
0x19: {  	s7 =	sld [smem:$0x3F8E]  }
0x1a: {  	s8 =	sadd.s32 $0xFFFFE003, lr  }
0x1b: {  	s9 =	sadd.s32 $0xFFFFFEF7, lr;
	s5 =	simm.s32 $0xFFFFFFFF;
	p2 =	slt.u32 s8, $0xFFFFF086  }
0x1c: {  	p1 =	slt.u32 s9, $0xF7A;
	s5 =	simm.s32 @!p2 $0x0  }
0x1d: {  	s5 =	simm.s32 @p1 $0x1;
	p0 =	seq.s32 s7, s2  }
0x1e: {  	s7 =	smul.u32 @!p0 $0xF7A, s2;
	p2 =	seq.s32 @!p0 s5, $0x0  }
0x1f: {  	s9 =	smul.u32 $0xF7A, s1;
	s8 =	simm.s32 @!p0 $0x1BF5;
	p2 =	por !p2, p0  }
0x20: {  	[sflag:s8] =	ssyncset.s32 @!p0 $0xFFFFF086;
	s6 =	sadd.s32 @!p0 s3, s7;
	s7 =	simm.s32 @!p0 $0x108  }
0x21: {  	s3 =	sadd.s32 s3, s9;
	s6 =	sadd.s32 @!p0 $0x88, s6;
	s7 =	simm.s32 @p2 $0x1082  }
0x22: {  	[simem:s7], [sflag:s8] =	dma.local @!p0 [hbm:s6], $0xF7A  }
0x23: {  	s9 =	sor.u32 $0xD0000000, s2;
	s6 =	simm.s32 $0x108;
	_ =	swait.ge @!p0 [sflag:s8], $0x0  }
0x24: {  	s3 =	sadd.s32 $0x88, s3;
	s6 =	simm.s32 @!p1 $0x1082;
	[sflag:s4] =	ssyncset.s32 $0xFFFFF086  }
0x25: {  	[simem:s6], [sflag:s4] =	dma.local [hbm:s3], $0xF7A  }
0x26: {  	[smem:$0x3F8E] =	sst s1;
	(tag) =	ssettag s2;
	_ =	strace s9  }
0x27: {  	s1 =	sld [smem:$0x3F9E]  }
0x28: {  	s2 =	sld [smem:$0x3F9F]  }
0x29: {  	s4 =	sld [smem:$0x3FA1]  }
0x2a: {  	p0 =	seq.s32 s5, $0x0;
	s5 =	sld [smem:$0x3FA2]  }
0x2b: {  	s6 =	sld [smem:$0x3FA3]  }
0x2c: {  	s7 =	sld [smem:$0x3FA4]  }
0x2d: {  	s3 =	simm.s32 $0x108;
	s8 =	sld [smem:$0x3FA5]  }
0x2e: {  	s3 =	simm.s32 @!p0 $0x1082;
	s9 =	sld [smem:$0x3FA6]  }
0x2f: {  	lr =	sadd.s32 s0, s3;
	s0 =	sld [smem:$0x3F9D]  }
0x30: {  	s3 =	sld [smem:$0x3FA0]  }
0x31: {  	[smem:$0x3FA9] =	sst s10  }
0x32: {  	s10 =	sld [smem:$0x3FA7];
	_ =	sdelay $0x3  }
0x33: {  	p0 =	seq.s32 s10, $0x1;
	s10 =	sld [smem:$0x3FA9];
	_ =	sdelay $0x3  }
0x34: {  	[smem:$0x3FA9] =	sst s10  }
0x35: {  	s10 =	sld [smem:$0x3FA8];
	_ =	sdelay $0x3  }
0x36: {  	p1 =	seq.s32 s10, $0x1;
	s10 =	sld [smem:$0x3FA9];
	_ =	sdelay $0x3  }
0x37: {  	[smem:$0x3FA9] =	sst s10  }
0x38: {  	s10 =	sld [smem:$0x3FAA]  }
0x39: {  	_ = 	snop;
	(pc) =	sbr.ind lr, $3  }
0x3a: {  	_ = 	snop  }
0x3b: {  	_ = 	snop  }
0x3c: {  	p2 =	seq.s32 s10, $0x1;
	s10 =	sld [smem:$0x3FA9]  }
0x3d: {  	_ =	shalt  }
0x3e: {  	_ =	shalt  }
0x3f: {  	_ =	shalt  }
0x40: {  	_ =	shalt  }
0x41: {  	_ =	shalt  }
0x42: {  	_ =	shalt  }
0x43: {  	_ =	shalt  }
0x44: {  	_ =	shalt  }
0x45: {  	_ =	shalt  }
0x46: {  	_ =	shalt  }
0x47: {  	_ =	shalt  }
0x48: {  	_ =	shalt  }
0x49: {  	_ =	shalt  }
0x4a: {  	_ =	shalt  }
0x4b: {  	_ =	shalt  }
0x4c: {  	_ =	shalt  }
0x4d: {  	_ =	shalt  }
0x4e: {  	_ =	shalt  }
0x4f: {  	_ =	shalt  }
0x50: {  	_ =	shalt  }
0x51: {  	_ =	shalt  }
0x52: {  	_ =	shalt  }
0x53: {  	_ =	shalt  }
0x54: {  	_ =	shalt  }
0x55: {  	_ =	shalt  }
0x56: {  	_ =	shalt  }
0x57: {  	_ =	shalt  }
0x58: {  	_ =	shalt  }
0x59: {  	_ =	shalt  }
0x5a: {  	_ =	shalt  }
0x5b: {  	_ =	shalt  }
0x5c: {  	_ =	shalt  }
0x5d: {  	_ =	shalt  }
0x5e: {  	_ =	shalt  }
0x5f: {  	_ =	shalt  }
0x60: {  	_ =	shalt  }
0x61: {  	_ =	shalt  }
0x62: {  	_ =	shalt  }
0x63: {  	_ =	shalt  }
0x64: {  	_ =	shalt  }
0x65: {  	_ =	shalt  }
0x66: {  	_ =	shalt  }
0x67: {  	_ =	shalt  }
0x68: {  	_ =	shalt  }
0x69: {  	_ =	shalt  }
0x6a: {  	_ =	shalt  }
0x6b: {  	_ =	shalt  }
0x6c: {  	_ =	shalt  }
0x6d: {  	_ =	shalt  }
0x6e: {  	_ =	shalt  }
0x6f: {  	_ =	shalt  }
0x70: {  	_ =	shalt  }
0x71: {  	_ =	shalt  }
0x72: {  	_ =	shalt  }
0x73: {  	_ =	shalt  }
0x74: {  	_ =	shalt  }
0x75: {  	_ =	shalt  }
0x76: {  	_ =	shalt  }
0x77: {  	_ =	shalt  }
0x78: {  	_ =	shalt  }
0x79: {  	_ =	shalt  }
0x7a: {  	_ =	shalt  }
0x7b: {  	_ =	shalt  }
0x7c: {  	_ =	shalt  }
0x7d: {  	_ =	shalt  }
0x7e: {  	_ =	shalt  }
0x7f: {  	_ =	shalt  }
0x80: {  	_ =	shalt  }
0x81: {  	_ =	shalt  }
0x82: {  	_ =	shalt  }
0x83: {  	_ =	shalt  }
0x84: {  	_ =	shalt  }
0x85: {  	_ =	shalt  }
0x86: {  	_ =	shalt  }
0x87: {  	_ =	shalt  }
.Lfunc_end0:
.L_simem_size_0:
called_computation.2_lowered:
.L_overlay_start_0:
0x88: {  	s2 =	sld [smem:$0x3FD9]  }
0x89: {  	s3 =	sld [smem:$0x3FFE];
	_ =	sdelay $0x1  }
0x8a: {  	s1 =	srdreg.scid  }
0x8b: {  	s0 =	sand.u32 $0x1, s1  }
0x8c: {  	s16 =	sshll.u32 s0, $0xA;
	s2 =	sadd.s32 s3, s2  }
0x8d: {  	s2 =	sadd.s32 s2, s16  }
0x8e: {  	[smem:$0x3FB5] =	sst s2  }
0x8f: {  	_ = 	snop  }
0x90: {  	(tm) =	ssettm $0x1  }
0x91: {  	s17 =	sld [smem:$0x3FFB];
	_ =	sdelay $0x3  }
0x92: {  	_ =	strace s17  }
0x93: {  	s2 =	sld [smem:$0x3FFC];
	_ =	sdelay $0x3  }
0x94: {  	_ =	strace s2  }
0x95: {  	s2 =	sld [smem:$0x3FFD];
	_ =	sdelay $0x3  }
0x96: {  	_ =	strace s2  }
0x97: {  	_ =	strace $0x8FFFFFFF  }
0x98: {  	s18 =	sld [smem:$0x3FDB];
	_ =	sdelay $0x1  }
0x99: {  	s19 =	simm.s32 $_scs_section_size  }
0x9a: {  	s4 =	simm.s32 $_size__tile_overlayer_lowered;
	s5 =	simm.s32 $_tile_overlayer_lowered  }
0x9b: {  	s22 =	simm.s32 $0x1BFF;
	s21 =	sshll.u32 s5, $0x1;
	s2 =	sadd.s32 s19, s18  }
0x9c: {  	s6 =	simm.s32 $0x0;
	s20 =	sshll.u32 s4, $0x1;
	s4 =	sadd.s32 s21, s2  }
0x9d: {  	[timem:s6], [sflag:s22] =	dma.local [hbm:s4], s20  }
0x9e: {  	_ =	swait.ge [sflag:s22], s20  }
0x9f: {  	s3 =	ssub.s32 $0x0, s20;
	[sflag:s22] =	ssyncset.done $0x0  }
0xa0: {  	[sflag:s22] =	ssyncadd.s32 s3;
	_ =	sdelay $0x1  }
0xa1: {  	s23 =	simm.s32 $0x1B8B  }
0xa2: {  	_ =	swait.ge [sflag:s23], $0x1  }
0xa3: {  	[sflag:s23] =	ssyncset.done $0x0  }
0xa4: {  	s25 =	simm.s32 $0x1B8E;
	s24 =	sld [smem:$0x3FFE];
	[sflag:s23] =	ssyncadd.s32 $0xFFFFFFFF  }
0xa5: {  	s26 =	simm.s32 $execute0_lowered;
	[smem:$0x3FD2] =	sst s25  }
0xa6: {  	s4 =	sshll.u32 s26, $0x1;
	_ =	strace $0x8000004C;
	[dreg:$0x1] =	wrdreg $0xFFFFFFFF  }
0xa7: {  	s28 =	simm.s32 $_size_execute0_lowered;
	s2 =	sadd.s32 s2, s4;
	[dreg:$0x0] =	wrdreg $0x0  }
0xa8: {  	s4 =	sshll.u32 s28, $0x1;
	[dreg:$0x2] =	wrdreg s2  }
0xa9: {  	[dreg:$0x3] =	wrdreg s4  }
0xaa: {  	[dreg:$0x4] =	wrdreg $0xC0  }
0xab: {  	_ =	task [dreg:s6], $0x5FFFF  }
0xac: {  	[dreg:$0x1] =	wrdreg $0xFFFFFFFF  }
0xad: {  	[dreg:$0x0] =	wrdreg $0x60  }
0xae: {  	[dreg:$0x2] =	wrdreg s24  }
0xaf: {  	[dreg:$0x3] =	wrdreg $0x9  }
0xb0: {  	_ =	task.clear_ibuf [dreg:s6], $0x4FFFF;
	_ =	strace $0x9000004C  }
0xb1: {  	s29 =	simm.s32 $0x9;
	_ =	strace $0x8000004E  }
0xb2: {  	_ =	swait.ge [sflag:s29], $0x1  }
0xb3: {  	[sflag:s29] =	ssyncadd.s32 $0xFFFFFFFF  }
0xb4: {  	_ =	strace $0x9000004E  }
0xb5: {  	_ =	sfence  }
0xb6: {  	s30 =	sld [smem:$0x0];
	_ =	sdelay $0x2  }
0xb7: {  	s31 =	sshll.u32 s1, $0xD;
	s1 =	sshrl.u32 s1, $0x2  }
0xb8: {  	s3 =	sand.u32 $0x4000, s31;
	s1 =	sadd.s32 s1, s30  }
0xb9: {  	s0 =	sor.u32 s3, s0;
	s1 =	sshll.u32 s1, $0x11  }
0xba: {  	s0 =	sor.u32 s1, s0  }
0xbb: {  	s0 =	sadd.s32 $0x8F2B, s0  }
0xbc: {  	[sflag:s0] =	ssyncadd.remote.s32 $0x1  }
0xbd: {  	_ =	sfence.sel $0xFFFF  }
0xbe: {  	[dreg:$0x0] =	wrdreg $0xFFFFFFFF;
	(pc) =	sbr.abs _section_cstart, $3  }
0xbf: {  	[dreg:$0x1] =	wrdreg $0xFFFFFFFF  }
0xc0: {  	_ =	task.clear_ibuf [dreg:s6], $0x2FFFF;
	_ =	strace $0x9FFFFFFF  }
0xc1: {  	(tm) =	ssettm $0x7FFFFFFF  }
tec
execute0_lowered:
.L_overlay_start_1:
0x0: {  	(tag) =	ssettag $0x1  }
0x1: {  	s4 =	rddreg [dreg:$0x0]  }
0x2: {  	s0 =	rddreg [dreg:$0x1];
	s3 =	srdreg.scid  }
0x3: {  	s2 =	simm.s32 $0x0;
	s1 =	stileid.u32;
	s12 =	simm.s32 $0x2000  }
0x4: {  	s13 =	simm.s32 $0x6000;
	s14 =	simm.s32 $0xA000;
	s15 =	simm.s32 $0xE000  }
0x5: {  	s16 =	simm.s32 $0x1;
	s17 =	simm.s32 $0x2;
	s18 =	simm.s32 $0x3  }
0x6: {  	s19 =	simm.s32 $0x4;
	s20 =	simm.s32 $0x5;
	s21 =	simm.s32 $0x6  }
0x7: {  	s22 =	simm.s32 $0x7;
	s23 =	simm.s32 $0x8;
	s24 =	simm.s32 $0x0  }
0x8: {  	s5 =	sand.u32 $0x1, s3;
	[smem:$0x7FF] =	sst s2;
	s6 =	sshll.u32 s1, $0xB  }
0x9: {  	s3 =	sadd.s32 $0x5000, s4;
	s8 =	sshll.u32 s1, $0x15;
	s10 =	sadd.s32 $0x4D000, s4  }
0xa: {  	s7 =	sshll.u32 s5, $0xA;
	_ =	strace $0x8000004D;
	s26 =	ssub.s32 $0x2, s5  }
0xb: {  	s5 =	sshll.u32 s5, $0x14;
	s6 =	sor.u32 s7, s6;
	s9 =	sshrl.u32 s26, $0x1  }
0xc: {  	s8 =	sor.u32 s5, s8;
	s6 =	sadd.s32 s6, s4;
	s28 =	ssub.s32 s26, s9  }
0xd: {  	s29 =	sshrl.u32 s8, $0x3;
	s30 =	sor.u32 $0xC000, s8;
	s31 =	sor.u32 $0x8000, s8  }
0xe: {  	s8 =	sor.u32 $0x4000, s8;
	s4 =	sadd.s32 $0x45000, s6;
	s5 =	smax.u32 s28, $0x1  }
0xf: {  	s6 =	sadd.s32 s29, s10;
	s7 =	sshrl.u32 s30, $0x3;
	s9 =	sshrl.u32 s31, $0x3  }
0x10: {  	s11 =	sshrl.u32 s8, $0x3;
	s7 =	sadd.s32 s7, s10;
	s8 =	sadd.s32 s9, s10  }
0x11: {  	s9 =	sadd.s32 s11, s10;
	s10 =	simm.s32 $0x9;
	s11 =	simm.s32 $0x80  }
.LBB2_1:
0x12: {  	[tilespmem:s2], [sflag:$0x9] =	stream.linear.gather [hbm4b:s4+s2], $0x2000, $0x38;
	[tilespmem:$0x12000] =	vst v63  }
0x13: {  	_ =	swait.ge [sflag:s10], $0x2000  }
0x14: {  	[sflag:s10] =	ssyncset.done $0x0  }
0x15: {  	[sflag:s10] =	ssyncadd.s32 $0xFFFFE000  }
0x16: {  	[tilespmem:s12], [sflag:$0x1] =	stream.indirect.gather [hbm4b:s3+s11], $0x80, s2, s11, $0xb8;
	[tilespmem:$0x12000] =	vst v63  }
0x17: {  	s25 =	simm.s32 $0x80  }
0x18: {  	[tilespmem:s13], [sflag:$0x2] =	stream.indirect.gather [hbm4b:s3+s11], $0x80, s25, s11, $0xb8;
	[tilespmem:$0x12000] =	vst v63  }
0x19: {  	s31 =	simm.s32 $0x100  }
0x1a: {  	[tilespmem:s14], [sflag:$0x3] =	stream.indirect.gather [hbm4b:s3+s11], $0x80, s31, s11, $0xb8;
	[tilespmem:$0x12000] =	vst v63  }
0x1b: {  	s26 =	simm.s32 $0x180  }
0x1c: {  	[tilespmem:s15], [sflag:$0x4] =	stream.indirect.gather [hbm4b:s3+s11], $0x80, s26, s11, $0xb8;
	[tilespmem:$0x12000] =	vst v63  }
0x1d: {  	_ =	swait.ge [sflag:s16], $0x4000  }
0x1e: {  	[sflag:s16] =	ssyncset.done $0x0  }
0x1f: {  	s28 =	sadd.s32 $0x0, s6;
	[sflag:s16] =	ssyncadd.s32 $0xFFFFC000  }
0x20: {  	[hbm4b:s28+s2] =	stream.linear.scatter [tilespmem:s12], [sflag:$0x5], $0x4000, $0x38;
	[tilespmem:$0x12000] =	vst v63  }
0x21: {  	_ =	swait.ge [sflag:s17], $0x4000  }
0x22: {  	[sflag:s17] =	ssyncset.done $0x0  }
0x23: {  	s29 =	sadd.s32 $0x0, s9;
	[sflag:s17] =	ssyncadd.s32 $0xFFFFC000  }
0x24: {  	[hbm4b:s29+s2] =	stream.linear.scatter [tilespmem:s13], [sflag:$0x6], $0x4000, $0x38;
	[tilespmem:$0x12000] =	vst v63  }
0x25: {  	_ =	swait.ge [sflag:s18], $0x4000  }
0x26: {  	[sflag:s18] =	ssyncset.done $0x0  }
0x27: {  	s30 =	sadd.s32 $0x0, s8;
	[sflag:s18] =	ssyncadd.s32 $0xFFFFC000  }
0x28: {  	[hbm4b:s30+s2] =	stream.linear.scatter [tilespmem:s14], [sflag:$0x7], $0x4000, $0x38;
	[tilespmem:$0x12000] =	vst v63  }
0x29: {  	_ =	swait.ge [sflag:s19], $0x4000  }
0x2a: {  	[sflag:s19] =	ssyncset.done $0x0  }
0x2b: {  	s31 =	sadd.s32 $0x0, s7;
	[sflag:s19] =	ssyncadd.s32 $0xFFFFC000  }
0x2c: {  	[hbm4b:s31+s2] =	stream.linear.scatter [tilespmem:s15], [sflag:$0x8], $0x4000, $0x38;
	[tilespmem:$0x12000] =	vst v63  }
0x2d: {  	_ =	swait.ge [sflag:s20], $0x4000  }
0x2e: {  	[sflag:s20] =	ssyncset.done $0x0  }
0x2f: {  	[sflag:s20] =	ssyncadd.s32 $0xFFFFC000  }
0x30: {  	_ =	swait.ge [sflag:s21], $0x4000  }
0x31: {  	[sflag:s21] =	ssyncset.done $0x0  }
0x32: {  	[sflag:s21] =	ssyncadd.s32 $0xFFFFC000  }
0x33: {  	_ =	swait.ge [sflag:s22], $0x4000  }
0x34: {  	[sflag:s22] =	ssyncset.done $0x0  }
0x35: {  	[sflag:s22] =	ssyncadd.s32 $0xFFFFC000  }
0x36: {  	_ =	swait.ge [sflag:s23], $0x4000  }
0x37: {  	s25 =	simm.s32 $0x2000;
	s26 =	simm.s32 $0x0;
	[sflag:s23] =	ssyncset.done $0x0  }
.LBB2_2:
0x38: {  	p0 =	sne.s32 s25, $0x1E000;
	[sflag:s23] =	ssyncadd.s32 $0xFFFFC000;
	s26 =	sadd.s32 $0x200, s26  }
0x39: {  	[tilespmem:s12], [sflag:$0x1] =	stream.indirect.gather [hbm4b:s3+s11], $0x80, s26, s11, $0xb8;
	[tilespmem:$0x12000] =	vst v63  }
0x3a: {  	s29 =	smov.u32 s25;
	s25 =	sadd.s32 $0x2000, s25;
	s28 =	sadd.s32 $0x80, s26  }
0x3b: {  	[tilespmem:s13], [sflag:$0x2] =	stream.indirect.gather [hbm4b:s3+s11], $0x80, s28, s11, $0xb8;
	[tilespmem:$0x12000] =	vst v63  }
0x3c: {  	s28 =	sadd.s32 $0x100, s26  }
0x3d: {  	[tilespmem:s14], [sflag:$0x3] =	stream.indirect.gather [hbm4b:s3+s11], $0x80, s28, s11, $0xb8;
	[tilespmem:$0x12000] =	vst v63  }
0x3e: {  	s28 =	sadd.s32 $0x180, s26  }
0x3f: {  	[tilespmem:s15], [sflag:$0x4] =	stream.indirect.gather [hbm4b:s3+s11], $0x80, s28, s11, $0xb8;
	[tilespmem:$0x12000] =	vst v63  }
0x40: {  	_ =	swait.ge [sflag:s16], $0x4000  }
0x41: {  	[sflag:s16] =	ssyncset.done $0x0  }
0x42: {  	s28 =	sadd.s32 s29, s6;
	[sflag:s16] =	ssyncadd.s32 $0xFFFFC000  }
0x43: {  	[hbm4b:s28+s2] =	stream.linear.scatter [tilespmem:s12], [sflag:$0x5], $0x4000, $0x38;
	[tilespmem:$0x12000] =	vst v63  }
0x44: {  	_ =	swait.ge [sflag:s17], $0x4000  }
0x45: {  	[sflag:s17] =	ssyncset.done $0x0  }
0x46: {  	s28 =	sadd.s32 s29, s9;
	[sflag:s17] =	ssyncadd.s32 $0xFFFFC000  }
0x47: {  	[hbm4b:s28+s2] =	stream.linear.scatter [tilespmem:s13], [sflag:$0x6], $0x4000, $0x38;
	[tilespmem:$0x12000] =	vst v63  }
0x48: {  	_ =	swait.ge [sflag:s18], $0x4000  }
0x49: {  	[sflag:s18] =	ssyncset.done $0x0  }
0x4a: {  	s28 =	sadd.s32 s29, s8;
	[sflag:s18] =	ssyncadd.s32 $0xFFFFC000  }
0x4b: {  	[hbm4b:s28+s2] =	stream.linear.scatter [tilespmem:s14], [sflag:$0x7], $0x4000, $0x38;
	[tilespmem:$0x12000] =	vst v63  }
0x4c: {  	_ =	swait.ge [sflag:s19], $0x4000  }
0x4d: {  	[sflag:s19] =	ssyncset.done $0x0  }
0x4e: {  	s28 =	sadd.s32 s29, s7;
	[sflag:s19] =	ssyncadd.s32 $0xFFFFC000  }
0x4f: {  	[hbm4b:s28+s2] =	stream.linear.scatter [tilespmem:s15], [sflag:$0x8], $0x4000, $0x38;
	[tilespmem:$0x12000] =	vst v63  }
0x50: {  	_ =	swait.ge [sflag:s20], $0x4000  }
0x51: {  	[sflag:s20] =	ssyncset.done $0x0  }
0x52: {  	[sflag:s20] =	ssyncadd.s32 $0xFFFFC000  }
0x53: {  	_ =	swait.ge [sflag:s21], $0x4000  }
0x54: {  	[sflag:s21] =	ssyncset.done $0x0  }
0x55: {  	[sflag:s21] =	ssyncadd.s32 $0xFFFFC000  }
.Ltmp0:
0x56: {  	_ =	swait.ge [sflag:s22], $0x4000;
	(pc) =	sbr.rel @p0 .LBB2_2-.Ltmp0, $4  }
0x57: {  	[sflag:s22] =	ssyncset.done $0x0  }
0x58: {  	[sflag:s22] =	ssyncadd.s32 $0xFFFFC000  }
0x59: {  	_ =	swait.ge [sflag:s23], $0x4000  }
0x5a: {  	[sflag:s23] =	ssyncset.done $0x0  }
0x5b: {  	s24 =	sadd.s32 $0x1, s24  }
0x5c: {  	p0 =	sne.s32 s24, s5  }
.Ltmp1:
0x5d: {  	_ = 	snop;
	(pc) =	sbr.rel @p0 .LBB2_1-.Ltmp1, $2  }
0x5e: {  	_ =	sdelay $0x2  }
0x5f: {  	[sflag:s23] =	ssyncadd.s32 $0xFFFFC000  }
0x60: {  	_ =	sfence.sel $0x180000  }
0x61: {  	[bflag:$0x0] =	sbarrier.arrive $0xFFFF  }
0x62: {  	p0 =	sne.s32 s1, $0x0;
	_ =	strace $0x9000004D  }
0x63: {  	s0 =	sadd.s32 @!p0 $0x100000, s0;
	[bflag:$0x2] =	sbarrier.arrive $0xFFFF  }
0x64: {  	[sflag:s0] =	ssyncadd.tile.s32 @!p0 $0x1;
	_ =	shalt  }
.Lfunc_end2:
_tile_overlayer_lowered:
.L_overlay_start_2:
0x65: {  	(tag) =	ssettag $0x2  }
0x66: {  	s0 =	rddreg [dreg:$0x0];
	s2 =	stileid.u32  }
0x67: {  	s1 =	rddreg [dreg:$0x1];
	p0 =	sne.s32 s2, $0x0  }
0x68: {  	s3 =	rddreg [dreg:$0x2];
	[bflag:$0x3] =	sbarrier.arrive $0xFFFF;
	s2 =	simm.s32 @!p0 $0x1C09  }
0x69: {  	[timem:s3], [sflag:s2] =	dma.local @!p0 [hbm:s0], s1  }
0x6a: {  	s0 =	simm.s32 @!p0 $0x9  }
0x6b: {  	_ =	swait.ge @!p0 [sflag:s0], s1  }
0x6c: {  	s1 =	ssub.s32 @!p0 $0x0, s1;
	[sflag:s0] =	ssyncset.done @!p0 $0x0  }
0x6d: {  	[sflag:s0] =	ssyncadd.s32 @!p0 s1  }
0x6e: {  	[bflag:$0x3] =	sbarrier.arrive $0xFFFF  }
0x6f: {  	_ =	shalt  }

</sc_bundles>
